<compile_context>
chip_gen: v7x
topology: tpu7x:2x2x1
jax: 0.10.2.dev20260603
libtpu: 0.0.44.dev20260713+nightly
codegen_flags: <defaults>
</compile_context>

<pallas_src>
import functools
import math

import jax
import jax.numpy as jnp
from jax import lax
from jax.experimental import pallas as pl
from jax.experimental.pallas import tpu as pltpu
from jax.experimental.pallas import tpu_sc as plsc

S = 64.0
MARGIN = 0.5
COS_M = math.cos(MARGIN)
SIN_M = math.sin(MARGIN)
THETA = math.cos(math.pi - MARGIN)
SINMM = math.sin(math.pi - MARGIN) * MARGIN
C1 = S / math.log(2.0)

B_TC = 512
TC_BR = 32
SC_CW = 3456
SC_NBUF = 4
L16 = 16


def _tc_body(labels_ref, logits_ref, rowsum_ref, t_ref, *, V, BR):
    x = logits_ref[...]
    cols = lax.broadcasted_iota(jnp.int32, (BR, V), 1)
    lbl = labels_ref[...]
    safe_lbl = jnp.where(lbl < 0, 0, lbl)
    x = jnp.where(cols < V, x, -1.0)
    e = jnp.exp2(C1 * x - C1)
    rowsum_ref[...] = jnp.sum(e, axis=1, keepdims=True)
    t_ref[...] = jnp.sum(jnp.where(cols == safe_lbl, x, 0.0), axis=1, keepdims=True)


def _tc_pass(logits, labels_2d, Btc):
    B, V = logits.shape
    nsteps = Btc // TC_BR
    body = functools.partial(_tc_body, V=V, BR=TC_BR)
    return pl.pallas_call(
        body,
        grid=(nsteps,),
        in_specs=[
            pl.BlockSpec((TC_BR, 1), lambda i: (i, 0)),
            pl.BlockSpec((TC_BR, V), lambda i: (i, 0)),
        ],
        out_specs=[
            pl.BlockSpec((TC_BR, 1), lambda i: (i, 0)),
            pl.BlockSpec((TC_BR, 1), lambda i: (i, 0)),
        ],
        out_shape=[
            jax.ShapeDtypeStruct((Btc, 1), jnp.float32),
            jax.ShapeDtypeStruct((Btc, 1), jnp.float32),
        ],
    )(labels_2d, logits)


def _make_sc_dense(B, V, r_start, num_cores, num_subcores):
    nw = num_cores * num_subcores
    R_sc = B - r_start
    rows_per_tec = R_sc // nw
    slabs = rows_per_tec // 8
    assert rows_per_tec % 8 == 0 and R_sc % nw == 0
    nch = V // SC_CW
    assert nch % SC_NBUF == 0
    rem = V - nch * SC_CW
    mid_w = (rem // 128) * 128
    mid0 = nch * SC_CW
    tail0 = mid0 + mid_w
    tailw = V - tail0
    gpc = SC_CW // L16

    mesh = plsc.VectorSubcoreMesh(core_axis_name="c", subcore_axis_name="s")

    @functools.partial(
        pl.kernel,
        out_type=(
            jax.ShapeDtypeStruct((R_sc, L16), jnp.float32),
            jax.ShapeDtypeStruct((R_sc, L16), jnp.float32),
        ),
        mesh=mesh,
        scratch_types=[
            [pltpu.VMEM((8, SC_CW), jnp.float32) for _ in range(SC_NBUF)],
            pltpu.VMEM((8, tailw), jnp.float32),
            pltpu.VMEM((8, 8, 128), jnp.float32),
            pltpu.VMEM((8, L16), jnp.float32),
            pltpu.VMEM((8, L16), jnp.float32),
            pltpu.VMEM((((rows_per_tec + L16 - 1) // L16) * L16 + L16,), jnp.int32),
            [pltpu.SemaphoreType.DMA for _ in range(SC_NBUF)],
            pltpu.SemaphoreType.DMA,
        ],
        compiler_params=pltpu.CompilerParams(use_tc_tiling_on_sc=True),
    )
    def sc_dense(
        labels_hbm,
        logits_hbm,
        part_hbm,
        tpart_hbm,
        bufs,
        tail_v,
        ttile_v,
        acc_v,
        tacc_v,
        lbl_v,
        sems,
        sem_t,
    ):
        wid = lax.axis_index("s") * num_cores + lax.axis_index("c")
        my_lbl0 = wid * rows_per_tec
        pltpu.sync_copy(
            labels_hbm.at[pl.ds(r_start + my_lbl0, rows_per_tec)],
            lbl_v.at[pl.ds(0, rows_per_tec)],
        )
        lane16 = lax.iota(jnp.int32, L16)

        def slab_body(sl, _):
            r0 = r_start + (wid * slabs + sl) * 8
            o0 = (wid * slabs + sl) * 8

            lblvec = lbl_v[pl.ds(sl * 8, L16)]
            safe_cols = []
            for r in range(8):
                lbl_r = lblvec[r]
                lbl_r = jnp.where(lbl_r < 0, 0, lbl_r)
                safe_cols.append(lbl_r)
                cw0 = (lbl_r // 128) * 128
                pltpu.make_async_copy(
                    logits_hbm.at[pl.ds(r0, 8), pl.ds(cw0, 128)],
                    ttile_v.at[r],
                    sem_t,
                ).start()

            def chunk_src(c):
                return logits_hbm.at[pl.ds(r0, 8), pl.ds(c * SC_CW, SC_CW)]

            for b in range(SC_NBUF):
                pltpu.make_async_copy(chunk_src(b), bufs[b], sems[b]).start()

            def accumulate(buf, ngroups, accs):
                def inner(g, a):
                    out = []
                    for r in range(8):
                        v = buf[r, pl.ds(g * L16, L16)]
                        out.append(a[r] + jnp.exp(S * v - S))
                    return tuple(out)

                return lax.fori_loop(0, ngroups, inner, accs)

            def ring_body(k, accs):
                for b in range(SC_NBUF):
                    c = SC_NBUF * k + b
                    pltpu.make_async_copy(chunk_src(c), bufs[b], sems[b]).wait()
                    accs = accumulate(bufs[b], gpc, accs)

                    @pl.when(c + SC_NBUF < nch)
                    def _():
                        pltpu.make_async_copy(
                            chunk_src(c + SC_NBUF), bufs[b], sems[b]
                        ).start()

                return accs

            accs = tuple(jnp.zeros((L16,), jnp.float32) for _ in range(8))
            accs = lax.fori_loop(0, nch // SC_NBUF, ring_body, accs)

            if mid_w:
                mid_dst = bufs[0].at[pl.ds(0, 8), pl.ds(0, mid_w)]
                pltpu.sync_copy(
                    logits_hbm.at[pl.ds(r0, 8), pl.ds(mid0, mid_w)], mid_dst
                )
                accs = accumulate(bufs[0], mid_w // L16, accs)

            if tailw:
                pltpu.sync_copy(
                    logits_hbm.at[pl.ds(r0, 8), pl.ds(tail0, tailw)], tail_v
                )
                accs = list(accs)
                for g in range(tailw // L16):
                    for r in range(8):
                        v = tail_v[r, pl.ds(g * L16, L16)]
                        accs[r] = accs[r] + jnp.exp(S * v - S)

            for r in range(8):
                acc_v[r, :] = accs[r]

            for r in range(8):
                pltpu.make_async_copy(
                    logits_hbm.at[pl.ds(r0, 8), pl.ds(0, 128)],
                    ttile_v.at[r],
                    sem_t,
                ).wait()
            for r in range(8):
                lbl_r = safe_cols[r]
                lane = lbl_r % 128
                g = (lane // L16) * L16
                vec = ttile_v[r, r, pl.ds(g, L16)]
                tacc_v[r, :] = jnp.where(lane16 == lane % L16, vec, 0.0)

            pltpu.sync_copy(acc_v, part_hbm.at[pl.ds(o0, 8), :])
            pltpu.sync_copy(tacc_v, tpart_hbm.at[pl.ds(o0, 8), :])
            return 0

        lax.fori_loop(0, slabs, slab_body, 0)

    return sc_dense


def _loss_terms(rowsum, t, labels):
    sin_t = jnp.sqrt(jnp.maximum(1.0 - t * t, 0.0))
    new_t = jnp.where(t > THETA, t * COS_M - sin_t * SIN_M, t - SINMM)
    new_t = jnp.where(labels != -1, new_t, t)
    adj = rowsum - jnp.exp2(C1 * t - C1) + jnp.exp2(C1 * new_t - C1)
    adj = jnp.maximum(adj, 1e-35)
    lse = S + jnp.log(adj)
    return jnp.sum(lse - S * new_t)


def _combine_body(rs_tc_ref, t_tc_ref, part_ref, tpart_ref, labels_ref, out_ref, *, B):
    btc = rs_tc_ref.shape[0]
    tot = _loss_terms(rs_tc_ref[...], t_tc_ref[...], labels_ref[0:btc, :])
    rs_sc = jnp.sum(part_ref[...], axis=1, keepdims=True)
    t_sc = jnp.sum(tpart_ref[...], axis=1, keepdims=True)
    tot += _loss_terms(rs_sc, t_sc, labels_ref[btc:, :])
    out_ref[0, 0] = tot * (1.0 / B)


def kernel(logits, labels):
    B, V = logits.shape
    labels_i32 = labels.astype(jnp.int32)
    labels_2d = labels_i32.reshape(B, 1)
    info = plsc.get_sparse_core_info()

    sc_dense = _make_sc_dense(B, V, B_TC, info.num_cores, info.num_subcores)
    part, tpart = sc_dense(labels_i32, logits)
    rs_tc, t_tc = _tc_pass(logits, labels_2d, B_TC)

    out = pl.pallas_call(
        functools.partial(_combine_body, B=B),
        out_specs=pl.BlockSpec(memory_space=pltpu.SMEM),
        out_shape=jax.ShapeDtypeStruct((1, 1), jnp.float32),
    )(rs_tc, t_tc, part, tpart, labels_2d)
    return out[0, 0]

# --- scband reference (transcript-rebuilt; emitter-appended) ---
"""Pipeline reference for scband-arc-face-81724637708467 (READ-ONLY COPY).

The authoritative reference and input builder live on the scoring server;
editing this copy changes nothing except your own understanding.
"""

import math
import jax, jax.numpy as jnp
import numpy as np

S = 64.0
MARGIN = 0.5
COS_M = math.cos(MARGIN)
SIN_M = math.sin(MARGIN)
THETA = math.cos(math.pi - MARGIN)
SINMM = math.sin(math.pi - MARGIN) * MARGIN


def setup_inputs(seed: int = 0) -> dict:
    key = jax.random.key(seed)
    k1, k2 = jax.random.split(key)
    # logits are cosine similarities, must lie in [-1, 1]; uniform [0,1) keeps sqrt(1-t^2) valid
    logits = jax.random.uniform(k1, (1024, 100000), dtype=jnp.float32)
    labels = jax.random.randint(k2, (1024,), 0, 100000, dtype=jnp.int64)
    return {"logits": logits, "labels": labels}


def reference(logits, labels):
    B = logits.shape[0]
    rows = jnp.arange(B)
    valid = labels != -1
    safe_labels = jnp.where(valid, labels, 0)
    target_logit = logits[rows, safe_labels]
    sin_theta = jnp.sqrt(1.0 - jnp.power(target_logit, 2))
    cos_theta_m = target_logit * COS_M - sin_theta * SIN_M
    # easy_margin = False branch
    final_target_logit = jnp.where(target_logit > THETA, cos_theta_m, target_logit - SINMM)
    # only overwrite rows with valid labels (mirrors index = where(labels != -1))
    new_val = jnp.where(valid, final_target_logit, target_logit)
    logits = logits.at[rows, safe_labels].set(new_val)
    logits = logits * S
    # CrossEntropyLoss(reduction='mean') over all rows (all labels valid here)
    lse = jax.scipy.special.logsumexp(logits, axis=1)
    picked = logits[rows, safe_labels]
    loss = jnp.mean(lse - picked)
    return loss

if __name__ == "__main__":
    import jax
    _d = setup_inputs()
    print(jax.jit(kernel)(*tuple(_d.values())))

</pallas_src>

<mosaic_0001>
#map = affine_map<(d0, d1) -> (0)>
#map1 = affine_map<(d0, d1) -> (0, 0)>
module attributes {stable_mosaic.version = 14 : i64} {
  func.func @sc_dense(%arg0: i32, %arg1: i32, %arg2: memref<1024xi32, #tpu.memory_space<hbm>>, %arg3: memref<1024x100000xf32, #tpu.memory_space<hbm>>, %arg4: memref<512x16xf32, #tpu.memory_space<hbm>>, %arg5: memref<512x16xf32, #tpu.memory_space<hbm>>, %arg6: memref<8x3456xf32, #tpu.memory_space<vmem>>, %arg7: memref<8x3456xf32, #tpu.memory_space<vmem>>, %arg8: memref<8x3456xf32, #tpu.memory_space<vmem>>, %arg9: memref<8x3456xf32, #tpu.memory_space<vmem>>, %arg10: memref<8x32xf32, #tpu.memory_space<vmem>>, %arg11: memref<8x8x128xf32, #tpu.memory_space<vmem>>, %arg12: memref<8x16xf32, #tpu.memory_space<vmem>>, %arg13: memref<8x16xf32, #tpu.memory_space<vmem>>, %arg14: memref<32xi32, #tpu.memory_space<vmem>>, %arg15: memref<!tpu.dma_semaphore, #tpu.memory_space<semaphore_mem>>, %arg16: memref<!tpu.dma_semaphore, #tpu.memory_space<semaphore_mem>>, %arg17: memref<!tpu.dma_semaphore, #tpu.memory_space<semaphore_mem>>, %arg18: memref<!tpu.dma_semaphore, #tpu.memory_space<semaphore_mem>>, %arg19: memref<!tpu.dma_semaphore, #tpu.memory_space<semaphore_mem>>) attributes {dimension_semantics = [#tpu.dimension_semantics<core_parallel>, #tpu.dimension_semantics<subcore_parallel>], iteration_bounds = array<i64: 2, 16>, scalar_prefetch = 0 : i64, scratch_operands = 14 : i64, tpu.core_type = #tpu.core_type<sc_vector_subcore>, window_params = [{transform_indices = #map}, {transform_indices = #map1}, {transform_indices = #map1}, {transform_indices = #map1}]} {
    %mul3A = arith.constant 2 : i32
    %mul3A_0 = arith.muli %arg1, %mul3A : i32
    %add3A = arith.addi %mul3A_0, %arg0 : i32
    %mul3A_1 = arith.constant 16 : i32
    %mul3A_2 = arith.muli %add3A, %mul3A_1 : i32
    %add3A_3 = arith.constant 512 : i32
    %add3A_4 = arith.addi %add3A_3, %mul3A_2 : i32
    "tpu.region"() ({
      %run_scoped3A = tpu.sem_alloc : memref<!tpu.dma_semaphore, #tpu.memory_space<semaphore_mem>>
      %dma_start3A = arith.constant 0 : i32
      %dma_start3A_11 = tpu.memref_slice %arg14[%dma_start3A] : memref<32xi32, #tpu.memory_space<vmem>> -> memref<16xi32, #tpu.memory_space<vmem>>
      %dma_start3A_12 = tpu.memref_slice %arg2[%add3A_4] : memref<1024xi32, #tpu.memory_space<hbm>> -> memref<16xi32, #tpu.memory_space<hbm>>
      %dma_start3A_13 = arith.constant 0 : i32
      %dma_start3A_14 = tpu.memref_slice %arg14[%dma_start3A_13] : memref<32xi32, #tpu.memory_space<vmem>> -> memref<16xi32, #tpu.memory_space<vmem>>
      %dma_start3A_15 = tpu.memref_slice %arg2[%add3A_4] : memref<1024xi32, #tpu.memory_space<hbm>> -> memref<16xi32, #tpu.memory_space<hbm>>
      tpu.enqueue_dma source(%dma_start3A_15 : memref<16xi32, #tpu.memory_space<hbm>>) target(%dma_start3A_14 : memref<16xi32, #tpu.memory_space<vmem>>) target_semaphore(%run_scoped3A : memref<!tpu.dma_semaphore, #tpu.memory_space<semaphore_mem>>)
      %dma_wait3A = arith.constant 0 : i32
      %dma_wait3A_16 = tpu.memref_slice %arg14[%dma_wait3A] : memref<32xi32, #tpu.memory_space<vmem>> -> memref<16xi32, #tpu.memory_space<vmem>>
      %dma_wait3A_17 = tpu.memref_slice %arg2[%add3A_4] : memref<1024xi32, #tpu.memory_space<hbm>> -> memref<16xi32, #tpu.memory_space<hbm>>
      %dma_wait3A_18 = arith.constant 0 : i32
      %dma_wait3A_19 = tpu.memref_slice %arg14[%dma_wait3A_18] : memref<32xi32, #tpu.memory_space<vmem>> -> memref<16xi32, #tpu.memory_space<vmem>>
      %dma_wait3A_20 = tpu.memref_slice %arg2[%add3A_4] : memref<1024xi32, #tpu.memory_space<hbm>> -> memref<16xi32, #tpu.memory_space<hbm>>
      tpu.wait_dma2 semaphore(%run_scoped3A : memref<!tpu.dma_semaphore, #tpu.memory_space<semaphore_mem>>) src(%dma_wait3A_20 : memref<16xi32, #tpu.memory_space<hbm>>) dst(%dma_wait3A_19 : memref<16xi32, #tpu.memory_space<vmem>>)
      tpu.yield
    }) : () -> ()
    %iota3A = tpu.iota {dimensions = array<i32: 0>} : vector<16xi32>
    %scan3A = arith.constant 0 : i32
    %scan3A_5 = arith.constant 0 : i32
    %scan3A_6 = arith.constant 2 : i32
    %scan3A_7 = arith.addi %scan3A_5, %scan3A_6 : i32
    %scan3A_8 = arith.constant 1 : i32
    %scan3A_9 = scf.for %scan3A_11 = %scan3A_5 to %scan3A_7 step %scan3A_8 iter_args(%scan3A_12 = %scan3A) -> (i32)  : i32 {
      %mul3A_13 = arith.constant 2 : i32
      %mul3A_14 = arith.muli %add3A, %mul3A_13 : i32
      %add3A_15 = arith.addi %mul3A_14, %scan3A_11 : i32
      %mul3A_16 = arith.constant 8 : i32
      %mul3A_17 = arith.muli %add3A_15, %mul3A_16 : i32
      %add3A_18 = arith.constant 512 : i32
      %add3A_19 = arith.addi %add3A_18, %mul3A_17 : i32
      %mul3A_20 = arith.constant 2 : i32
      %mul3A_21 = arith.muli %add3A, %mul3A_20 : i32
      %add3A_22 = arith.addi %mul3A_21, %scan3A_11 : i32
      %mul3A_23 = arith.constant 8 : i32
      %mul3A_24 = arith.muli %add3A_22, %mul3A_23 : i32
      %mul3A_25 = arith.constant 8 : i32
      %mul3A_26 = arith.muli %scan3A_11, %mul3A_25 : i32
      %get3A = arith.index_cast %mul3A_26 : i32 to index
      %get3A_27 = tpu.vector_load %arg14[%get3A] {strides = array<i32>} : memref<32xi32, #tpu.memory_space<vmem>>, vector<16xi32>,
      %get3A_28 = vector.shape_cast %get3A_27 : vector<16xi32> to vector<16xi32>
      %slice3A = vector.extract_strided_slice %get3A_28 {offsets = [0], sizes = [1], strides = [1]} : vector<16xi32> to vector<1xi32>
      %squeeze3A = vector.extract %slice3A[0] : i32 from vector<1xi32>
      %lt3A = arith.constant 0 : i32
      %lt3A_29 = arith.cmpi slt, %squeeze3A, %lt3A : i32
      %jit3A = arith.constant 0 : i32
      %select_n3A = arith.select %lt3A_29, %jit3A, %squeeze3A : i32
      %jit3A_30 = arith.constant 128 : i32
      %div3A = arith.divsi %select_n3A, %jit3A_30 : i32
      %sign3A = arith.constant 0 : i32
      %sign3A_31 = arith.cmpi sgt, %select_n3A, %sign3A : i32
      %sign3A_32 = arith.extui %sign3A_31 : i1 to i32
      %sign3A_33 = arith.constant 0 : i32
      %sign3A_34 = arith.cmpi slt, %select_n3A, %sign3A_33 : i32
      %sign3A_35 = arith.extui %sign3A_34 : i1 to i32
      %sign3A_36 = arith.subi %sign3A_32, %sign3A_35 : i32
      %sign3A_37 = arith.constant 0 : i32
      %sign3A_38 = arith.cmpi sgt, %jit3A_30, %sign3A_37 : i32
      %sign3A_39 = arith.extui %sign3A_38 : i1 to i32
      %sign3A_40 = arith.constant 0 : i32
      %sign3A_41 = arith.cmpi slt, %jit3A_30, %sign3A_40 : i32
      %sign3A_42 = arith.extui %sign3A_41 : i1 to i32
      %sign3A_43 = arith.subi %sign3A_39, %sign3A_42 : i32
      %ne3A = arith.cmpi ne, %sign3A_36, %sign3A_43 : i32
      %rem3A = arith.remsi %select_n3A, %jit3A_30 : i32
      %ne3A_44 = arith.constant 0 : i32
      %ne3A_45 = arith.cmpi ne, %rem3A, %ne3A_44 : i32
      %and3A = arith.andi %ne3A, %ne3A_45 : i1
      %sub3A = arith.constant 1 : i32
      %sub3A_46 = arith.subi %div3A, %sub3A : i32
      %select_n3A_47 = arith.select %and3A, %sub3A_46, %div3A : i32
      %mul3A_48 = arith.constant 128 : i32
      %mul3A_49 = arith.muli %select_n3A_47, %mul3A_48 : i32
      %dma_start3A = arith.constant 0 : i32
      %dma_start3A_50 = arith.constant 0 : i32
      %dma_start3A_51 = arith.constant 0 : i32
      %dma_start3A_52 = tpu.memref_slice %arg11[%dma_start3A, %dma_start3A_50, %dma_start3A_51] : memref<8x8x128xf32, #tpu.memory_space<vmem>> -> memref<1x8x128xf32, #tpu.memory_space<vmem>>
      %dma_start3A_53 = tpu.memref_squeeze %dma_start3A_52 : memref<1x8x128xf32, #tpu.memory_space<vmem>> -> memref<8x128xf32, #tpu.memory_space<vmem>>
      %dma_start3A_54 = tpu.memref_slice %arg3[%add3A_19, %mul3A_49] : memref<1024x100000xf32, #tpu.memory_space<hbm>> -> memref<8x128xf32, #tpu.memory_space<hbm>>
      %dma_start3A_55 = arith.constant 0 : i32
      %dma_start3A_56 = arith.constant 0 : i32
      %dma_start3A_57 = tpu.memref_slice %arg11[%dma_start3A, %dma_start3A_55, %dma_start3A_56] : memref<8x8x128xf32, #tpu.memory_space<vmem>> -> memref<1x8x128xf32, #tpu.memory_space<vmem>>
      %dma_start3A_58 = tpu.memref_squeeze %dma_start3A_57 : memref<1x8x128xf32, #tpu.memory_space<vmem>> -> memref<8x128xf32, #tpu.memory_space<vmem>>
      %dma_start3A_59 = tpu.memref_slice %arg3[%add3A_19, %mul3A_49] : memref<1024x100000xf32, #tpu.memory_space<hbm>> -> memref<8x128xf32, #tpu.memory_space<hbm>>
      tpu.enqueue_dma source(%dma_start3A_59 : memref<8x128xf32, #tpu.memory_space<hbm>>) target(%dma_start3A_58 : memref<8x128xf32, #tpu.memory_space<vmem>>) target_semaphore(%arg19 : memref<!tpu.dma_semaphore, #tpu.memory_space<semaphore_mem>>)
      %slice3A_60 = vector.extract_strided_slice %get3A_28 {offsets = [1], sizes = [1], strides = [1]} : vector<16xi32> to vector<1xi32>
      %squeeze3A_61 = vector.extract %slice3A_60[0] : i32 from vector<1xi32>
      %lt3A_62 = arith.constant 0 : i32
      %lt3A_63 = arith.cmpi slt, %squeeze3A_61, %lt3A_62 : i32
      %jit3A_64 = arith.constant 0 : i32
      %select_n3A_65 = arith.select %lt3A_63, %jit3A_64, %squeeze3A_61 : i32
      %jit3A_66 = arith.constant 128 : i32
      %div3A_67 = arith.divsi %select_n3A_65, %jit3A_66 : i32
      %sign3A_68 = arith.constant 0 : i32
      %sign3A_69 = arith.cmpi sgt, %select_n3A_65, %sign3A_68 : i32
      %sign3A_70 = arith.extui %sign3A_69 : i1 to i32
      %sign3A_71 = arith.constant 0 : i32
      %sign3A_72 = arith.cmpi slt, %select_n3A_65, %sign3A_71 : i32
      %sign3A_73 = arith.extui %sign3A_72 : i1 to i32
      %sign3A_74 = arith.subi %sign3A_70, %sign3A_73 : i32
      %sign3A_75 = arith.constant 0 : i32
      %sign3A_76 = arith.cmpi sgt, %jit3A_66, %sign3A_75 : i32
      %sign3A_77 = arith.extui %sign3A_76 : i1 to i32
      %sign3A_78 = arith.constant 0 : i32
      %sign3A_79 = arith.cmpi slt, %jit3A_66, %sign3A_78 : i32
      %sign3A_80 = arith.extui %sign3A_79 : i1 to i32
      %sign3A_81 = arith.subi %sign3A_77, %sign3A_80 : i32
      %ne3A_82 = arith.cmpi ne, %sign3A_74, %sign3A_81 : i32
      %rem3A_83 = arith.remsi %select_n3A_65, %jit3A_66 : i32
      %ne3A_84 = arith.constant 0 : i32
      %ne3A_85 = arith.cmpi ne, %rem3A_83, %ne3A_84 : i32
      %and3A_86 = arith.andi %ne3A_82, %ne3A_85 : i1
      %sub3A_87 = arith.constant 1 : i32
      %sub3A_88 = arith.subi %div3A_67, %sub3A_87 : i32
      %select_n3A_89 = arith.select %and3A_86, %sub3A_88, %div3A_67 : i32
      %mul3A_90 = arith.constant 128 : i32
      %mul3A_91 = arith.muli %select_n3A_89, %mul3A_90 : i32
      %dma_start3A_92 = arith.constant 1 : i32
      %dma_start3A_93 = arith.constant 0 : i32
      %dma_start3A_94 = arith.constant 0 : i32
      %dma_start3A_95 = tpu.memref_slice %arg11[%dma_start3A_92, %dma_start3A_93, %dma_start3A_94] : memref<8x8x128xf32, #tpu.memory_space<vmem>> -> memref<1x8x128xf32, #tpu.memory_space<vmem>>
      %dma_start3A_96 = tpu.memref_squeeze %dma_start3A_95 : memref<1x8x128xf32, #tpu.memory_space<vmem>> -> memref<8x128xf32, #tpu.memory_space<vmem>>
      %dma_start3A_97 = tpu.memref_slice %arg3[%add3A_19, %mul3A_91] : memref<1024x100000xf32, #tpu.memory_space<hbm>> -> memref<8x128xf32, #tpu.memory_space<hbm>>
      %dma_start3A_98 = arith.constant 0 : i32
      %dma_start3A_99 = arith.constant 0 : i32
      %dma_start3A_100 = tpu.memref_slice %arg11[%dma_start3A_92, %dma_start3A_98, %dma_start3A_99] : memref<8x8x128xf32, #tpu.memory_space<vmem>> -> memref<1x8x128xf32, #tpu.memory_space<vmem>>
      %dma_start3A_101 = tpu.memref_squeeze %dma_start3A_100 : memref<1x8x128xf32, #tpu.memory_space<vmem>> -> memref<8x128xf32, #tpu.memory_space<vmem>>
      %dma_start3A_102 = tpu.memref_slice %arg3[%add3A_19, %mul3A_91] : memref<1024x100000xf32, #tpu.memory_space<hbm>> -> memref<8x128xf32, #tpu.memory_space<hbm>>
      tpu.enqueue_dma source(%dma_start3A_102 : memref<8x128xf32, #tpu.memory_space<hbm>>) target(%dma_start3A_101 : memref<8x128xf32, #tpu.memory_space<vmem>>) target_semaphore(%arg19 : memref<!tpu.dma_semaphore, #tpu.memory_space<semaphore_mem>>)
      %slice3A_103 = vector.extract_strided_slice %get3A_28 {offsets = [2], sizes = [1], strides = [1]} : vector<16xi32> to vector<1xi32>
      %squeeze3A_104 = vector.extract %slice3A_103[0] : i32 from vector<1xi32>
      %lt3A_105 = arith.constant 0 : i32
      %lt3A_106 = arith.cmpi slt, %squeeze3A_104, %lt3A_105 : i32
      %jit3A_107 = arith.constant 0 : i32
      %select_n3A_108 = arith.select %lt3A_106, %jit3A_107, %squeeze3A_104 : i32
      %jit3A_109 = arith.constant 128 : i32
      %div3A_110 = arith.divsi %select_n3A_108, %jit3A_109 : i32
      %sign3A_111 = arith.constant 0 : i32
      %sign3A_112 = arith.cmpi sgt, %select_n3A_108, %sign3A_111 : i32
      %sign3A_113 = arith.extui %sign3A_112 : i1 to i32
      %sign3A_114 = arith.constant 0 : i32
      %sign3A_115 = arith.cmpi slt, %select_n3A_108, %sign3A_114 : i32
      %sign3A_116 = arith.extui %sign3A_115 : i1 to i32
      %sign3A_117 = arith.subi %sign3A_113, %sign3A_116 : i32
      %sign3A_118 = arith.constant 0 : i32
      %sign3A_119 = arith.cmpi sgt, %jit3A_109, %sign3A_118 : i32
      %sign3A_120 = arith.extui %sign3A_119 : i1 to i32
      %sign3A_121 = arith.constant 0 : i32
      %sign3A_122 = arith.cmpi slt, %jit3A_109, %sign3A_121 : i32
      %sign3A_123 = arith.extui %sign3A_122 : i1 to i32
      %sign3A_124 = arith.subi %sign3A_120, %sign3A_123 : i32
      %ne3A_125 = arith.cmpi ne, %sign3A_117, %sign3A_124 : i32
      %rem3A_126 = arith.remsi %select_n3A_108, %jit3A_109 : i32
      %ne3A_127 = arith.constant 0 : i32
      %ne3A_128 = arith.cmpi ne, %rem3A_126, %ne3A_127 : i32
      %and3A_129 = arith.andi %ne3A_125, %ne3A_128 : i1
      %sub3A_130 = arith.constant 1 : i32
      %sub3A_131 = arith.subi %div3A_110, %sub3A_130 : i32
      %select_n3A_132 = arith.select %and3A_129, %sub3A_131, %div3A_110 : i32
      %mul3A_133 = arith.constant 128 : i32
      %mul3A_134 = arith.muli %select_n3A_132, %mul3A_133 : i32
      %dma_start3A_135 = arith.constant 2 : i32
      %dma_start3A_136 = arith.constant 0 : i32
      %dma_start3A_137 = arith.constant 0 : i32
      %dma_start3A_138 = tpu.memref_slice %arg11[%dma_start3A_135, %dma_start3A_136, %dma_start3A_137] : memref<8x8x128xf32, #tpu.memory_space<vmem>> -> memref<1x8x128xf32, #tpu.memory_space<vmem>>
      %dma_start3A_139 = tpu.memref_squeeze %dma_start3A_138 : memref<1x8x128xf32, #tpu.memory_space<vmem>> -> memref<8x128xf32, #tpu.memory_space<vmem>>
      %dma_start3A_140 = tpu.memref_slice %arg3[%add3A_19, %mul3A_134] : memref<1024x100000xf32, #tpu.memory_space<hbm>> -> memref<8x128xf32, #tpu.memory_space<hbm>>
      %dma_start3A_141 = arith.constant 0 : i32
      %dma_start3A_142 = arith.constant 0 : i32
      %dma_start3A_143 = tpu.memref_slice %arg11[%dma_start3A_135, %dma_start3A_141, %dma_start3A_142] : memref<8x8x128xf32, #tpu.memory_space<vmem>> -> memref<1x8x128xf32, #tpu.memory_space<vmem>>
      %dma_start3A_144 = tpu.memref_squeeze %dma_start3A_143 : memref<1x8x128xf32, #tpu.memory_space<vmem>> -> memref<8x128xf32, #tpu.memory_space<vmem>>
      %dma_start3A_145 = tpu.memref_slice %arg3[%add3A_19, %mul3A_134] : memref<1024x100000xf32, #tpu.memory_space<hbm>> -> memref<8x128xf32, #tpu.memory_space<hbm>>
      tpu.enqueue_dma source(%dma_start3A_145 : memref<8x128xf32, #tpu.memory_space<hbm>>) target(%dma_start3A_144 : memref<8x128xf32, #tpu.memory_space<vmem>>) target_semaphore(%arg19 : memref<!tpu.dma_semaphore, #tpu.memory_space<semaphore_mem>>)
      %slice3A_146 = vector.extract_strided_slice %get3A_28 {offsets = [3], sizes = [1], strides = [1]} : vector<16xi32> to vector<1xi32>
      %squeeze3A_147 = vector.extract %slice3A_146[0] : i32 from vector<1xi32>
      %lt3A_148 = arith.constant 0 : i32
      %lt3A_149 = arith.cmpi slt, %squeeze3A_147, %lt3A_148 : i32
      %jit3A_150 = arith.constant 0 : i32
      %select_n3A_151 = arith.select %lt3A_149, %jit3A_150, %squeeze3A_147 : i32
      %jit3A_152 = arith.constant 128 : i32
      %div3A_153 = arith.divsi %select_n3A_151, %jit3A_152 : i32
      %sign3A_154 = arith.constant 0 : i32
      %sign3A_155 = arith.cmpi sgt, %select_n3A_151, %sign3A_154 : i32
      %sign3A_156 = arith.extui %sign3A_155 : i1 to i32
      %sign3A_157 = arith.constant 0 : i32
      %sign3A_158 = arith.cmpi slt, %select_n3A_151, %sign3A_157 : i32
      %sign3A_159 = arith.extui %sign3A_158 : i1 to i32
      %sign3A_160 = arith.subi %sign3A_156, %sign3A_159 : i32
      %sign3A_161 = arith.constant 0 : i32
      %sign3A_162 = arith.cmpi sgt, %jit3A_152, %sign3A_161 : i32
      %sign3A_163 = arith.extui %sign3A_162 : i1 to i32
      %sign3A_164 = arith.constant 0 : i32
      %sign3A_165 = arith.cmpi slt, %jit3A_152, %sign3A_164 : i32
      %sign3A_166 = arith.extui %sign3A_165 : i1 to i32
      %sign3A_167 = arith.subi %sign3A_163, %sign3A_166 : i32
      %ne3A_168 = arith.cmpi ne, %sign3A_160, %sign3A_167 : i32
      %rem3A_169 = arith.remsi %select_n3A_151, %jit3A_152 : i32
      %ne3A_170 = arith.constant 0 : i32
      %ne3A_171 = arith.cmpi ne, %rem3A_169, %ne3A_170 : i32
      %and3A_172 = arith.andi %ne3A_168, %ne3A_171 : i1
      %sub3A_173 = arith.constant 1 : i32
      %sub3A_174 = arith.subi %div3A_153, %sub3A_173 : i32
      %select_n3A_175 = arith.select %and3A_172, %sub3A_174, %div3A_153 : i32
      %mul3A_176 = arith.constant 128 : i32
      %mul3A_177 = arith.muli %select_n3A_175, %mul3A_176 : i32
      %dma_start3A_178 = arith.constant 3 : i32
      %dma_start3A_179 = arith.constant 0 : i32
      %dma_start3A_180 = arith.constant 0 : i32
      %dma_start3A_181 = tpu.memref_slice %arg11[%dma_start3A_178, %dma_start3A_179, %dma_start3A_180] : memref<8x8x128xf32, #tpu.memory_space<vmem>> -> memref<1x8x128xf32, #tpu.memory_space<vmem>>
      %dma_start3A_182 = tpu.memref_squeeze %dma_start3A_181 : memref<1x8x128xf32, #tpu.memory_space<vmem>> -> memref<8x128xf32, #tpu.memory_space<vmem>>
      %dma_start3A_183 = tpu.memref_slice %arg3[%add3A_19, %mul3A_177] : memref<1024x100000xf32, #tpu.memory_space<hbm>> -> memref<8x128xf32, #tpu.memory_space<hbm>>
      %dma_start3A_184 = arith.constant 0 : i32
      %dma_start3A_185 = arith.constant 0 : i32
      %dma_start3A_186 = tpu.memref_slice %arg11[%dma_start3A_178, %dma_start3A_184, %dma_start3A_185] : memref<8x8x128xf32, #tpu.memory_space<vmem>> -> memref<1x8x128xf32, #tpu.memory_space<vmem>>
      %dma_start3A_187 = tpu.memref_squeeze %dma_start3A_186 : memref<1x8x128xf32, #tpu.memory_space<vmem>> -> memref<8x128xf32, #tpu.memory_space<vmem>>
      %dma_start3A_188 = tpu.memref_slice %arg3[%add3A_19, %mul3A_177] : memref<1024x100000xf32, #tpu.memory_space<hbm>> -> memref<8x128xf32, #tpu.memory_space<hbm>>
      tpu.enqueue_dma source(%dma_start3A_188 : memref<8x128xf32, #tpu.memory_space<hbm>>) target(%dma_start3A_187 : memref<8x128xf32, #tpu.memory_space<vmem>>) target_semaphore(%arg19 : memref<!tpu.dma_semaphore, #tpu.memory_space<semaphore_mem>>)
      %slice3A_189 = vector.extract_strided_slice %get3A_28 {offsets = [4], sizes = [1], strides = [1]} : vector<16xi32> to vector<1xi32>
      %squeeze3A_190 = vector.extract %slice3A_189[0] : i32 from vector<1xi32>
      %lt3A_191 = arith.constant 0 : i32
      %lt3A_192 = arith.cmpi slt, %squeeze3A_190, %lt3A_191 : i32
      %jit3A_193 = arith.constant 0 : i32
      %select_n3A_194 = arith.select %lt3A_192, %jit3A_193, %squeeze3A_190 : i32
      %jit3A_195 = arith.constant 128 : i32
      %div3A_196 = arith.divsi %select_n3A_194, %jit3A_195 : i32
      %sign3A_197 = arith.constant 0 : i32
      %sign3A_198 = arith.cmpi sgt, %select_n3A_194, %sign3A_197 : i32
      %sign3A_199 = arith.extui %sign3A_198 : i1 to i32
      %sign3A_200 = arith.constant 0 : i32
      %sign3A_201 = arith.cmpi slt, %select_n3A_194, %sign3A_200 : i32
      %sign3A_202 = arith.extui %sign3A_201 : i1 to i32
      %sign3A_203 = arith.subi %sign3A_199, %sign3A_202 : i32
      %sign3A_204 = arith.constant 0 : i32
      %sign3A_205 = arith.cmpi sgt, %jit3A_195, %sign3A_204 : i32
      %sign3A_206 = arith.extui %sign3A_205 : i1 to i32
      %sign3A_207 = arith.constant 0 : i32
      %sign3A_208 = arith.cmpi slt, %jit3A_195, %sign3A_207 : i32
      %sign3A_209 = arith.extui %sign3A_208 : i1 to i32
      %sign3A_210 = arith.subi %sign3A_206, %sign3A_209 : i32
      %ne3A_211 = arith.cmpi ne, %sign3A_203, %sign3A_210 : i32
      %rem3A_212 = arith.remsi %select_n3A_194, %jit3A_195 : i32
      %ne3A_213 = arith.constant 0 : i32
      %ne3A_214 = arith.cmpi ne, %rem3A_212, %ne3A_213 : i32
      %and3A_215 = arith.andi %ne3A_211, %ne3A_214 : i1
      %sub3A_216 = arith.constant 1 : i32
      %sub3A_217 = arith.subi %div3A_196, %sub3A_216 : i32
      %select_n3A_218 = arith.select %and3A_215, %sub3A_217, %div3A_196 : i32
      %mul3A_219 = arith.constant 128 : i32
      %mul3A_220 = arith.muli %select_n3A_218, %mul3A_219 : i32
      %dma_start3A_221 = arith.constant 4 : i32
      %dma_start3A_222 = arith.constant 0 : i32
      %dma_start3A_223 = arith.constant 0 : i32
      %dma_start3A_224 = tpu.memref_slice %arg11[%dma_start3A_221, %dma_start3A_222, %dma_start3A_223] : memref<8x8x128xf32, #tpu.memory_space<vmem>> -> memref<1x8x128xf32, #tpu.memory_space<vmem>>
      %dma_start3A_225 = tpu.memref_squeeze %dma_start3A_224 : memref<1x8x128xf32, #tpu.memory_space<vmem>> -> memref<8x128xf32, #tpu.memory_space<vmem>>
      %dma_start3A_226 = tpu.memref_slice %arg3[%add3A_19, %mul3A_220] : memref<1024x100000xf32, #tpu.memory_space<hbm>> -> memref<8x128xf32, #tpu.memory_space<hbm>>
      %dma_start3A_227 = arith.constant 0 : i32
      %dma_start3A_228 = arith.constant 0 : i32
      %dma_start3A_229 = tpu.memref_slice %arg11[%dma_start3A_221, %dma_start3A_227, %dma_start3A_228] : memref<8x8x128xf32, #tpu.memory_space<vmem>> -> memref<1x8x128xf32, #tpu.memory_space<vmem>>
      %dma_start3A_230 = tpu.memref_squeeze %dma_start3A_229 : memref<1x8x128xf32, #tpu.memory_space<vmem>> -> memref<8x128xf32, #tpu.memory_space<vmem>>
      %dma_start3A_231 = tpu.memref_slice %arg3[%add3A_19, %mul3A_220] : memref<1024x100000xf32, #tpu.memory_space<hbm>> -> memref<8x128xf32, #tpu.memory_space<hbm>>
      tpu.enqueue_dma source(%dma_start3A_231 : memref<8x128xf32, #tpu.memory_space<hbm>>) target(%dma_start3A_230 : memref<8x128xf32, #tpu.memory_space<vmem>>) target_semaphore(%arg19 : memref<!tpu.dma_semaphore, #tpu.memory_space<semaphore_mem>>)
      %slice3A_232 = vector.extract_strided_slice %get3A_28 {offsets = [5], sizes = [1], strides = [1]} : vector<16xi32> to vector<1xi32>
      %squeeze3A_233 = vector.extract %slice3A_232[0] : i32 from vector<1xi32>
      %lt3A_234 = arith.constant 0 : i32
      %lt3A_235 = arith.cmpi slt, %squeeze3A_233, %lt3A_234 : i32
      %jit3A_236 = arith.constant 0 : i32
      %select_n3A_237 = arith.select %lt3A_235, %jit3A_236, %squeeze3A_233 : i32
      %jit3A_238 = arith.constant 128 : i32
      %div3A_239 = arith.divsi %select_n3A_237, %jit3A_238 : i32
      %sign3A_240 = arith.constant 0 : i32
      %sign3A_241 = arith.cmpi sgt, %select_n3A_237, %sign3A_240 : i32
      %sign3A_242 = arith.extui %sign3A_241 : i1 to i32
      %sign3A_243 = arith.constant 0 : i32
      %sign3A_244 = arith.cmpi slt, %select_n3A_237, %sign3A_243 : i32
      %sign3A_245 = arith.extui %sign3A_244 : i1 to i32
      %sign3A_246 = arith.subi %sign3A_242, %sign3A_245 : i32
      %sign3A_247 = arith.constant 0 : i32
      %sign3A_248 = arith.cmpi sgt, %jit3A_238, %sign3A_247 : i32
      %sign3A_249 = arith.extui %sign3A_248 : i1 to i32
      %sign3A_250 = arith.constant 0 : i32
      %sign3A_251 = arith.cmpi slt, %jit3A_238, %sign3A_250 : i32
      %sign3A_252 = arith.extui %sign3A_251 : i1 to i32
      %sign3A_253 = arith.subi %sign3A_249, %sign3A_252 : i32
      %ne3A_254 = arith.cmpi ne, %sign3A_246, %sign3A_253 : i32
      %rem3A_255 = arith.remsi %select_n3A_237, %jit3A_238 : i32
      %ne3A_256 = arith.constant 0 : i32
      %ne3A_257 = arith.cmpi ne, %rem3A_255, %ne3A_256 : i32
      %and3A_258 = arith.andi %ne3A_254, %ne3A_257 : i1
      %sub3A_259 = arith.constant 1 : i32
      %sub3A_260 = arith.subi %div3A_239, %sub3A_259 : i32
      %select_n3A_261 = arith.select %and3A_258, %sub3A_260, %div3A_239 : i32
      %mul3A_262 = arith.constant 128 : i32
      %mul3A_263 = arith.muli %select_n3A_261, %mul3A_262 : i32
      %dma_start3A_264 = arith.constant 5 : i32
      %dma_start3A_265 = arith.constant 0 : i32
      %dma_start3A_266 = arith.constant 0 : i32
      %dma_start3A_267 = tpu.memref_slice %arg11[%dma_start3A_264, %dma_start3A_265, %dma_start3A_266] : memref<8x8x128xf32, #tpu.memory_space<vmem>> -> memref<1x8x128xf32, #tpu.memory_space<vmem>>
      %dma_start3A_268 = tpu.memref_squeeze %dma_start3A_267 : memref<1x8x128xf32, #tpu.memory_space<vmem>> -> memref<8x128xf32, #tpu.memory_space<vmem>>
      %dma_start3A_269 = tpu.memref_slice %arg3[%add3A_19, %mul3A_263] : memref<1024x100000xf32, #tpu.memory_space<hbm>> -> memref<8x128xf32, #tpu.memory_space<hbm>>
      %dma_start3A_270 = arith.constant 0 : i32
      %dma_start3A_271 = arith.constant 0 : i32
      %dma_start3A_272 = tpu.memref_slice %arg11[%dma_start3A_264, %dma_start3A_270, %dma_start3A_271] : memref<8x8x128xf32, #tpu.memory_space<vmem>> -> memref<1x8x128xf32, #tpu.memory_space<vmem>>
      %dma_start3A_273 = tpu.memref_squeeze %dma_start3A_272 : memref<1x8x128xf32, #tpu.memory_space<vmem>> -> memref<8x128xf32, #tpu.memory_space<vmem>>
      %dma_start3A_274 = tpu.memref_slice %arg3[%add3A_19, %mul3A_263] : memref<1024x100000xf32, #tpu.memory_space<hbm>> -> memref<8x128xf32, #tpu.memory_space<hbm>>
      tpu.enqueue_dma source(%dma_start3A_274 : memref<8x128xf32, #tpu.memory_space<hbm>>) target(%dma_start3A_273 : memref<8x128xf32, #tpu.memory_space<vmem>>) target_semaphore(%arg19 : memref<!tpu.dma_semaphore, #tpu.memory_space<semaphore_mem>>)
      %slice3A_275 = vector.extract_strided_slice %get3A_28 {offsets = [6], sizes = [1], strides = [1]} : vector<16xi32> to vector<1xi32>
      %squeeze3A_276 = vector.extract %slice3A_275[0] : i32 from vector<1xi32>
      %lt3A_277 = arith.constant 0 : i32
      %lt3A_278 = arith.cmpi slt, %squeeze3A_276, %lt3A_277 : i32
      %jit3A_279 = arith.constant 0 : i32
      %select_n3A_280 = arith.select %lt3A_278, %jit3A_279, %squeeze3A_276 : i32
      %jit3A_281 = arith.constant 128 : i32
      %div3A_282 = arith.divsi %select_n3A_280, %jit3A_281 : i32
      %sign3A_283 = arith.constant 0 : i32
      %sign3A_284 = arith.cmpi sgt, %select_n3A_280, %sign3A_283 : i32
      %sign3A_285 = arith.extui %sign3A_284 : i1 to i32
      %sign3A_286 = arith.constant 0 : i32
      %sign3A_287 = arith.cmpi slt, %select_n3A_280, %sign3A_286 : i32
      %sign3A_288 = arith.extui %sign3A_287 : i1 to i32
      %sign3A_289 = arith.subi %sign3A_285, %sign3A_288 : i32
      %sign3A_290 = arith.constant 0 : i32
      %sign3A_291 = arith.cmpi sgt, %jit3A_281, %sign3A_290 : i32
      %sign3A_292 = arith.extui %sign3A_291 : i1 to i32
      %sign3A_293 = arith.constant 0 : i32
      %sign3A_294 = arith.cmpi slt, %jit3A_281, %sign3A_293 : i32
      %sign3A_295 = arith.extui %sign3A_294 : i1 to i32
      %sign3A_296 = arith.subi %sign3A_292, %sign3A_295 : i32
      %ne3A_297 = arith.cmpi ne, %sign3A_289, %sign3A_296 : i32
      %rem3A_298 = arith.remsi %select_n3A_280, %jit3A_281 : i32
      %ne3A_299 = arith.constant 0 : i32
      %ne3A_300 = arith.cmpi ne, %rem3A_298, %ne3A_299 : i32
      %and3A_301 = arith.andi %ne3A_297, %ne3A_300 : i1
      %sub3A_302 = arith.constant 1 : i32
      %sub3A_303 = arith.subi %div3A_282, %sub3A_302 : i32
      %select_n3A_304 = arith.select %and3A_301, %sub3A_303, %div3A_282 : i32
      %mul3A_305 = arith.constant 128 : i32
      %mul3A_306 = arith.muli %select_n3A_304, %mul3A_305 : i32
      %dma_start3A_307 = arith.constant 6 : i32
      %dma_start3A_308 = arith.constant 0 : i32
      %dma_start3A_309 = arith.constant 0 : i32
      %dma_start3A_310 = tpu.memref_slice %arg11[%dma_start3A_307, %dma_start3A_308, %dma_start3A_309] : memref<8x8x128xf32, #tpu.memory_space<vmem>> -> memref<1x8x128xf32, #tpu.memory_space<vmem>>
      %dma_start3A_311 = tpu.memref_squeeze %dma_start3A_310 : memref<1x8x128xf32, #tpu.memory_space<vmem>> -> memref<8x128xf32, #tpu.memory_space<vmem>>
      %dma_start3A_312 = tpu.memref_slice %arg3[%add3A_19, %mul3A_306] : memref<1024x100000xf32, #tpu.memory_space<hbm>> -> memref<8x128xf32, #tpu.memory_space<hbm>>
      %dma_start3A_313 = arith.constant 0 : i32
      %dma_start3A_314 = arith.constant 0 : i32
      %dma_start3A_315 = tpu.memref_slice %arg11[%dma_start3A_307, %dma_start3A_313, %dma_start3A_314] : memref<8x8x128xf32, #tpu.memory_space<vmem>> -> memref<1x8x128xf32, #tpu.memory_space<vmem>>
      %dma_start3A_316 = tpu.memref_squeeze %dma_start3A_315 : memref<1x8x128xf32, #tpu.memory_space<vmem>> -> memref<8x128xf32, #tpu.memory_space<vmem>>
      %dma_start3A_317 = tpu.memref_slice %arg3[%add3A_19, %mul3A_306] : memref<1024x100000xf32, #tpu.memory_space<hbm>> -> memref<8x128xf32, #tpu.memory_space<hbm>>
      tpu.enqueue_dma source(%dma_start3A_317 : memref<8x128xf32, #tpu.memory_space<hbm>>) target(%dma_start3A_316 : memref<8x128xf32, #tpu.memory_space<vmem>>) target_semaphore(%arg19 : memref<!tpu.dma_semaphore, #tpu.memory_space<semaphore_mem>>)
      %slice3A_318 = vector.extract_strided_slice %get3A_28 {offsets = [7], sizes = [1], strides = [1]} : vector<16xi32> to vector<1xi32>
      %squeeze3A_319 = vector.extract %slice3A_318[0] : i32 from vector<1xi32>
      %lt3A_320 = arith.constant 0 : i32
      %lt3A_321 = arith.cmpi slt, %squeeze3A_319, %lt3A_320 : i32
      %jit3A_322 = arith.constant 0 : i32
      %select_n3A_323 = arith.select %lt3A_321, %jit3A_322, %squeeze3A_319 : i32
      %jit3A_324 = arith.constant 128 : i32
      %div3A_325 = arith.divsi %select_n3A_323, %jit3A_324 : i32
      %sign3A_326 = arith.constant 0 : i32
      %sign3A_327 = arith.cmpi sgt, %select_n3A_323, %sign3A_326 : i32
      %sign3A_328 = arith.extui %sign3A_327 : i1 to i32
      %sign3A_329 = arith.constant 0 : i32
      %sign3A_330 = arith.cmpi slt, %select_n3A_323, %sign3A_329 : i32
      %sign3A_331 = arith.extui %sign3A_330 : i1 to i32
      %sign3A_332 = arith.subi %sign3A_328, %sign3A_331 : i32
      %sign3A_333 = arith.constant 0 : i32
      %sign3A_334 = arith.cmpi sgt, %jit3A_324, %sign3A_333 : i32
      %sign3A_335 = arith.extui %sign3A_334 : i1 to i32
      %sign3A_336 = arith.constant 0 : i32
      %sign3A_337 = arith.cmpi slt, %jit3A_324, %sign3A_336 : i32
      %sign3A_338 = arith.extui %sign3A_337 : i1 to i32
      %sign3A_339 = arith.subi %sign3A_335, %sign3A_338 : i32
      %ne3A_340 = arith.cmpi ne, %sign3A_332, %sign3A_339 : i32
      %rem3A_341 = arith.remsi %select_n3A_323, %jit3A_324 : i32
      %ne3A_342 = arith.constant 0 : i32
      %ne3A_343 = arith.cmpi ne, %rem3A_341, %ne3A_342 : i32
      %and3A_344 = arith.andi %ne3A_340, %ne3A_343 : i1
      %sub3A_345 = arith.constant 1 : i32
      %sub3A_346 = arith.subi %div3A_325, %sub3A_345 : i32
      %select_n3A_347 = arith.select %and3A_344, %sub3A_346, %div3A_325 : i32
      %mul3A_348 = arith.constant 128 : i32
      %mul3A_349 = arith.muli %select_n3A_347, %mul3A_348 : i32
      %dma_start3A_350 = arith.constant 7 : i32
      %dma_start3A_351 = arith.constant 0 : i32
      %dma_start3A_352 = arith.constant 0 : i32
      %dma_start3A_353 = tpu.memref_slice %arg11[%dma_start3A_350, %dma_start3A_351, %dma_start3A_352] : memref<8x8x128xf32, #tpu.memory_space<vmem>> -> memref<1x8x128xf32, #tpu.memory_space<vmem>>
      %dma_start3A_354 = tpu.memref_squeeze %dma_start3A_353 : memref<1x8x128xf32, #tpu.memory_space<vmem>> -> memref<8x128xf32, #tpu.memory_space<vmem>>
      %dma_start3A_355 = tpu.memref_slice %arg3[%add3A_19, %mul3A_349] : memref<1024x100000xf32, #tpu.memory_space<hbm>> -> memref<8x128xf32, #tpu.memory_space<hbm>>
      %dma_start3A_356 = arith.constant 0 : i32
      %dma_start3A_357 = arith.constant 0 : i32
      %dma_start3A_358 = tpu.memref_slice %arg11[%dma_start3A_350, %dma_start3A_356, %dma_start3A_357] : memref<8x8x128xf32, #tpu.memory_space<vmem>> -> memref<1x8x128xf32, #tpu.memory_space<vmem>>
      %dma_start3A_359 = tpu.memref_squeeze %dma_start3A_358 : memref<1x8x128xf32, #tpu.memory_space<vmem>> -> memref<8x128xf32, #tpu.memory_space<vmem>>
      %dma_start3A_360 = tpu.memref_slice %arg3[%add3A_19, %mul3A_349] : memref<1024x100000xf32, #tpu.memory_space<hbm>> -> memref<8x128xf32, #tpu.memory_space<hbm>>
      tpu.enqueue_dma source(%dma_start3A_360 : memref<8x128xf32, #tpu.memory_space<hbm>>) target(%dma_start3A_359 : memref<8x128xf32, #tpu.memory_space<vmem>>) target_semaphore(%arg19 : memref<!tpu.dma_semaphore, #tpu.memory_space<semaphore_mem>>)
      %dma_start3A_361 = arith.constant 0 : i32
      %dma_start3A_362 = tpu.memref_slice %arg3[%add3A_19, %dma_start3A_361] : memref<1024x100000xf32, #tpu.memory_space<hbm>> -> memref<8x3456xf32, #tpu.memory_space<hbm>>
      %dma_start3A_363 = arith.constant 0 : i32
      %dma_start3A_364 = tpu.memref_slice %arg3[%add3A_19, %dma_start3A_363] : memref<1024x100000xf32, #tpu.memory_space<hbm>> -> memref<8x3456xf32, #tpu.memory_space<hbm>>
      tpu.enqueue_dma source(%dma_start3A_364 : memref<8x3456xf32, #tpu.memory_space<hbm>>) target(%arg6 : memref<8x3456xf32, #tpu.memory_space<vmem>>) target_semaphore(%arg15 : memref<!tpu.dma_semaphore, #tpu.memory_space<semaphore_mem>>)
      %dma_start3A_365 = arith.constant 3456 : i32
      %dma_start3A_366 = tpu.memref_slice %arg3[%add3A_19, %dma_start3A_365] : memref<1024x100000xf32, #tpu.memory_space<hbm>> -> memref<8x3456xf32, #tpu.memory_space<hbm>>
      %dma_start3A_367 = arith.constant 3456 : i32
      %dma_start3A_368 = tpu.memref_slice %arg3[%add3A_19, %dma_start3A_367] : memref<1024x100000xf32, #tpu.memory_space<hbm>> -> memref<8x3456xf32, #tpu.memory_space<hbm>>
      tpu.enqueue_dma source(%dma_start3A_368 : memref<8x3456xf32, #tpu.memory_space<hbm>>) target(%arg7 : memref<8x3456xf32, #tpu.memory_space<vmem>>) target_semaphore(%arg16 : memref<!tpu.dma_semaphore, #tpu.memory_space<semaphore_mem>>)
      %dma_start3A_369 = arith.constant 6912 : i32
      %dma_start3A_370 = tpu.memref_slice %arg3[%add3A_19, %dma_start3A_369] : memref<1024x100000xf32, #tpu.memory_space<hbm>> -> memref<8x3456xf32, #tpu.memory_space<hbm>>
      %dma_start3A_371 = arith.constant 6912 : i32
      %dma_start3A_372 = tpu.memref_slice %arg3[%add3A_19, %dma_start3A_371] : memref<1024x100000xf32, #tpu.memory_space<hbm>> -> memref<8x3456xf32, #tpu.memory_space<hbm>>
      tpu.enqueue_dma source(%dma_start3A_372 : memref<8x3456xf32, #tpu.memory_space<hbm>>) target(%arg8 : memref<8x3456xf32, #tpu.memory_space<vmem>>) target_semaphore(%arg17 : memref<!tpu.dma_semaphore, #tpu.memory_space<semaphore_mem>>)
      %dma_start3A_373 = arith.constant 10368 : i32
      %dma_start3A_374 = tpu.memref_slice %arg3[%add3A_19, %dma_start3A_373] : memref<1024x100000xf32, #tpu.memory_space<hbm>> -> memref<8x3456xf32, #tpu.memory_space<hbm>>
      %dma_start3A_375 = arith.constant 10368 : i32
      %dma_start3A_376 = tpu.memref_slice %arg3[%add3A_19, %dma_start3A_375] : memref<1024x100000xf32, #tpu.memory_space<hbm>> -> memref<8x3456xf32, #tpu.memory_space<hbm>>
      tpu.enqueue_dma source(%dma_start3A_376 : memref<8x3456xf32, #tpu.memory_space<hbm>>) target(%arg9 : memref<8x3456xf32, #tpu.memory_space<vmem>>) target_semaphore(%arg18 : memref<!tpu.dma_semaphore, #tpu.memory_space<semaphore_mem>>)
      %broadcast_in_dim3A = arith.constant 0.000000e+00 : f32
      %broadcast_in_dim3A_377 = vector.broadcast %broadcast_in_dim3A : f32 to vector<16xf32>
      %broadcast_in_dim3A_378 = arith.constant 0.000000e+00 : f32
      %broadcast_in_dim3A_379 = vector.broadcast %broadcast_in_dim3A_378 : f32 to vector<16xf32>
      %broadcast_in_dim3A_380 = arith.constant 0.000000e+00 : f32
      %broadcast_in_dim3A_381 = vector.broadcast %broadcast_in_dim3A_380 : f32 to vector<16xf32>
      %broadcast_in_dim3A_382 = arith.constant 0.000000e+00 : f32
      %broadcast_in_dim3A_383 = vector.broadcast %broadcast_in_dim3A_382 : f32 to vector<16xf32>
      %broadcast_in_dim3A_384 = arith.constant 0.000000e+00 : f32
      %broadcast_in_dim3A_385 = vector.broadcast %broadcast_in_dim3A_384 : f32 to vector<16xf32>
      %broadcast_in_dim3A_386 = arith.constant 0.000000e+00 : f32
      %broadcast_in_dim3A_387 = vector.broadcast %broadcast_in_dim3A_386 : f32 to vector<16xf32>
      %broadcast_in_dim3A_388 = arith.constant 0.000000e+00 : f32
      %broadcast_in_dim3A_389 = vector.broadcast %broadcast_in_dim3A_388 : f32 to vector<16xf32>
      %broadcast_in_dim3A_390 = arith.constant 0.000000e+00 : f32
      %broadcast_in_dim3A_391 = vector.broadcast %broadcast_in_dim3A_390 : f32 to vector<16xf32>
      %scan3A_392 = arith.constant 0 : i32
      %scan3A_393 = arith.constant 7 : i32
      %scan3A_394 = arith.addi %scan3A_392, %scan3A_393 : i32
      %scan3A_395 = arith.constant 1 : i32
      %scan3A_396:8 = scf.for %scan3A_1369 = %scan3A_392 to %scan3A_394 step %scan3A_395 iter_args(%scan3A_1370 = %broadcast_in_dim3A_377, %scan3A_1371 = %broadcast_in_dim3A_379, %scan3A_1372 = %broadcast_in_dim3A_381, %scan3A_1373 = %broadcast_in_dim3A_383, %scan3A_1374 = %broadcast_in_dim3A_385, %scan3A_1375 = %broadcast_in_dim3A_387, %scan3A_1376 = %broadcast_in_dim3A_389, %scan3A_1377 = %broadcast_in_dim3A_391) -> (vector<16xf32>, vector<16xf32>, vector<16xf32>, vector<16xf32>, vector<16xf32>, vector<16xf32>, vector<16xf32>, vector<16xf32>)  : i32 {
        %mul3A_1378 = arith.constant 4 : i32
        %mul3A_1379 = arith.muli %mul3A_1378, %scan3A_1369 : i32
        %add3A_1380 = arith.constant 0 : i32
        %add3A_1381 = arith.addi %mul3A_1379, %add3A_1380 : i32
        %mul3A_1382 = arith.constant 3456 : i32
        %mul3A_1383 = arith.muli %add3A_1381, %mul3A_1382 : i32
        %dma_wait3A_1384 = tpu.memref_slice %arg3[%add3A_19, %mul3A_1383] : memref<1024x100000xf32, #tpu.memory_space<hbm>> -> memref<8x3456xf32, #tpu.memory_space<hbm>>
        %dma_wait3A_1385 = tpu.memref_slice %arg3[%add3A_19, %mul3A_1383] : memref<1024x100000xf32, #tpu.memory_space<hbm>> -> memref<8x3456xf32, #tpu.memory_space<hbm>>
        tpu.wait_dma2 semaphore(%arg15 : memref<!tpu.dma_semaphore, #tpu.memory_space<semaphore_mem>>) src(%dma_wait3A_1385 : memref<8x3456xf32, #tpu.memory_space<hbm>>) dst(%arg6 : memref<8x3456xf32, #tpu.memory_space<vmem>>)
        %scan3A_1386 = arith.constant 0 : i32
        %scan3A_1387 = arith.constant 216 : i32
        %scan3A_1388 = arith.addi %scan3A_1386, %scan3A_1387 : i32
        %scan3A_1389 = arith.constant 1 : i32
        %scan3A_1390:8 = scf.for %scan3A_1460 = %scan3A_1386 to %scan3A_1388 step %scan3A_1389 iter_args(%scan3A_1461 = %scan3A_1370, %scan3A_1462 = %scan3A_1371, %scan3A_1463 = %scan3A_1372, %scan3A_1464 = %scan3A_1373, %scan3A_1465 = %scan3A_1374, %scan3A_1466 = %scan3A_1375, %scan3A_1467 = %scan3A_1376, %scan3A_1468 = %scan3A_1377) -> (vector<16xf32>, vector<16xf32>, vector<16xf32>, vector<16xf32>, vector<16xf32>, vector<16xf32>, vector<16xf32>, vector<16xf32>)  : i32 {
          %mul3A_1469 = arith.constant 16 : i32
          %mul3A_1470 = arith.muli %scan3A_1460, %mul3A_1469 : i32
          %get3A_1471 = arith.constant 0 : i32
          %get3A_1472 = arith.index_cast %get3A_1471 : i32 to index
          %get3A_1473 = arith.index_cast %mul3A_1470 : i32 to index
          %get3A_1474 = tpu.vector_load %arg6[%get3A_1472, %get3A_1473] {strides = array<i32>} : memref<8x3456xf32, #tpu.memory_space<vmem>>, vector<1x16xf32>,
          %get3A_1475 = vector.shape_cast %get3A_1474 : vector<1x16xf32> to vector<16xf32>
          %mul3A_1476 = arith.constant 6.400000e+01 : f32
          %mul3A_1477 = vector.broadcast %mul3A_1476 : f32 to vector<16xf32>
          %mul3A_1478 = arith.mulf %mul3A_1477, %get3A_1475 : vector<16xf32>
          %sub3A_1479 = arith.constant 6.400000e+01 : f32
          %sub3A_1480 = vector.broadcast %sub3A_1479 : f32 to vector<16xf32>
          %sub3A_1481 = arith.subf %mul3A_1478, %sub3A_1480 : vector<16xf32>
          %exp3A_1482 = math.exp %sub3A_1481 : vector<16xf32>
          %add3A_1483 = arith.addf %scan3A_1461, %exp3A_1482 : vector<16xf32>
          %mul3A_1484 = arith.constant 16 : i32
          %mul3A_1485 = arith.muli %scan3A_1460, %mul3A_1484 : i32
          %get3A_1486 = arith.constant 1 : i32
          %get3A_1487 = arith.index_cast %get3A_1486 : i32 to index
          %get3A_1488 = arith.index_cast %mul3A_1485 : i32 to index
          %get3A_1489 = tpu.vector_load %arg6[%get3A_1487, %get3A_1488] {strides = array<i32>} : memref<8x3456xf32, #tpu.memory_space<vmem>>, vector<1x16xf32>,
          %get3A_1490 = vector.shape_cast %get3A_1489 : vector<1x16xf32> to vector<16xf32>
          %mul3A_1491 = arith.constant 6.400000e+01 : f32
          %mul3A_1492 = vector.broadcast %mul3A_1491 : f32 to vector<16xf32>
          %mul3A_1493 = arith.mulf %mul3A_1492, %get3A_1490 : vector<16xf32>
          %sub3A_1494 = arith.constant 6.400000e+01 : f32
          %sub3A_1495 = vector.broadcast %sub3A_1494 : f32 to vector<16xf32>
          %sub3A_1496 = arith.subf %mul3A_1493, %sub3A_1495 : vector<16xf32>
          %exp3A_1497 = math.exp %sub3A_1496 : vector<16xf32>
          %add3A_1498 = arith.addf %scan3A_1462, %exp3A_1497 : vector<16xf32>
          %mul3A_1499 = arith.constant 16 : i32
          %mul3A_1500 = arith.muli %scan3A_1460, %mul3A_1499 : i32
          %get3A_1501 = arith.constant 2 : i32
          %get3A_1502 = arith.index_cast %get3A_1501 : i32 to index
          %get3A_1503 = arith.index_cast %mul3A_1500 : i32 to index
          %get3A_1504 = tpu.vector_load %arg6[%get3A_1502, %get3A_1503] {strides = array<i32>} : memref<8x3456xf32, #tpu.memory_space<vmem>>, vector<1x16xf32>,
          %get3A_1505 = vector.shape_cast %get3A_1504 : vector<1x16xf32> to vector<16xf32>
          %mul3A_1506 = arith.constant 6.400000e+01 : f32
          %mul3A_1507 = vector.broadcast %mul3A_1506 : f32 to vector<16xf32>
          %mul3A_1508 = arith.mulf %mul3A_1507, %get3A_1505 : vector<16xf32>
          %sub3A_1509 = arith.constant 6.400000e+01 : f32
          %sub3A_1510 = vector.broadcast %sub3A_1509 : f32 to vector<16xf32>
          %sub3A_1511 = arith.subf %mul3A_1508, %sub3A_1510 : vector<16xf32>
          %exp3A_1512 = math.exp %sub3A_1511 : vector<16xf32>
          %add3A_1513 = arith.addf %scan3A_1463, %exp3A_1512 : vector<16xf32>
          %mul3A_1514 = arith.constant 16 : i32
          %mul3A_1515 = arith.muli %scan3A_1460, %mul3A_1514 : i32
          %get3A_1516 = arith.constant 3 : i32
          %get3A_1517 = arith.index_cast %get3A_1516 : i32 to index
          %get3A_1518 = arith.index_cast %mul3A_1515 : i32 to index
          %get3A_1519 = tpu.vector_load %arg6[%get3A_1517, %get3A_1518] {strides = array<i32>} : memref<8x3456xf32, #tpu.memory_space<vmem>>, vector<1x16xf32>,
          %get3A_1520 = vector.shape_cast %get3A_1519 : vector<1x16xf32> to vector<16xf32>
          %mul3A_1521 = arith.constant 6.400000e+01 : f32
          %mul3A_1522 = vector.broadcast %mul3A_1521 : f32 to vector<16xf32>
          %mul3A_1523 = arith.mulf %mul3A_1522, %get3A_1520 : vector<16xf32>
          %sub3A_1524 = arith.constant 6.400000e+01 : f32
          %sub3A_1525 = vector.broadcast %sub3A_1524 : f32 to vector<16xf32>
          %sub3A_1526 = arith.subf %mul3A_1523, %sub3A_1525 : vector<16xf32>
          %exp3A_1527 = math.exp %sub3A_1526 : vector<16xf32>
          %add3A_1528 = arith.addf %scan3A_1464, %exp3A_1527 : vector<16xf32>
          %mul3A_1529 = arith.constant 16 : i32
          %mul3A_1530 = arith.muli %scan3A_1460, %mul3A_1529 : i32
          %get3A_1531 = arith.constant 4 : i32
          %get3A_1532 = arith.index_cast %get3A_1531 : i32 to index
          %get3A_1533 = arith.index_cast %mul3A_1530 : i32 to index
          %get3A_1534 = tpu.vector_load %arg6[%get3A_1532, %get3A_1533] {strides = array<i32>} : memref<8x3456xf32, #tpu.memory_space<vmem>>, vector<1x16xf32>,
          %get3A_1535 = vector.shape_cast %get3A_1534 : vector<1x16xf32> to vector<16xf32>
          %mul3A_1536 = arith.constant 6.400000e+01 : f32
          %mul3A_1537 = vector.broadcast %mul3A_1536 : f32 to vector<16xf32>
          %mul3A_1538 = arith.mulf %mul3A_1537, %get3A_1535 : vector<16xf32>
          %sub3A_1539 = arith.constant 6.400000e+01 : f32
          %sub3A_1540 = vector.broadcast %sub3A_1539 : f32 to vector<16xf32>
          %sub3A_1541 = arith.subf %mul3A_1538, %sub3A_1540 : vector<16xf32>
          %exp3A_1542 = math.exp %sub3A_1541 : vector<16xf32>
          %add3A_1543 = arith.addf %scan3A_1465, %exp3A_1542 : vector<16xf32>
          %mul3A_1544 = arith.constant 16 : i32
          %mul3A_1545 = arith.muli %scan3A_1460, %mul3A_1544 : i32
          %get3A_1546 = arith.constant 5 : i32
          %get3A_1547 = arith.index_cast %get3A_1546 : i32 to index
          %get3A_1548 = arith.index_cast %mul3A_1545 : i32 to index
          %get3A_1549 = tpu.vector_load %arg6[%get3A_1547, %get3A_1548] {strides = array<i32>} : memref<8x3456xf32, #tpu.memory_space<vmem>>, vector<1x16xf32>,
          %get3A_1550 = vector.shape_cast %get3A_1549 : vector<1x16xf32> to vector<16xf32>
          %mul3A_1551 = arith.constant 6.400000e+01 : f32
          %mul3A_1552 = vector.broadcast %mul3A_1551 : f32 to vector<16xf32>
          %mul3A_1553 = arith.mulf %mul3A_1552, %get3A_1550 : vector<16xf32>
          %sub3A_1554 = arith.constant 6.400000e+01 : f32
          %sub3A_1555 = vector.broadcast %sub3A_1554 : f32 to vector<16xf32>
          %sub3A_1556 = arith.subf %mul3A_1553, %sub3A_1555 : vector<16xf32>
          %exp3A_1557 = math.exp %sub3A_1556 : vector<16xf32>
          %add3A_1558 = arith.addf %scan3A_1466, %exp3A_1557 : vector<16xf32>
          %mul3A_1559 = arith.constant 16 : i32
          %mul3A_1560 = arith.muli %scan3A_1460, %mul3A_1559 : i32
          %get3A_1561 = arith.constant 6 : i32
          %get3A_1562 = arith.index_cast %get3A_1561 : i32 to index
          %get3A_1563 = arith.index_cast %mul3A_1560 : i32 to index
          %get3A_1564 = tpu.vector_load %arg6[%get3A_1562, %get3A_1563] {strides = array<i32>} : memref<8x3456xf32, #tpu.memory_space<vmem>>, vector<1x16xf32>,
          %get3A_1565 = vector.shape_cast %get3A_1564 : vector<1x16xf32> to vector<16xf32>
          %mul3A_1566 = arith.constant 6.400000e+01 : f32
          %mul3A_1567 = vector.broadcast %mul3A_1566 : f32 to vector<16xf32>
          %mul3A_1568 = arith.mulf %mul3A_1567, %get3A_1565 : vector<16xf32>
          %sub3A_1569 = arith.constant 6.400000e+01 : f32
          %sub3A_1570 = vector.broadcast %sub3A_1569 : f32 to vector<16xf32>
          %sub3A_1571 = arith.subf %mul3A_1568, %sub3A_1570 : vector<16xf32>
          %exp3A_1572 = math.exp %sub3A_1571 : vector<16xf32>
          %add3A_1573 = arith.addf %scan3A_1467, %exp3A_1572 : vector<16xf32>
          %mul3A_1574 = arith.constant 16 : i32
          %mul3A_1575 = arith.muli %scan3A_1460, %mul3A_1574 : i32
          %get3A_1576 = arith.constant 7 : i32
          %get3A_1577 = arith.index_cast %get3A_1576 : i32 to index
          %get3A_1578 = arith.index_cast %mul3A_1575 : i32 to index
          %get3A_1579 = tpu.vector_load %arg6[%get3A_1577, %get3A_1578] {strides = array<i32>} : memref<8x3456xf32, #tpu.memory_space<vmem>>, vector<1x16xf32>,
          %get3A_1580 = vector.shape_cast %get3A_1579 : vector<1x16xf32> to vector<16xf32>
          %mul3A_1581 = arith.constant 6.400000e+01 : f32
          %mul3A_1582 = vector.broadcast %mul3A_1581 : f32 to vector<16xf32>
          %mul3A_1583 = arith.mulf %mul3A_1582, %get3A_1580 : vector<16xf32>
          %sub3A_1584 = arith.constant 6.400000e+01 : f32
          %sub3A_1585 = vector.broadcast %sub3A_1584 : f32 to vector<16xf32>
          %sub3A_1586 = arith.subf %mul3A_1583, %sub3A_1585 : vector<16xf32>
          %exp3A_1587 = math.exp %sub3A_1586 : vector<16xf32>
          %add3A_1588 = arith.addf %scan3A_1468, %exp3A_1587 : vector<16xf32>
          scf.yield %add3A_1483, %add3A_1498, %add3A_1513, %add3A_1528, %add3A_1543, %add3A_1558, %add3A_1573, %add3A_1588 : vector<16xf32>, vector<16xf32>, vector<16xf32>, vector<16xf32>, vector<16xf32>, vector<16xf32>, vector<16xf32>, vector<16xf32>
        }
        %scan3A_1391 = arith.constant 216 : i32
        %add3A_1392 = arith.constant 4 : i32
        %add3A_1393 = arith.addi %add3A_1381, %add3A_1392 : i32
        %lt3A_1394 = arith.constant 28 : i32
        %lt3A_1395 = arith.cmpi slt, %add3A_1393, %lt3A_1394 : i32
        %convert_element_type3A = arith.extui %lt3A_1395 : i1 to i32
        %cond3A = arith.constant 0 : i32
        %cond3A_1396 = arith.cmpi ne, %convert_element_type3A, %cond3A : i32
        scf.if %cond3A_1396 {
          %add3A_1460 = arith.constant 4 : i32
          %add3A_1461 = arith.addi %add3A_1381, %add3A_1460 : i32
          %mul3A_1462 = arith.constant 3456 : i32
          %mul3A_1463 = arith.muli %add3A_1461, %mul3A_1462 : i32
          %dma_start3A_1464 = tpu.memref_slice %arg3[%add3A_19, %mul3A_1463] : memref<1024x100000xf32, #tpu.memory_space<hbm>> -> memref<8x3456xf32, #tpu.memory_space<hbm>>
          %dma_start3A_1465 = tpu.memref_slice %arg3[%add3A_19, %mul3A_1463] : memref<1024x100000xf32, #tpu.memory_space<hbm>> -> memref<8x3456xf32, #tpu.memory_space<hbm>>
          tpu.enqueue_dma source(%dma_start3A_1465 : memref<8x3456xf32, #tpu.memory_space<hbm>>) target(%arg6 : memref<8x3456xf32, #tpu.memory_space<vmem>>) target_semaphore(%arg15 : memref<!tpu.dma_semaphore, #tpu.memory_space<semaphore_mem>>)
        } else {
        }
        %mul3A_1397 = arith.constant 4 : i32
        %mul3A_1398 = arith.muli %mul3A_1397, %scan3A_1369 : i32
        %add3A_1399 = arith.constant 1 : i32
        %add3A_1400 = arith.addi %mul3A_1398, %add3A_1399 : i32
        %mul3A_1401 = arith.constant 3456 : i32
        %mul3A_1402 = arith.muli %add3A_1400, %mul3A_1401 : i32
        %dma_wait3A_1403 = tpu.memref_slice %arg3[%add3A_19, %mul3A_1402] : memref<1024x100000xf32, #tpu.memory_space<hbm>> -> memref<8x3456xf32, #tpu.memory_space<hbm>>
        %dma_wait3A_1404 = tpu.memref_slice %arg3[%add3A_19, %mul3A_1402] : memref<1024x100000xf32, #tpu.memory_space<hbm>> -> memref<8x3456xf32, #tpu.memory_space<hbm>>
        tpu.wait_dma2 semaphore(%arg16 : memref<!tpu.dma_semaphore, #tpu.memory_space<semaphore_mem>>) src(%dma_wait3A_1404 : memref<8x3456xf32, #tpu.memory_space<hbm>>) dst(%arg7 : memref<8x3456xf32, #tpu.memory_space<vmem>>)
        %scan3A_1405 = arith.constant 0 : i32
        %scan3A_1406 = arith.constant 216 : i32
        %scan3A_1407 = arith.addi %scan3A_1405, %scan3A_1406 : i32
        %scan3A_1408 = arith.constant 1 : i32
        %scan3A_1409:8 = scf.for %scan3A_1460 = %scan3A_1405 to %scan3A_1407 step %scan3A_1408 iter_args(%scan3A_1461 = %scan3A_1390#0, %scan3A_1462 = %scan3A_1390#1, %scan3A_1463 = %scan3A_1390#2, %scan3A_1464 = %scan3A_1390#3, %scan3A_1465 = %scan3A_1390#4, %scan3A_1466 = %scan3A_1390#5, %scan3A_1467 = %scan3A_1390#6, %scan3A_1468 = %scan3A_1390#7) -> (vector<16xf32>, vector<16xf32>, vector<16xf32>, vector<16xf32>, vector<16xf32>, vector<16xf32>, vector<16xf32>, vector<16xf32>)  : i32 {
          %mul3A_1469 = arith.constant 16 : i32
          %mul3A_1470 = arith.muli %scan3A_1460, %mul3A_1469 : i32
          %get3A_1471 = arith.constant 0 : i32
          %get3A_1472 = arith.index_cast %get3A_1471 : i32 to index
          %get3A_1473 = arith.index_cast %mul3A_1470 : i32 to index
          %get3A_1474 = tpu.vector_load %arg7[%get3A_1472, %get3A_1473] {strides = array<i32>} : memref<8x3456xf32, #tpu.memory_space<vmem>>, vector<1x16xf32>,
          %get3A_1475 = vector.shape_cast %get3A_1474 : vector<1x16xf32> to vector<16xf32>
          %mul3A_1476 = arith.constant 6.400000e+01 : f32
          %mul3A_1477 = vector.broadcast %mul3A_1476 : f32 to vector<16xf32>
          %mul3A_1478 = arith.mulf %mul3A_1477, %get3A_1475 : vector<16xf32>
          %sub3A_1479 = arith.constant 6.400000e+01 : f32
          %sub3A_1480 = vector.broadcast %sub3A_1479 : f32 to vector<16xf32>
          %sub3A_1481 = arith.subf %mul3A_1478, %sub3A_1480 : vector<16xf32>
          %exp3A_1482 = math.exp %sub3A_1481 : vector<16xf32>
          %add3A_1483 = arith.addf %scan3A_1461, %exp3A_1482 : vector<16xf32>
          %mul3A_1484 = arith.constant 16 : i32
          %mul3A_1485 = arith.muli %scan3A_1460, %mul3A_1484 : i32
          %get3A_1486 = arith.constant 1 : i32
          %get3A_1487 = arith.index_cast %get3A_1486 : i32 to index
          %get3A_1488 = arith.index_cast %mul3A_1485 : i32 to index
          %get3A_1489 = tpu.vector_load %arg7[%get3A_1487, %get3A_1488] {strides = array<i32>} : memref<8x3456xf32, #tpu.memory_space<vmem>>, vector<1x16xf32>,
          %get3A_1490 = vector.shape_cast %get3A_1489 : vector<1x16xf32> to vector<16xf32>
          %mul3A_1491 = arith.constant 6.400000e+01 : f32
          %mul3A_1492 = vector.broadcast %mul3A_1491 : f32 to vector<16xf32>
          %mul3A_1493 = arith.mulf %mul3A_1492, %get3A_1490 : vector<16xf32>
          %sub3A_1494 = arith.constant 6.400000e+01 : f32
          %sub3A_1495 = vector.broadcast %sub3A_1494 : f32 to vector<16xf32>
          %sub3A_1496 = arith.subf %mul3A_1493, %sub3A_1495 : vector<16xf32>
          %exp3A_1497 = math.exp %sub3A_1496 : vector<16xf32>
          %add3A_1498 = arith.addf %scan3A_1462, %exp3A_1497 : vector<16xf32>
          %mul3A_1499 = arith.constant 16 : i32
          %mul3A_1500 = arith.muli %scan3A_1460, %mul3A_1499 : i32
          %get3A_1501 = arith.constant 2 : i32
          %get3A_1502 = arith.index_cast %get3A_1501 : i32 to index
          %get3A_1503 = arith.index_cast %mul3A_1500 : i32 to index
          %get3A_1504 = tpu.vector_load %arg7[%get3A_1502, %get3A_1503] {strides = array<i32>} : memref<8x3456xf32, #tpu.memory_space<vmem>>, vector<1x16xf32>,
          %get3A_1505 = vector.shape_cast %get3A_1504 : vector<1x16xf32> to vector<16xf32>
          %mul3A_1506 = arith.constant 6.400000e+01 : f32
          %mul3A_1507 = vector.broadcast %mul3A_1506 : f32 to vector<16xf32>
          %mul3A_1508 = arith.mulf %mul3A_1507, %get3A_1505 : vector<16xf32>
          %sub3A_1509 = arith.constant 6.400000e+01 : f32
          %sub3A_1510 = vector.broadcast %sub3A_1509 : f32 to vector<16xf32>
          %sub3A_1511 = arith.subf %mul3A_1508, %sub3A_1510 : vector<16xf32>
          %exp3A_1512 = math.exp %sub3A_1511 : vector<16xf32>
          %add3A_1513 = arith.addf %scan3A_1463, %exp3A_1512 : vector<16xf32>
          %mul3A_1514 = arith.constant 16 : i32
          %mul3A_1515 = arith.muli %scan3A_1460, %mul3A_1514 : i32
          %get3A_1516 = arith.constant 3 : i32
          %get3A_1517 = arith.index_cast %get3A_1516 : i32 to index
          %get3A_1518 = arith.index_cast %mul3A_1515 : i32 to index
          %get3A_1519 = tpu.vector_load %arg7[%get3A_1517, %get3A_1518] {strides = array<i32>} : memref<8x3456xf32, #tpu.memory_space<vmem>>, vector<1x16xf32>,
          %get3A_1520 = vector.shape_cast %get3A_1519 : vector<1x16xf32> to vector<16xf32>
          %mul3A_1521 = arith.constant 6.400000e+01 : f32
          %mul3A_1522 = vector.broadcast %mul3A_1521 : f32 to vector<16xf32>
          %mul3A_1523 = arith.mulf %mul3A_1522, %get3A_1520 : vector<16xf32>
          %sub3A_1524 = arith.constant 6.400000e+01 : f32
          %sub3A_1525 = vector.broadcast %sub3A_1524 : f32 to vector<16xf32>
          %sub3A_1526 = arith.subf %mul3A_1523, %sub3A_1525 : vector<16xf32>
          %exp3A_1527 = math.exp %sub3A_1526 : vector<16xf32>
          %add3A_1528 = arith.addf %scan3A_1464, %exp3A_1527 : vector<16xf32>
          %mul3A_1529 = arith.constant 16 : i32
          %mul3A_1530 = arith.muli %scan3A_1460, %mul3A_1529 : i32
          %get3A_1531 = arith.constant 4 : i32
          %get3A_1532 = arith.index_cast %get3A_1531 : i32 to index
          %get3A_1533 = arith.index_cast %mul3A_1530 : i32 to index
          %get3A_1534 = tpu.vector_load %arg7[%get3A_1532, %get3A_1533] {strides = array<i32>} : memref<8x3456xf32, #tpu.memory_space<vmem>>, vector<1x16xf32>,
          %get3A_1535 = vector.shape_cast %get3A_1534 : vector<1x16xf32> to vector<16xf32>
          %mul3A_1536 = arith.constant 6.400000e+01 : f32
          %mul3A_1537 = vector.broadcast %mul3A_1536 : f32 to vector<16xf32>
          %mul3A_1538 = arith.mulf %mul3A_1537, %get3A_1535 : vector<16xf32>
          %sub3A_1539 = arith.constant 6.400000e+01 : f32
          %sub3A_1540 = vector.broadcast %sub3A_1539 : f32 to vector<16xf32>
          %sub3A_1541 = arith.subf %mul3A_1538, %sub3A_1540 : vector<16xf32>
          %exp3A_1542 = math.exp %sub3A_1541 : vector<16xf32>
          %add3A_1543 = arith.addf %scan3A_1465, %exp3A_1542 : vector<16xf32>
          %mul3A_1544 = arith.constant 16 : i32
          %mul3A_1545 = arith.muli %scan3A_1460, %mul3A_1544 : i32
          %get3A_1546 = arith.constant 5 : i32
          %get3A_1547 = arith.index_cast %get3A_1546 : i32 to index
          %get3A_1548 = arith.index_cast %mul3A_1545 : i32 to index
          %get3A_1549 = tpu.vector_load %arg7[%get3A_1547, %get3A_1548] {strides = array<i32>} : memref<8x3456xf32, #tpu.memory_space<vmem>>, vector<1x16xf32>,
          %get3A_1550 = vector.shape_cast %get3A_1549 : vector<1x16xf32> to vector<16xf32>
          %mul3A_1551 = arith.constant 6.400000e+01 : f32
          %mul3A_1552 = vector.broadcast %mul3A_1551 : f32 to vector<16xf32>
          %mul3A_1553 = arith.mulf %mul3A_1552, %get3A_1550 : vector<16xf32>
          %sub3A_1554 = arith.constant 6.400000e+01 : f32
          %sub3A_1555 = vector.broadcast %sub3A_1554 : f32 to vector<16xf32>
          %sub3A_1556 = arith.subf %mul3A_1553, %sub3A_1555 : vector<16xf32>
          %exp3A_1557 = math.exp %sub3A_1556 : vector<16xf32>
          %add3A_1558 = arith.addf %scan3A_1466, %exp3A_1557 : vector<16xf32>
          %mul3A_1559 = arith.constant 16 : i32
          %mul3A_1560 = arith.muli %scan3A_1460, %mul3A_1559 : i32
          %get3A_1561 = arith.constant 6 : i32
          %get3A_1562 = arith.index_cast %get3A_1561 : i32 to index
          %get3A_1563 = arith.index_cast %mul3A_1560 : i32 to index
          %get3A_1564 = tpu.vector_load %arg7[%get3A_1562, %get3A_1563] {strides = array<i32>} : memref<8x3456xf32, #tpu.memory_space<vmem>>, vector<1x16xf32>,
          %get3A_1565 = vector.shape_cast %get3A_1564 : vector<1x16xf32> to vector<16xf32>
          %mul3A_1566 = arith.constant 6.400000e+01 : f32
          %mul3A_1567 = vector.broadcast %mul3A_1566 : f32 to vector<16xf32>
          %mul3A_1568 = arith.mulf %mul3A_1567, %get3A_1565 : vector<16xf32>
          %sub3A_1569 = arith.constant 6.400000e+01 : f32
          %sub3A_1570 = vector.broadcast %sub3A_1569 : f32 to vector<16xf32>
          %sub3A_1571 = arith.subf %mul3A_1568, %sub3A_1570 : vector<16xf32>
          %exp3A_1572 = math.exp %sub3A_1571 : vector<16xf32>
          %add3A_1573 = arith.addf %scan3A_1467, %exp3A_1572 : vector<16xf32>
          %mul3A_1574 = arith.constant 16 : i32
          %mul3A_1575 = arith.muli %scan3A_1460, %mul3A_1574 : i32
          %get3A_1576 = arith.constant 7 : i32
          %get3A_1577 = arith.index_cast %get3A_1576 : i32 to index
          %get3A_1578 = arith.index_cast %mul3A_1575 : i32 to index
          %get3A_1579 = tpu.vector_load %arg7[%get3A_1577, %get3A_1578] {strides = array<i32>} : memref<8x3456xf32, #tpu.memory_space<vmem>>, vector<1x16xf32>,
          %get3A_1580 = vector.shape_cast %get3A_1579 : vector<1x16xf32> to vector<16xf32>
          %mul3A_1581 = arith.constant 6.400000e+01 : f32
          %mul3A_1582 = vector.broadcast %mul3A_1581 : f32 to vector<16xf32>
          %mul3A_1583 = arith.mulf %mul3A_1582, %get3A_1580 : vector<16xf32>
          %sub3A_1584 = arith.constant 6.400000e+01 : f32
          %sub3A_1585 = vector.broadcast %sub3A_1584 : f32 to vector<16xf32>
          %sub3A_1586 = arith.subf %mul3A_1583, %sub3A_1585 : vector<16xf32>
          %exp3A_1587 = math.exp %sub3A_1586 : vector<16xf32>
          %add3A_1588 = arith.addf %scan3A_1468, %exp3A_1587 : vector<16xf32>
          scf.yield %add3A_1483, %add3A_1498, %add3A_1513, %add3A_1528, %add3A_1543, %add3A_1558, %add3A_1573, %add3A_1588 : vector<16xf32>, vector<16xf32>, vector<16xf32>, vector<16xf32>, vector<16xf32>, vector<16xf32>, vector<16xf32>, vector<16xf32>
        }
        %scan3A_1410 = arith.constant 216 : i32
        %add3A_1411 = arith.constant 4 : i32
        %add3A_1412 = arith.addi %add3A_1400, %add3A_1411 : i32
        %lt3A_1413 = arith.constant 28 : i32
        %lt3A_1414 = arith.cmpi slt, %add3A_1412, %lt3A_1413 : i32
        %convert_element_type3A_1415 = arith.extui %lt3A_1414 : i1 to i32
        %cond3A_1416 = arith.constant 0 : i32
        %cond3A_1417 = arith.cmpi ne, %convert_element_type3A_1415, %cond3A_1416 : i32
        scf.if %cond3A_1417 {
          %add3A_1460 = arith.constant 4 : i32
          %add3A_1461 = arith.addi %add3A_1400, %add3A_1460 : i32
          %mul3A_1462 = arith.constant 3456 : i32
          %mul3A_1463 = arith.muli %add3A_1461, %mul3A_1462 : i32
          %dma_start3A_1464 = tpu.memref_slice %arg3[%add3A_19, %mul3A_1463] : memref<1024x100000xf32, #tpu.memory_space<hbm>> -> memref<8x3456xf32, #tpu.memory_space<hbm>>
          %dma_start3A_1465 = tpu.memref_slice %arg3[%add3A_19, %mul3A_1463] : memref<1024x100000xf32, #tpu.memory_space<hbm>> -> memref<8x3456xf32, #tpu.memory_space<hbm>>
          tpu.enqueue_dma source(%dma_start3A_1465 : memref<8x3456xf32, #tpu.memory_space<hbm>>) target(%arg7 : memref<8x3456xf32, #tpu.memory_space<vmem>>) target_semaphore(%arg16 : memref<!tpu.dma_semaphore, #tpu.memory_space<semaphore_mem>>)
        } else {
        }
        %mul3A_1418 = arith.constant 4 : i32
        %mul3A_1419 = arith.muli %mul3A_1418, %scan3A_1369 : i32
        %add3A_1420 = arith.constant 2 : i32
        %add3A_1421 = arith.addi %mul3A_1419, %add3A_1420 : i32
        %mul3A_1422 = arith.constant 3456 : i32
        %mul3A_1423 = arith.muli %add3A_1421, %mul3A_1422 : i32
        %dma_wait3A_1424 = tpu.memref_slice %arg3[%add3A_19, %mul3A_1423] : memref<1024x100000xf32, #tpu.memory_space<hbm>> -> memref<8x3456xf32, #tpu.memory_space<hbm>>
        %dma_wait3A_1425 = tpu.memref_slice %arg3[%add3A_19, %mul3A_1423] : memref<1024x100000xf32, #tpu.memory_space<hbm>> -> memref<8x3456xf32, #tpu.memory_space<hbm>>
        tpu.wait_dma2 semaphore(%arg17 : memref<!tpu.dma_semaphore, #tpu.memory_space<semaphore_mem>>) src(%dma_wait3A_1425 : memref<8x3456xf32, #tpu.memory_space<hbm>>) dst(%arg8 : memref<8x3456xf32, #tpu.memory_space<vmem>>)
        %scan3A_1426 = arith.constant 0 : i32
        %scan3A_1427 = arith.constant 216 : i32
        %scan3A_1428 = arith.addi %scan3A_1426, %scan3A_1427 : i32
        %scan3A_1429 = arith.constant 1 : i32
        %scan3A_1430:8 = scf.for %scan3A_1460 = %scan3A_1426 to %scan3A_1428 step %scan3A_1429 iter_args(%scan3A_1461 = %scan3A_1409#0, %scan3A_1462 = %scan3A_1409#1, %scan3A_1463 = %scan3A_1409#2, %scan3A_1464 = %scan3A_1409#3, %scan3A_1465 = %scan3A_1409#4, %scan3A_1466 = %scan3A_1409#5, %scan3A_1467 = %scan3A_1409#6, %scan3A_1468 = %scan3A_1409#7) -> (vector<16xf32>, vector<16xf32>, vector<16xf32>, vector<16xf32>, vector<16xf32>, vector<16xf32>, vector<16xf32>, vector<16xf32>)  : i32 {
          %mul3A_1469 = arith.constant 16 : i32
          %mul3A_1470 = arith.muli %scan3A_1460, %mul3A_1469 : i32
          %get3A_1471 = arith.constant 0 : i32
          %get3A_1472 = arith.index_cast %get3A_1471 : i32 to index
          %get3A_1473 = arith.index_cast %mul3A_1470 : i32 to index
          %get3A_1474 = tpu.vector_load %arg8[%get3A_1472, %get3A_1473] {strides = array<i32>} : memref<8x3456xf32, #tpu.memory_space<vmem>>, vector<1x16xf32>,
          %get3A_1475 = vector.shape_cast %get3A_1474 : vector<1x16xf32> to vector<16xf32>
          %mul3A_1476 = arith.constant 6.400000e+01 : f32
          %mul3A_1477 = vector.broadcast %mul3A_1476 : f32 to vector<16xf32>
          %mul3A_1478 = arith.mulf %mul3A_1477, %get3A_1475 : vector<16xf32>
          %sub3A_1479 = arith.constant 6.400000e+01 : f32
          %sub3A_1480 = vector.broadcast %sub3A_1479 : f32 to vector<16xf32>
          %sub3A_1481 = arith.subf %mul3A_1478, %sub3A_1480 : vector<16xf32>
          %exp3A_1482 = math.exp %sub3A_1481 : vector<16xf32>
          %add3A_1483 = arith.addf %scan3A_1461, %exp3A_1482 : vector<16xf32>
          %mul3A_1484 = arith.constant 16 : i32
          %mul3A_1485 = arith.muli %scan3A_1460, %mul3A_1484 : i32
          %get3A_1486 = arith.constant 1 : i32
          %get3A_1487 = arith.index_cast %get3A_1486 : i32 to index
          %get3A_1488 = arith.index_cast %mul3A_1485 : i32 to index
          %get3A_1489 = tpu.vector_load %arg8[%get3A_1487, %get3A_1488] {strides = array<i32>} : memref<8x3456xf32, #tpu.memory_space<vmem>>, vector<1x16xf32>,
          %get3A_1490 = vector.shape_cast %get3A_1489 : vector<1x16xf32> to vector<16xf32>
          %mul3A_1491 = arith.constant 6.400000e+01 : f32
          %mul3A_1492 = vector.broadcast %mul3A_1491 : f32 to vector<16xf32>
          %mul3A_1493 = arith.mulf %mul3A_1492, %get3A_1490 : vector<16xf32>
          %sub3A_1494 = arith.constant 6.400000e+01 : f32
          %sub3A_1495 = vector.broadcast %sub3A_1494 : f32 to vector<16xf32>
          %sub3A_1496 = arith.subf %mul3A_1493, %sub3A_1495 : vector<16xf32>
          %exp3A_1497 = math.exp %sub3A_1496 : vector<16xf32>
          %add3A_1498 = arith.addf %scan3A_1462, %exp3A_1497 : vector<16xf32>
          %mul3A_1499 = arith.constant 16 : i32
          %mul3A_1500 = arith.muli %scan3A_1460, %mul3A_1499 : i32
          %get3A_1501 = arith.constant 2 : i32
          %get3A_1502 = arith.index_cast %get3A_1501 : i32 to index
          %get3A_1503 = arith.index_cast %mul3A_1500 : i32 to index
          %get3A_1504 = tpu.vector_load %arg8[%get3A_1502, %get3A_1503] {strides = array<i32>} : memref<8x3456xf32, #tpu.memory_space<vmem>>, vector<1x16xf32>,
          %get3A_1505 = vector.shape_cast %get3A_1504 : vector<1x16xf32> to vector<16xf32>
          %mul3A_1506 = arith.constant 6.400000e+01 : f32
          %mul3A_1507 = vector.broadcast %mul3A_1506 : f32 to vector<16xf32>
          %mul3A_1508 = arith.mulf %mul3A_1507, %get3A_1505 : vector<16xf32>
          %sub3A_1509 = arith.constant 6.400000e+01 : f32
          %sub3A_1510 = vector.broadcast %sub3A_1509 : f32 to vector<16xf32>
          %sub3A_1511 = arith.subf %mul3A_1508, %sub3A_1510 : vector<16xf32>
          %exp3A_1512 = math.exp %sub3A_1511 : vector<16xf32>
          %add3A_1513 = arith.addf %scan3A_1463, %exp3A_1512 : vector<16xf32>
          %mul3A_1514 = arith.constant 16 : i32
          %mul3A_1515 = arith.muli %scan3A_1460, %mul3A_1514 : i32
          %get3A_1516 = arith.constant 3 : i32
          %get3A_1517 = arith.index_cast %get3A_1516 : i32 to index
          %get3A_1518 = arith.index_cast %mul3A_1515 : i32 to index
          %get3A_1519 = tpu.vector_load %arg8[%get3A_1517, %get3A_1518] {strides = array<i32>} : memref<8x3456xf32, #tpu.memory_space<vmem>>, vector<1x16xf32>,
          %get3A_1520 = vector.shape_cast %get3A_1519 : vector<1x16xf32> to vector<16xf32>
          %mul3A_1521 = arith.constant 6.400000e+01 : f32
          %mul3A_1522 = vector.broadcast %mul3A_1521 : f32 to vector<16xf32>
          %mul3A_1523 = arith.mulf %mul3A_1522, %get3A_1520 : vector<16xf32>
          %sub3A_1524 = arith.constant 6.400000e+01 : f32
          %sub3A_1525 = vector.broadcast %sub3A_1524 : f32 to vector<16xf32>
          %sub3A_1526 = arith.subf %mul3A_1523, %sub3A_1525 : vector<16xf32>
          %exp3A_1527 = math.exp %sub3A_1526 : vector<16xf32>
          %add3A_1528 = arith.addf %scan3A_1464, %exp3A_1527 : vector<16xf32>
          %mul3A_1529 = arith.constant 16 : i32
          %mul3A_1530 = arith.muli %scan3A_1460, %mul3A_1529 : i32
          %get3A_1531 = arith.constant 4 : i32
          %get3A_1532 = arith.index_cast %get3A_1531 : i32 to index
          %get3A_1533 = arith.index_cast %mul3A_1530 : i32 to index
          %get3A_1534 = tpu.vector_load %arg8[%get3A_1532, %get3A_1533] {strides = array<i32>} : memref<8x3456xf32, #tpu.memory_space<vmem>>, vector<1x16xf32>,
          %get3A_1535 = vector.shape_cast %get3A_1534 : vector<1x16xf32> to vector<16xf32>
          %mul3A_1536 = arith.constant 6.400000e+01 : f32
          %mul3A_1537 = vector.broadcast %mul3A_1536 : f32 to vector<16xf32>
          %mul3A_1538 = arith.mulf %mul3A_1537, %get3A_1535 : vector<16xf32>
          %sub3A_1539 = arith.constant 6.400000e+01 : f32
          %sub3A_1540 = vector.broadcast %sub3A_1539 : f32 to vector<16xf32>
          %sub3A_1541 = arith.subf %mul3A_1538, %sub3A_1540 : vector<16xf32>
          %exp3A_1542 = math.exp %sub3A_1541 : vector<16xf32>
          %add3A_1543 = arith.addf %scan3A_1465, %exp3A_1542 : vector<16xf32>
          %mul3A_1544 = arith.constant 16 : i32
          %mul3A_1545 = arith.muli %scan3A_1460, %mul3A_1544 : i32
          %get3A_1546 = arith.constant 5 : i32
          %get3A_1547 = arith.index_cast %get3A_1546 : i32 to index
          %get3A_1548 = arith.index_cast %mul3A_1545 : i32 to index
          %get3A_1549 = tpu.vector_load %arg8[%get3A_1547, %get3A_1548] {strides = array<i32>} : memref<8x3456xf32, #tpu.memory_space<vmem>>, vector<1x16xf32>,
          %get3A_1550 = vector.shape_cast %get3A_1549 : vector<1x16xf32> to vector<16xf32>
          %mul3A_1551 = arith.constant 6.400000e+01 : f32
          %mul3A_1552 = vector.broadcast %mul3A_1551 : f32 to vector<16xf32>
          %mul3A_1553 = arith.mulf %mul3A_1552, %get3A_1550 : vector<16xf32>
          %sub3A_1554 = arith.constant 6.400000e+01 : f32
          %sub3A_1555 = vector.broadcast %sub3A_1554 : f32 to vector<16xf32>
          %sub3A_1556 = arith.subf %mul3A_1553, %sub3A_1555 : vector<16xf32>
          %exp3A_1557 = math.exp %sub3A_1556 : vector<16xf32>
          %add3A_1558 = arith.addf %scan3A_1466, %exp3A_1557 : vector<16xf32>
          %mul3A_1559 = arith.constant 16 : i32
          %mul3A_1560 = arith.muli %scan3A_1460, %mul3A_1559 : i32
          %get3A_1561 = arith.constant 6 : i32
          %get3A_1562 = arith.index_cast %get3A_1561 : i32 to index
          %get3A_1563 = arith.index_cast %mul3A_1560 : i32 to index
          %get3A_1564 = tpu.vector_load %arg8[%get3A_1562, %get3A_1563] {strides = array<i32>} : memref<8x3456xf32, #tpu.memory_space<vmem>>, vector<1x16xf32>,
          %get3A_1565 = vector.shape_cast %get3A_1564 : vector<1x16xf32> to vector<16xf32>
          %mul3A_1566 = arith.constant 6.400000e+01 : f32
          %mul3A_1567 = vector.broadcast %mul3A_1566 : f32 to vector<16xf32>
          %mul3A_1568 = arith.mulf %mul3A_1567, %get3A_1565 : vector<16xf32>
          %sub3A_1569 = arith.constant 6.400000e+01 : f32
          %sub3A_1570 = vector.broadcast %sub3A_1569 : f32 to vector<16xf32>
          %sub3A_1571 = arith.subf %mul3A_1568, %sub3A_1570 : vector<16xf32>
          %exp3A_1572 = math.exp %sub3A_1571 : vector<16xf32>
          %add3A_1573 = arith.addf %scan3A_1467, %exp3A_1572 : vector<16xf32>
          %mul3A_1574 = arith.constant 16 : i32
          %mul3A_1575 = arith.muli %scan3A_1460, %mul3A_1574 : i32
          %get3A_1576 = arith.constant 7 : i32
          %get3A_1577 = arith.index_cast %get3A_1576 : i32 to index
          %get3A_1578 = arith.index_cast %mul3A_1575 : i32 to index
          %get3A_1579 = tpu.vector_load %arg8[%get3A_1577, %get3A_1578] {strides = array<i32>} : memref<8x3456xf32, #tpu.memory_space<vmem>>, vector<1x16xf32>,
          %get3A_1580 = vector.shape_cast %get3A_1579 : vector<1x16xf32> to vector<16xf32>
          %mul3A_1581 = arith.constant 6.400000e+01 : f32
          %mul3A_1582 = vector.broadcast %mul3A_1581 : f32 to vector<16xf32>
          %mul3A_1583 = arith.mulf %mul3A_1582, %get3A_1580 : vector<16xf32>
          %sub3A_1584 = arith.constant 6.400000e+01 : f32
          %sub3A_1585 = vector.broadcast %sub3A_1584 : f32 to vector<16xf32>
          %sub3A_1586 = arith.subf %mul3A_1583, %sub3A_1585 : vector<16xf32>
          %exp3A_1587 = math.exp %sub3A_1586 : vector<16xf32>
          %add3A_1588 = arith.addf %scan3A_1468, %exp3A_1587 : vector<16xf32>
          scf.yield %add3A_1483, %add3A_1498, %add3A_1513, %add3A_1528, %add3A_1543, %add3A_1558, %add3A_1573, %add3A_1588 : vector<16xf32>, vector<16xf32>, vector<16xf32>, vector<16xf32>, vector<16xf32>, vector<16xf32>, vector<16xf32>, vector<16xf32>
        }
        %scan3A_1431 = arith.constant 216 : i32
        %add3A_1432 = arith.constant 4 : i32
        %add3A_1433 = arith.addi %add3A_1421, %add3A_1432 : i32
        %lt3A_1434 = arith.constant 28 : i32
        %lt3A_1435 = arith.cmpi slt, %add3A_1433, %lt3A_1434 : i32
        %convert_element_type3A_1436 = arith.extui %lt3A_1435 : i1 to i32
        %cond3A_1437 = arith.constant 0 : i32
        %cond3A_1438 = arith.cmpi ne, %convert_element_type3A_1436, %cond3A_1437 : i32
        scf.if %cond3A_1438 {
          %add3A_1460 = arith.constant 4 : i32
          %add3A_1461 = arith.addi %add3A_1421, %add3A_1460 : i32
          %mul3A_1462 = arith.constant 3456 : i32
          %mul3A_1463 = arith.muli %add3A_1461, %mul3A_1462 : i32
          %dma_start3A_1464 = tpu.memref_slice %arg3[%add3A_19, %mul3A_1463] : memref<1024x100000xf32, #tpu.memory_space<hbm>> -> memref<8x3456xf32, #tpu.memory_space<hbm>>
          %dma_start3A_1465 = tpu.memref_slice %arg3[%add3A_19, %mul3A_1463] : memref<1024x100000xf32, #tpu.memory_space<hbm>> -> memref<8x3456xf32, #tpu.memory_space<hbm>>
          tpu.enqueue_dma source(%dma_start3A_1465 : memref<8x3456xf32, #tpu.memory_space<hbm>>) target(%arg8 : memref<8x3456xf32, #tpu.memory_space<vmem>>) target_semaphore(%arg17 : memref<!tpu.dma_semaphore, #tpu.memory_space<semaphore_mem>>)
        } else {
        }
        %mul3A_1439 = arith.constant 4 : i32
        %mul3A_1440 = arith.muli %mul3A_1439, %scan3A_1369 : i32
        %add3A_1441 = arith.constant 3 : i32
        %add3A_1442 = arith.addi %mul3A_1440, %add3A_1441 : i32
        %mul3A_1443 = arith.constant 3456 : i32
        %mul3A_1444 = arith.muli %add3A_1442, %mul3A_1443 : i32
        %dma_wait3A_1445 = tpu.memref_slice %arg3[%add3A_19, %mul3A_1444] : memref<1024x100000xf32, #tpu.memory_space<hbm>> -> memref<8x3456xf32, #tpu.memory_space<hbm>>
        %dma_wait3A_1446 = tpu.memref_slice %arg3[%add3A_19, %mul3A_1444] : memref<1024x100000xf32, #tpu.memory_space<hbm>> -> memref<8x3456xf32, #tpu.memory_space<hbm>>
        tpu.wait_dma2 semaphore(%arg18 : memref<!tpu.dma_semaphore, #tpu.memory_space<semaphore_mem>>) src(%dma_wait3A_1446 : memref<8x3456xf32, #tpu.memory_space<hbm>>) dst(%arg9 : memref<8x3456xf32, #tpu.memory_space<vmem>>)
        %scan3A_1447 = arith.constant 0 : i32
        %scan3A_1448 = arith.constant 216 : i32
        %scan3A_1449 = arith.addi %scan3A_1447, %scan3A_1448 : i32
        %scan3A_1450 = arith.constant 1 : i32
        %scan3A_1451:8 = scf.for %scan3A_1460 = %scan3A_1447 to %scan3A_1449 step %scan3A_1450 iter_args(%scan3A_1461 = %scan3A_1430#0, %scan3A_1462 = %scan3A_1430#1, %scan3A_1463 = %scan3A_1430#2, %scan3A_1464 = %scan3A_1430#3, %scan3A_1465 = %scan3A_1430#4, %scan3A_1466 = %scan3A_1430#5, %scan3A_1467 = %scan3A_1430#6, %scan3A_1468 = %scan3A_1430#7) -> (vector<16xf32>, vector<16xf32>, vector<16xf32>, vector<16xf32>, vector<16xf32>, vector<16xf32>, vector<16xf32>, vector<16xf32>)  : i32 {
          %mul3A_1469 = arith.constant 16 : i32
          %mul3A_1470 = arith.muli %scan3A_1460, %mul3A_1469 : i32
          %get3A_1471 = arith.constant 0 : i32
          %get3A_1472 = arith.index_cast %get3A_1471 : i32 to index
          %get3A_1473 = arith.index_cast %mul3A_1470 : i32 to index
          %get3A_1474 = tpu.vector_load %arg9[%get3A_1472, %get3A_1473] {strides = array<i32>} : memref<8x3456xf32, #tpu.memory_space<vmem>>, vector<1x16xf32>,
          %get3A_1475 = vector.shape_cast %get3A_1474 : vector<1x16xf32> to vector<16xf32>
          %mul3A_1476 = arith.constant 6.400000e+01 : f32
          %mul3A_1477 = vector.broadcast %mul3A_1476 : f32 to vector<16xf32>
          %mul3A_1478 = arith.mulf %mul3A_1477, %get3A_1475 : vector<16xf32>
          %sub3A_1479 = arith.constant 6.400000e+01 : f32
          %sub3A_1480 = vector.broadcast %sub3A_1479 : f32 to vector<16xf32>
          %sub3A_1481 = arith.subf %mul3A_1478, %sub3A_1480 : vector<16xf32>
          %exp3A_1482 = math.exp %sub3A_1481 : vector<16xf32>
          %add3A_1483 = arith.addf %scan3A_1461, %exp3A_1482 : vector<16xf32>
          %mul3A_1484 = arith.constant 16 : i32
          %mul3A_1485 = arith.muli %scan3A_1460, %mul3A_1484 : i32
          %get3A_1486 = arith.constant 1 : i32
          %get3A_1487 = arith.index_cast %get3A_1486 : i32 to index
          %get3A_1488 = arith.index_cast %mul3A_1485 : i32 to index
          %get3A_1489 = tpu.vector_load %arg9[%get3A_1487, %get3A_1488] {strides = array<i32>} : memref<8x3456xf32, #tpu.memory_space<vmem>>, vector<1x16xf32>,
          %get3A_1490 = vector.shape_cast %get3A_1489 : vector<1x16xf32> to vector<16xf32>
          %mul3A_1491 = arith.constant 6.400000e+01 : f32
          %mul3A_1492 = vector.broadcast %mul3A_1491 : f32 to vector<16xf32>
          %mul3A_1493 = arith.mulf %mul3A_1492, %get3A_1490 : vector<16xf32>
          %sub3A_1494 = arith.constant 6.400000e+01 : f32
          %sub3A_1495 = vector.broadcast %sub3A_1494 : f32 to vector<16xf32>
          %sub3A_1496 = arith.subf %mul3A_1493, %sub3A_1495 : vector<16xf32>
          %exp3A_1497 = math.exp %sub3A_1496 : vector<16xf32>
          %add3A_1498 = arith.addf %scan3A_1462, %exp3A_1497 : vector<16xf32>
          %mul3A_1499 = arith.constant 16 : i32
          %mul3A_1500 = arith.muli %scan3A_1460, %mul3A_1499 : i32
          %get3A_1501 = arith.constant 2 : i32
          %get3A_1502 = arith.index_cast %get3A_1501 : i32 to index
          %get3A_1503 = arith.index_cast %mul3A_1500 : i32 to index
          %get3A_1504 = tpu.vector_load %arg9[%get3A_1502, %get3A_1503] {strides = array<i32>} : memref<8x3456xf32, #tpu.memory_space<vmem>>, vector<1x16xf32>,
          %get3A_1505 = vector.shape_cast %get3A_1504 : vector<1x16xf32> to vector<16xf32>
          %mul3A_1506 = arith.constant 6.400000e+01 : f32
          %mul3A_1507 = vector.broadcast %mul3A_1506 : f32 to vector<16xf32>
          %mul3A_1508 = arith.mulf %mul3A_1507, %get3A_1505 : vector<16xf32>
          %sub3A_1509 = arith.constant 6.400000e+01 : f32
          %sub3A_1510 = vector.broadcast %sub3A_1509 : f32 to vector<16xf32>
          %sub3A_1511 = arith.subf %mul3A_1508, %sub3A_1510 : vector<16xf32>
          %exp3A_1512 = math.exp %sub3A_1511 : vector<16xf32>
          %add3A_1513 = arith.addf %scan3A_1463, %exp3A_1512 : vector<16xf32>
          %mul3A_1514 = arith.constant 16 : i32
          %mul3A_1515 = arith.muli %scan3A_1460, %mul3A_1514 : i32
          %get3A_1516 = arith.constant 3 : i32
          %get3A_1517 = arith.index_cast %get3A_1516 : i32 to index
          %get3A_1518 = arith.index_cast %mul3A_1515 : i32 to index
          %get3A_1519 = tpu.vector_load %arg9[%get3A_1517, %get3A_1518] {strides = array<i32>} : memref<8x3456xf32, #tpu.memory_space<vmem>>, vector<1x16xf32>,
          %get3A_1520 = vector.shape_cast %get3A_1519 : vector<1x16xf32> to vector<16xf32>
          %mul3A_1521 = arith.constant 6.400000e+01 : f32
          %mul3A_1522 = vector.broadcast %mul3A_1521 : f32 to vector<16xf32>
          %mul3A_1523 = arith.mulf %mul3A_1522, %get3A_1520 : vector<16xf32>
          %sub3A_1524 = arith.constant 6.400000e+01 : f32
          %sub3A_1525 = vector.broadcast %sub3A_1524 : f32 to vector<16xf32>
          %sub3A_1526 = arith.subf %mul3A_1523, %sub3A_1525 : vector<16xf32>
          %exp3A_1527 = math.exp %sub3A_1526 : vector<16xf32>
          %add3A_1528 = arith.addf %scan3A_1464, %exp3A_1527 : vector<16xf32>
          %mul3A_1529 = arith.constant 16 : i32
          %mul3A_1530 = arith.muli %scan3A_1460, %mul3A_1529 : i32
          %get3A_1531 = arith.constant 4 : i32
          %get3A_1532 = arith.index_cast %get3A_1531 : i32 to index
          %get3A_1533 = arith.index_cast %mul3A_1530 : i32 to index
          %get3A_1534 = tpu.vector_load %arg9[%get3A_1532, %get3A_1533] {strides = array<i32>} : memref<8x3456xf32, #tpu.memory_space<vmem>>, vector<1x16xf32>,
          %get3A_1535 = vector.shape_cast %get3A_1534 : vector<1x16xf32> to vector<16xf32>
          %mul3A_1536 = arith.constant 6.400000e+01 : f32
          %mul3A_1537 = vector.broadcast %mul3A_1536 : f32 to vector<16xf32>
          %mul3A_1538 = arith.mulf %mul3A_1537, %get3A_1535 : vector<16xf32>
          %sub3A_1539 = arith.constant 6.400000e+01 : f32
          %sub3A_1540 = vector.broadcast %sub3A_1539 : f32 to vector<16xf32>
          %sub3A_1541 = arith.subf %mul3A_1538, %sub3A_1540 : vector<16xf32>
          %exp3A_1542 = math.exp %sub3A_1541 : vector<16xf32>
          %add3A_1543 = arith.addf %scan3A_1465, %exp3A_1542 : vector<16xf32>
          %mul3A_1544 = arith.constant 16 : i32
          %mul3A_1545 = arith.muli %scan3A_1460, %mul3A_1544 : i32
          %get3A_1546 = arith.constant 5 : i32
          %get3A_1547 = arith.index_cast %get3A_1546 : i32 to index
          %get3A_1548 = arith.index_cast %mul3A_1545 : i32 to index
          %get3A_1549 = tpu.vector_load %arg9[%get3A_1547, %get3A_1548] {strides = array<i32>} : memref<8x3456xf32, #tpu.memory_space<vmem>>, vector<1x16xf32>,
          %get3A_1550 = vector.shape_cast %get3A_1549 : vector<1x16xf32> to vector<16xf32>
          %mul3A_1551 = arith.constant 6.400000e+01 : f32
          %mul3A_1552 = vector.broadcast %mul3A_1551 : f32 to vector<16xf32>
          %mul3A_1553 = arith.mulf %mul3A_1552, %get3A_1550 : vector<16xf32>
          %sub3A_1554 = arith.constant 6.400000e+01 : f32
          %sub3A_1555 = vector.broadcast %sub3A_1554 : f32 to vector<16xf32>
          %sub3A_1556 = arith.subf %mul3A_1553, %sub3A_1555 : vector<16xf32>
          %exp3A_1557 = math.exp %sub3A_1556 : vector<16xf32>
          %add3A_1558 = arith.addf %scan3A_1466, %exp3A_1557 : vector<16xf32>
          %mul3A_1559 = arith.constant 16 : i32
          %mul3A_1560 = arith.muli %scan3A_1460, %mul3A_1559 : i32
          %get3A_1561 = arith.constant 6 : i32
          %get3A_1562 = arith.index_cast %get3A_1561 : i32 to index
          %get3A_1563 = arith.index_cast %mul3A_1560 : i32 to index
          %get3A_1564 = tpu.vector_load %arg9[%get3A_1562, %get3A_1563] {strides = array<i32>} : memref<8x3456xf32, #tpu.memory_space<vmem>>, vector<1x16xf32>,
          %get3A_1565 = vector.shape_cast %get3A_1564 : vector<1x16xf32> to vector<16xf32>
          %mul3A_1566 = arith.constant 6.400000e+01 : f32
          %mul3A_1567 = vector.broadcast %mul3A_1566 : f32 to vector<16xf32>
          %mul3A_1568 = arith.mulf %mul3A_1567, %get3A_1565 : vector<16xf32>
          %sub3A_1569 = arith.constant 6.400000e+01 : f32
          %sub3A_1570 = vector.broadcast %sub3A_1569 : f32 to vector<16xf32>
          %sub3A_1571 = arith.subf %mul3A_1568, %sub3A_1570 : vector<16xf32>
          %exp3A_1572 = math.exp %sub3A_1571 : vector<16xf32>
          %add3A_1573 = arith.addf %scan3A_1467, %exp3A_1572 : vector<16xf32>
          %mul3A_1574 = arith.constant 16 : i32
          %mul3A_1575 = arith.muli %scan3A_1460, %mul3A_1574 : i32
          %get3A_1576 = arith.constant 7 : i32
          %get3A_1577 = arith.index_cast %get3A_1576 : i32 to index
          %get3A_1578 = arith.index_cast %mul3A_1575 : i32 to index
          %get3A_1579 = tpu.vector_load %arg9[%get3A_1577, %get3A_1578] {strides = array<i32>} : memref<8x3456xf32, #tpu.memory_space<vmem>>, vector<1x16xf32>,
          %get3A_1580 = vector.shape_cast %get3A_1579 : vector<1x16xf32> to vector<16xf32>
          %mul3A_1581 = arith.constant 6.400000e+01 : f32
          %mul3A_1582 = vector.broadcast %mul3A_1581 : f32 to vector<16xf32>
          %mul3A_1583 = arith.mulf %mul3A_1582, %get3A_1580 : vector<16xf32>
          %sub3A_1584 = arith.constant 6.400000e+01 : f32
          %sub3A_1585 = vector.broadcast %sub3A_1584 : f32 to vector<16xf32>
          %sub3A_1586 = arith.subf %mul3A_1583, %sub3A_1585 : vector<16xf32>
          %exp3A_1587 = math.exp %sub3A_1586 : vector<16xf32>
          %add3A_1588 = arith.addf %scan3A_1468, %exp3A_1587 : vector<16xf32>
          scf.yield %add3A_1483, %add3A_1498, %add3A_1513, %add3A_1528, %add3A_1543, %add3A_1558, %add3A_1573, %add3A_1588 : vector<16xf32>, vector<16xf32>, vector<16xf32>, vector<16xf32>, vector<16xf32>, vector<16xf32>, vector<16xf32>, vector<16xf32>
        }
        %scan3A_1452 = arith.constant 216 : i32
        %add3A_1453 = arith.constant 4 : i32
        %add3A_1454 = arith.addi %add3A_1442, %add3A_1453 : i32
        %lt3A_1455 = arith.constant 28 : i32
        %lt3A_1456 = arith.cmpi slt, %add3A_1454, %lt3A_1455 : i32
        %convert_element_type3A_1457 = arith.extui %lt3A_1456 : i1 to i32
        %cond3A_1458 = arith.constant 0 : i32
        %cond3A_1459 = arith.cmpi ne, %convert_element_type3A_1457, %cond3A_1458 : i32
        scf.if %cond3A_1459 {
          %add3A_1460 = arith.constant 4 : i32
          %add3A_1461 = arith.addi %add3A_1442, %add3A_1460 : i32
          %mul3A_1462 = arith.constant 3456 : i32
          %mul3A_1463 = arith.muli %add3A_1461, %mul3A_1462 : i32
          %dma_start3A_1464 = tpu.memref_slice %arg3[%add3A_19, %mul3A_1463] : memref<1024x100000xf32, #tpu.memory_space<hbm>> -> memref<8x3456xf32, #tpu.memory_space<hbm>>
          %dma_start3A_1465 = tpu.memref_slice %arg3[%add3A_19, %mul3A_1463] : memref<1024x100000xf32, #tpu.memory_space<hbm>> -> memref<8x3456xf32, #tpu.memory_space<hbm>>
          tpu.enqueue_dma source(%dma_start3A_1465 : memref<8x3456xf32, #tpu.memory_space<hbm>>) target(%arg9 : memref<8x3456xf32, #tpu.memory_space<vmem>>) target_semaphore(%arg18 : memref<!tpu.dma_semaphore, #tpu.memory_space<semaphore_mem>>)
        } else {
        }
        scf.yield %scan3A_1451#0, %scan3A_1451#1, %scan3A_1451#2, %scan3A_1451#3, %scan3A_1451#4, %scan3A_1451#5, %scan3A_1451#6, %scan3A_1451#7 : vector<16xf32>, vector<16xf32>, vector<16xf32>, vector<16xf32>, vector<16xf32>, vector<16xf32>, vector<16xf32>, vector<16xf32>
      }
      %scan3A_397 = arith.constant 7 : i32
      "tpu.region"() ({
        %run_scoped3A = tpu.sem_alloc : memref<!tpu.dma_semaphore, #tpu.memory_space<semaphore_mem>>
        %dma_start3A_1369 = arith.constant 0 : i32
        %dma_start3A_1370 = arith.constant 0 : i32
        %dma_start3A_1371 = tpu.memref_slice %arg6[%dma_start3A_1369, %dma_start3A_1370] : memref<8x3456xf32, #tpu.memory_space<vmem>> -> memref<8x3200xf32, #tpu.memory_space<vmem>>
        %dma_start3A_1372 = arith.constant 96768 : i32
        %dma_start3A_1373 = tpu.memref_slice %arg3[%add3A_19, %dma_start3A_1372] : memref<1024x100000xf32, #tpu.memory_space<hbm>> -> memref<8x3200xf32, #tpu.memory_space<hbm>>
        %dma_start3A_1374 = arith.constant 0 : i32
        %dma_start3A_1375 = arith.constant 0 : i32
        %dma_start3A_1376 = tpu.memref_slice %arg6[%dma_start3A_1374, %dma_start3A_1375] : memref<8x3456xf32, #tpu.memory_space<vmem>> -> memref<8x3200xf32, #tpu.memory_space<vmem>>
        %dma_start3A_1377 = arith.constant 96768 : i32
        %dma_start3A_1378 = tpu.memref_slice %arg3[%add3A_19, %dma_start3A_1377] : memref<1024x100000xf32, #tpu.memory_space<hbm>> -> memref<8x3200xf32, #tpu.memory_space<hbm>>
        tpu.enqueue_dma source(%dma_start3A_1378 : memref<8x3200xf32, #tpu.memory_space<hbm>>) target(%dma_start3A_1376 : memref<8x3200xf32, #tpu.memory_space<vmem>>) target_semaphore(%run_scoped3A : memref<!tpu.dma_semaphore, #tpu.memory_space<semaphore_mem>>)
        %dma_wait3A_1379 = arith.constant 0 : i32
        %dma_wait3A_1380 = arith.constant 0 : i32
        %dma_wait3A_1381 = tpu.memref_slice %arg6[%dma_wait3A_1379, %dma_wait3A_1380] : memref<8x3456xf32, #tpu.memory_space<vmem>> -> memref<8x3200xf32, #tpu.memory_space<vmem>>
        %dma_wait3A_1382 = arith.constant 96768 : i32
        %dma_wait3A_1383 = tpu.memref_slice %arg3[%add3A_19, %dma_wait3A_1382] : memref<1024x100000xf32, #tpu.memory_space<hbm>> -> memref<8x3200xf32, #tpu.memory_space<hbm>>
        %dma_wait3A_1384 = arith.constant 0 : i32
        %dma_wait3A_1385 = arith.constant 0 : i32
        %dma_wait3A_1386 = tpu.memref_slice %arg6[%dma_wait3A_1384, %dma_wait3A_1385] : memref<8x3456xf32, #tpu.memory_space<vmem>> -> memref<8x3200xf32, #tpu.memory_space<vmem>>
        %dma_wait3A_1387 = arith.constant 96768 : i32
        %dma_wait3A_1388 = tpu.memref_slice %arg3[%add3A_19, %dma_wait3A_1387] : memref<1024x100000xf32, #tpu.memory_space<hbm>> -> memref<8x3200xf32, #tpu.memory_space<hbm>>
        tpu.wait_dma2 semaphore(%run_scoped3A : memref<!tpu.dma_semaphore, #tpu.memory_space<semaphore_mem>>) src(%dma_wait3A_1388 : memref<8x3200xf32, #tpu.memory_space<hbm>>) dst(%dma_wait3A_1386 : memref<8x3200xf32, #tpu.memory_space<vmem>>)
        tpu.yield
      }) : () -> ()
      %scan3A_398 = arith.constant 0 : i32
      %scan3A_399 = arith.constant 200 : i32
      %scan3A_400 = arith.addi %scan3A_398, %scan3A_399 : i32
      %scan3A_401 = arith.constant 1 : i32
      %scan3A_402:8 = scf.for %scan3A_1369 = %scan3A_398 to %scan3A_400 step %scan3A_401 iter_args(%scan3A_1370 = %scan3A_396#0, %scan3A_1371 = %scan3A_396#1, %scan3A_1372 = %scan3A_396#2, %scan3A_1373 = %scan3A_396#3, %scan3A_1374 = %scan3A_396#4, %scan3A_1375 = %scan3A_396#5, %scan3A_1376 = %scan3A_396#6, %scan3A_1377 = %scan3A_396#7) -> (vector<16xf32>, vector<16xf32>, vector<16xf32>, vector<16xf32>, vector<16xf32>, vector<16xf32>, vector<16xf32>, vector<16xf32>)  : i32 {
        %mul3A_1378 = arith.constant 16 : i32
        %mul3A_1379 = arith.muli %scan3A_1369, %mul3A_1378 : i32
        %get3A_1380 = arith.constant 0 : i32
        %get3A_1381 = arith.index_cast %get3A_1380 : i32 to index
        %get3A_1382 = arith.index_cast %mul3A_1379 : i32 to index
        %get3A_1383 = tpu.vector_load %arg6[%get3A_1381, %get3A_1382] {strides = array<i32>} : memref<8x3456xf32, #tpu.memory_space<vmem>>, vector<1x16xf32>,
        %get3A_1384 = vector.shape_cast %get3A_1383 : vector<1x16xf32> to vector<16xf32>
        %mul3A_1385 = arith.constant 6.400000e+01 : f32
        %mul3A_1386 = vector.broadcast %mul3A_1385 : f32 to vector<16xf32>
        %mul3A_1387 = arith.mulf %mul3A_1386, %get3A_1384 : vector<16xf32>
        %sub3A_1388 = arith.constant 6.400000e+01 : f32
        %sub3A_1389 = vector.broadcast %sub3A_1388 : f32 to vector<16xf32>
        %sub3A_1390 = arith.subf %mul3A_1387, %sub3A_1389 : vector<16xf32>
        %exp3A_1391 = math.exp %sub3A_1390 : vector<16xf32>
        %add3A_1392 = arith.addf %scan3A_1370, %exp3A_1391 : vector<16xf32>
        %mul3A_1393 = arith.constant 16 : i32
        %mul3A_1394 = arith.muli %scan3A_1369, %mul3A_1393 : i32
        %get3A_1395 = arith.constant 1 : i32
        %get3A_1396 = arith.index_cast %get3A_1395 : i32 to index
        %get3A_1397 = arith.index_cast %mul3A_1394 : i32 to index
        %get3A_1398 = tpu.vector_load %arg6[%get3A_1396, %get3A_1397] {strides = array<i32>} : memref<8x3456xf32, #tpu.memory_space<vmem>>, vector<1x16xf32>,
        %get3A_1399 = vector.shape_cast %get3A_1398 : vector<1x16xf32> to vector<16xf32>
        %mul3A_1400 = arith.constant 6.400000e+01 : f32
        %mul3A_1401 = vector.broadcast %mul3A_1400 : f32 to vector<16xf32>
        %mul3A_1402 = arith.mulf %mul3A_1401, %get3A_1399 : vector<16xf32>
        %sub3A_1403 = arith.constant 6.400000e+01 : f32
        %sub3A_1404 = vector.broadcast %sub3A_1403 : f32 to vector<16xf32>
        %sub3A_1405 = arith.subf %mul3A_1402, %sub3A_1404 : vector<16xf32>
        %exp3A_1406 = math.exp %sub3A_1405 : vector<16xf32>
        %add3A_1407 = arith.addf %scan3A_1371, %exp3A_1406 : vector<16xf32>
        %mul3A_1408 = arith.constant 16 : i32
        %mul3A_1409 = arith.muli %scan3A_1369, %mul3A_1408 : i32
        %get3A_1410 = arith.constant 2 : i32
        %get3A_1411 = arith.index_cast %get3A_1410 : i32 to index
        %get3A_1412 = arith.index_cast %mul3A_1409 : i32 to index
        %get3A_1413 = tpu.vector_load %arg6[%get3A_1411, %get3A_1412] {strides = array<i32>} : memref<8x3456xf32, #tpu.memory_space<vmem>>, vector<1x16xf32>,
        %get3A_1414 = vector.shape_cast %get3A_1413 : vector<1x16xf32> to vector<16xf32>
        %mul3A_1415 = arith.constant 6.400000e+01 : f32
        %mul3A_1416 = vector.broadcast %mul3A_1415 : f32 to vector<16xf32>
        %mul3A_1417 = arith.mulf %mul3A_1416, %get3A_1414 : vector<16xf32>
        %sub3A_1418 = arith.constant 6.400000e+01 : f32
        %sub3A_1419 = vector.broadcast %sub3A_1418 : f32 to vector<16xf32>
        %sub3A_1420 = arith.subf %mul3A_1417, %sub3A_1419 : vector<16xf32>
        %exp3A_1421 = math.exp %sub3A_1420 : vector<16xf32>
        %add3A_1422 = arith.addf %scan3A_1372, %exp3A_1421 : vector<16xf32>
        %mul3A_1423 = arith.constant 16 : i32
        %mul3A_1424 = arith.muli %scan3A_1369, %mul3A_1423 : i32
        %get3A_1425 = arith.constant 3 : i32
        %get3A_1426 = arith.index_cast %get3A_1425 : i32 to index
        %get3A_1427 = arith.index_cast %mul3A_1424 : i32 to index
        %get3A_1428 = tpu.vector_load %arg6[%get3A_1426, %get3A_1427] {strides = array<i32>} : memref<8x3456xf32, #tpu.memory_space<vmem>>, vector<1x16xf32>,
        %get3A_1429 = vector.shape_cast %get3A_1428 : vector<1x16xf32> to vector<16xf32>
        %mul3A_1430 = arith.constant 6.400000e+01 : f32
        %mul3A_1431 = vector.broadcast %mul3A_1430 : f32 to vector<16xf32>
        %mul3A_1432 = arith.mulf %mul3A_1431, %get3A_1429 : vector<16xf32>
        %sub3A_1433 = arith.constant 6.400000e+01 : f32
        %sub3A_1434 = vector.broadcast %sub3A_1433 : f32 to vector<16xf32>
        %sub3A_1435 = arith.subf %mul3A_1432, %sub3A_1434 : vector<16xf32>
        %exp3A_1436 = math.exp %sub3A_1435 : vector<16xf32>
        %add3A_1437 = arith.addf %scan3A_1373, %exp3A_1436 : vector<16xf32>
        %mul3A_1438 = arith.constant 16 : i32
        %mul3A_1439 = arith.muli %scan3A_1369, %mul3A_1438 : i32
        %get3A_1440 = arith.constant 4 : i32
        %get3A_1441 = arith.index_cast %get3A_1440 : i32 to index
        %get3A_1442 = arith.index_cast %mul3A_1439 : i32 to index
        %get3A_1443 = tpu.vector_load %arg6[%get3A_1441, %get3A_1442] {strides = array<i32>} : memref<8x3456xf32, #tpu.memory_space<vmem>>, vector<1x16xf32>,
        %get3A_1444 = vector.shape_cast %get3A_1443 : vector<1x16xf32> to vector<16xf32>
        %mul3A_1445 = arith.constant 6.400000e+01 : f32
        %mul3A_1446 = vector.broadcast %mul3A_1445 : f32 to vector<16xf32>
        %mul3A_1447 = arith.mulf %mul3A_1446, %get3A_1444 : vector<16xf32>
        %sub3A_1448 = arith.constant 6.400000e+01 : f32
        %sub3A_1449 = vector.broadcast %sub3A_1448 : f32 to vector<16xf32>
        %sub3A_1450 = arith.subf %mul3A_1447, %sub3A_1449 : vector<16xf32>
        %exp3A_1451 = math.exp %sub3A_1450 : vector<16xf32>
        %add3A_1452 = arith.addf %scan3A_1374, %exp3A_1451 : vector<16xf32>
        %mul3A_1453 = arith.constant 16 : i32
        %mul3A_1454 = arith.muli %scan3A_1369, %mul3A_1453 : i32
        %get3A_1455 = arith.constant 5 : i32
        %get3A_1456 = arith.index_cast %get3A_1455 : i32 to index
        %get3A_1457 = arith.index_cast %mul3A_1454 : i32 to index
        %get3A_1458 = tpu.vector_load %arg6[%get3A_1456, %get3A_1457] {strides = array<i32>} : memref<8x3456xf32, #tpu.memory_space<vmem>>, vector<1x16xf32>,
        %get3A_1459 = vector.shape_cast %get3A_1458 : vector<1x16xf32> to vector<16xf32>
        %mul3A_1460 = arith.constant 6.400000e+01 : f32
        %mul3A_1461 = vector.broadcast %mul3A_1460 : f32 to vector<16xf32>
        %mul3A_1462 = arith.mulf %mul3A_1461, %get3A_1459 : vector<16xf32>
        %sub3A_1463 = arith.constant 6.400000e+01 : f32
        %sub3A_1464 = vector.broadcast %sub3A_1463 : f32 to vector<16xf32>
        %sub3A_1465 = arith.subf %mul3A_1462, %sub3A_1464 : vector<16xf32>
        %exp3A_1466 = math.exp %sub3A_1465 : vector<16xf32>
        %add3A_1467 = arith.addf %scan3A_1375, %exp3A_1466 : vector<16xf32>
        %mul3A_1468 = arith.constant 16 : i32
        %mul3A_1469 = arith.muli %scan3A_1369, %mul3A_1468 : i32
        %get3A_1470 = arith.constant 6 : i32
        %get3A_1471 = arith.index_cast %get3A_1470 : i32 to index
        %get3A_1472 = arith.index_cast %mul3A_1469 : i32 to index
        %get3A_1473 = tpu.vector_load %arg6[%get3A_1471, %get3A_1472] {strides = array<i32>} : memref<8x3456xf32, #tpu.memory_space<vmem>>, vector<1x16xf32>,
        %get3A_1474 = vector.shape_cast %get3A_1473 : vector<1x16xf32> to vector<16xf32>
        %mul3A_1475 = arith.constant 6.400000e+01 : f32
        %mul3A_1476 = vector.broadcast %mul3A_1475 : f32 to vector<16xf32>
        %mul3A_1477 = arith.mulf %mul3A_1476, %get3A_1474 : vector<16xf32>
        %sub3A_1478 = arith.constant 6.400000e+01 : f32
        %sub3A_1479 = vector.broadcast %sub3A_1478 : f32 to vector<16xf32>
        %sub3A_1480 = arith.subf %mul3A_1477, %sub3A_1479 : vector<16xf32>
        %exp3A_1481 = math.exp %sub3A_1480 : vector<16xf32>
        %add3A_1482 = arith.addf %scan3A_1376, %exp3A_1481 : vector<16xf32>
        %mul3A_1483 = arith.constant 16 : i32
        %mul3A_1484 = arith.muli %scan3A_1369, %mul3A_1483 : i32
        %get3A_1485 = arith.constant 7 : i32
        %get3A_1486 = arith.index_cast %get3A_1485 : i32 to index
        %get3A_1487 = arith.index_cast %mul3A_1484 : i32 to index
        %get3A_1488 = tpu.vector_load %arg6[%get3A_1486, %get3A_1487] {strides = array<i32>} : memref<8x3456xf32, #tpu.memory_space<vmem>>, vector<1x16xf32>,
        %get3A_1489 = vector.shape_cast %get3A_1488 : vector<1x16xf32> to vector<16xf32>
        %mul3A_1490 = arith.constant 6.400000e+01 : f32
        %mul3A_1491 = vector.broadcast %mul3A_1490 : f32 to vector<16xf32>
        %mul3A_1492 = arith.mulf %mul3A_1491, %get3A_1489 : vector<16xf32>
        %sub3A_1493 = arith.constant 6.400000e+01 : f32
        %sub3A_1494 = vector.broadcast %sub3A_1493 : f32 to vector<16xf32>
        %sub3A_1495 = arith.subf %mul3A_1492, %sub3A_1494 : vector<16xf32>
        %exp3A_1496 = math.exp %sub3A_1495 : vector<16xf32>
        %add3A_1497 = arith.addf %scan3A_1377, %exp3A_1496 : vector<16xf32>
        scf.yield %add3A_1392, %add3A_1407, %add3A_1422, %add3A_1437, %add3A_1452, %add3A_1467, %add3A_1482, %add3A_1497 : vector<16xf32>, vector<16xf32>, vector<16xf32>, vector<16xf32>, vector<16xf32>, vector<16xf32>, vector<16xf32>, vector<16xf32>
      }
      %scan3A_403 = arith.constant 200 : i32
      "tpu.region"() ({
        %run_scoped3A = tpu.sem_alloc : memref<!tpu.dma_semaphore, #tpu.memory_space<semaphore_mem>>
        %dma_start3A_1369 = arith.constant 99968 : i32
        %dma_start3A_1370 = tpu.memref_slice %arg3[%add3A_19, %dma_start3A_1369] : memref<1024x100000xf32, #tpu.memory_space<hbm>> -> memref<8x32xf32, #tpu.memory_space<hbm>>
        %dma_start3A_1371 = arith.constant 99968 : i32
        %dma_start3A_1372 = tpu.memref_slice %arg3[%add3A_19, %dma_start3A_1371] : memref<1024x100000xf32, #tpu.memory_space<hbm>> -> memref<8x32xf32, #tpu.memory_space<hbm>>
        tpu.enqueue_dma source(%dma_start3A_1372 : memref<8x32xf32, #tpu.memory_space<hbm>>) target(%arg10 : memref<8x32xf32, #tpu.memory_space<vmem>>) target_semaphore(%run_scoped3A : memref<!tpu.dma_semaphore, #tpu.memory_space<semaphore_mem>>)
        %dma_wait3A_1373 = arith.constant 99968 : i32
        %dma_wait3A_1374 = tpu.memref_slice %arg3[%add3A_19, %dma_wait3A_1373] : memref<1024x100000xf32, #tpu.memory_space<hbm>> -> memref<8x32xf32, #tpu.memory_space<hbm>>
        %dma_wait3A_1375 = arith.constant 99968 : i32
        %dma_wait3A_1376 = tpu.memref_slice %arg3[%add3A_19, %dma_wait3A_1375] : memref<1024x100000xf32, #tpu.memory_space<hbm>> -> memref<8x32xf32, #tpu.memory_space<hbm>>
        tpu.wait_dma2 semaphore(%run_scoped3A : memref<!tpu.dma_semaphore, #tpu.memory_space<semaphore_mem>>) src(%dma_wait3A_1376 : memref<8x32xf32, #tpu.memory_space<hbm>>) dst(%arg10 : memref<8x32xf32, #tpu.memory_space<vmem>>)
        tpu.yield
      }) : () -> ()
      %get3A_404 = arith.constant 0 : i32
      %get3A_405 = arith.index_cast %get3A_404 : i32 to index
      %get3A_406 = arith.constant 0 : index
      %get3A_407 = tpu.vector_load %arg10[%get3A_405, %get3A_406] {strides = array<i32>} : memref<8x32xf32, #tpu.memory_space<vmem>>, vector<1x16xf32>,
      %get3A_408 = vector.shape_cast %get3A_407 : vector<1x16xf32> to vector<16xf32>
      %mul3A_409 = arith.constant 6.400000e+01 : f32
      %mul3A_410 = vector.broadcast %mul3A_409 : f32 to vector<16xf32>
      %mul3A_411 = arith.mulf %mul3A_410, %get3A_408 : vector<16xf32>
      %sub3A_412 = arith.constant 6.400000e+01 : f32
      %sub3A_413 = vector.broadcast %sub3A_412 : f32 to vector<16xf32>
      %sub3A_414 = arith.subf %mul3A_411, %sub3A_413 : vector<16xf32>
      %exp3A = math.exp %sub3A_414 : vector<16xf32>
      %add3A_415 = arith.addf %scan3A_402#0, %exp3A : vector<16xf32>
      %get3A_416 = arith.constant 1 : i32
      %get3A_417 = arith.index_cast %get3A_416 : i32 to index
      %get3A_418 = arith.constant 0 : index
      %get3A_419 = tpu.vector_load %arg10[%get3A_417, %get3A_418] {strides = array<i32>} : memref<8x32xf32, #tpu.memory_space<vmem>>, vector<1x16xf32>,
      %get3A_420 = vector.shape_cast %get3A_419 : vector<1x16xf32> to vector<16xf32>
      %mul3A_421 = arith.constant 6.400000e+01 : f32
      %mul3A_422 = vector.broadcast %mul3A_421 : f32 to vector<16xf32>
      %mul3A_423 = arith.mulf %mul3A_422, %get3A_420 : vector<16xf32>
      %sub3A_424 = arith.constant 6.400000e+01 : f32
      %sub3A_425 = vector.broadcast %sub3A_424 : f32 to vector<16xf32>
      %sub3A_426 = arith.subf %mul3A_423, %sub3A_425 : vector<16xf32>
      %exp3A_427 = math.exp %sub3A_426 : vector<16xf32>
      %add3A_428 = arith.addf %scan3A_402#1, %exp3A_427 : vector<16xf32>
      %get3A_429 = arith.constant 2 : i32
      %get3A_430 = arith.index_cast %get3A_429 : i32 to index
      %get3A_431 = arith.constant 0 : index
      %get3A_432 = tpu.vector_load %arg10[%get3A_430, %get3A_431] {strides = array<i32>} : memref<8x32xf32, #tpu.memory_space<vmem>>, vector<1x16xf32>,
      %get3A_433 = vector.shape_cast %get3A_432 : vector<1x16xf32> to vector<16xf32>
      %mul3A_434 = arith.constant 6.400000e+01 : f32
      %mul3A_435 = vector.broadcast %mul3A_434 : f32 to vector<16xf32>
      %mul3A_436 = arith.mulf %mul3A_435, %get3A_433 : vector<16xf32>
      %sub3A_437 = arith.constant 6.400000e+01 : f32
      %sub3A_438 = vector.broadcast %sub3A_437 : f32 to vector<16xf32>
      %sub3A_439 = arith.subf %mul3A_436, %sub3A_438 : vector<16xf32>
      %exp3A_440 = math.exp %sub3A_439 : vector<16xf32>
      %add3A_441 = arith.addf %scan3A_402#2, %exp3A_440 : vector<16xf32>
      %get3A_442 = arith.constant 3 : i32
      %get3A_443 = arith.index_cast %get3A_442 : i32 to index
      %get3A_444 = arith.constant 0 : index
      %get3A_445 = tpu.vector_load %arg10[%get3A_443, %get3A_444] {strides = array<i32>} : memref<8x32xf32, #tpu.memory_space<vmem>>, vector<1x16xf32>,
      %get3A_446 = vector.shape_cast %get3A_445 : vector<1x16xf32> to vector<16xf32>
      %mul3A_447 = arith.constant 6.400000e+01 : f32
      %mul3A_448 = vector.broadcast %mul3A_447 : f32 to vector<16xf32>
      %mul3A_449 = arith.mulf %mul3A_448, %get3A_446 : vector<16xf32>
      %sub3A_450 = arith.constant 6.400000e+01 : f32
      %sub3A_451 = vector.broadcast %sub3A_450 : f32 to vector<16xf32>
      %sub3A_452 = arith.subf %mul3A_449, %sub3A_451 : vector<16xf32>
      %exp3A_453 = math.exp %sub3A_452 : vector<16xf32>
      %add3A_454 = arith.addf %scan3A_402#3, %exp3A_453 : vector<16xf32>
      %get3A_455 = arith.constant 4 : i32
      %get3A_456 = arith.index_cast %get3A_455 : i32 to index
      %get3A_457 = arith.constant 0 : index
      %get3A_458 = tpu.vector_load %arg10[%get3A_456, %get3A_457] {strides = array<i32>} : memref<8x32xf32, #tpu.memory_space<vmem>>, vector<1x16xf32>,
      %get3A_459 = vector.shape_cast %get3A_458 : vector<1x16xf32> to vector<16xf32>
      %mul3A_460 = arith.constant 6.400000e+01 : f32
      %mul3A_461 = vector.broadcast %mul3A_460 : f32 to vector<16xf32>
      %mul3A_462 = arith.mulf %mul3A_461, %get3A_459 : vector<16xf32>
      %sub3A_463 = arith.constant 6.400000e+01 : f32
      %sub3A_464 = vector.broadcast %sub3A_463 : f32 to vector<16xf32>
      %sub3A_465 = arith.subf %mul3A_462, %sub3A_464 : vector<16xf32>
      %exp3A_466 = math.exp %sub3A_465 : vector<16xf32>
      %add3A_467 = arith.addf %scan3A_402#4, %exp3A_466 : vector<16xf32>
      %get3A_468 = arith.constant 5 : i32
      %get3A_469 = arith.index_cast %get3A_468 : i32 to index
      %get3A_470 = arith.constant 0 : index
      %get3A_471 = tpu.vector_load %arg10[%get3A_469, %get3A_470] {strides = array<i32>} : memref<8x32xf32, #tpu.memory_space<vmem>>, vector<1x16xf32>,
      %get3A_472 = vector.shape_cast %get3A_471 : vector<1x16xf32> to vector<16xf32>
      %mul3A_473 = arith.constant 6.400000e+01 : f32
      %mul3A_474 = vector.broadcast %mul3A_473 : f32 to vector<16xf32>
      %mul3A_475 = arith.mulf %mul3A_474, %get3A_472 : vector<16xf32>
      %sub3A_476 = arith.constant 6.400000e+01 : f32
      %sub3A_477 = vector.broadcast %sub3A_476 : f32 to vector<16xf32>
      %sub3A_478 = arith.subf %mul3A_475, %sub3A_477 : vector<16xf32>
      %exp3A_479 = math.exp %sub3A_478 : vector<16xf32>
      %add3A_480 = arith.addf %scan3A_402#5, %exp3A_479 : vector<16xf32>
      %get3A_481 = arith.constant 6 : i32
      %get3A_482 = arith.index_cast %get3A_481 : i32 to index
      %get3A_483 = arith.constant 0 : index
      %get3A_484 = tpu.vector_load %arg10[%get3A_482, %get3A_483] {strides = array<i32>} : memref<8x32xf32, #tpu.memory_space<vmem>>, vector<1x16xf32>,
      %get3A_485 = vector.shape_cast %get3A_484 : vector<1x16xf32> to vector<16xf32>
      %mul3A_486 = arith.constant 6.400000e+01 : f32
      %mul3A_487 = vector.broadcast %mul3A_486 : f32 to vector<16xf32>
      %mul3A_488 = arith.mulf %mul3A_487, %get3A_485 : vector<16xf32>
      %sub3A_489 = arith.constant 6.400000e+01 : f32
      %sub3A_490 = vector.broadcast %sub3A_489 : f32 to vector<16xf32>
      %sub3A_491 = arith.subf %mul3A_488, %sub3A_490 : vector<16xf32>
      %exp3A_492 = math.exp %sub3A_491 : vector<16xf32>
      %add3A_493 = arith.addf %scan3A_402#6, %exp3A_492 : vector<16xf32>
      %get3A_494 = arith.constant 7 : i32
      %get3A_495 = arith.index_cast %get3A_494 : i32 to index
      %get3A_496 = arith.constant 0 : index
      %get3A_497 = tpu.vector_load %arg10[%get3A_495, %get3A_496] {strides = array<i32>} : memref<8x32xf32, #tpu.memory_space<vmem>>, vector<1x16xf32>,
      %get3A_498 = vector.shape_cast %get3A_497 : vector<1x16xf32> to vector<16xf32>
      %mul3A_499 = arith.constant 6.400000e+01 : f32
      %mul3A_500 = vector.broadcast %mul3A_499 : f32 to vector<16xf32>
      %mul3A_501 = arith.mulf %mul3A_500, %get3A_498 : vector<16xf32>
      %sub3A_502 = arith.constant 6.400000e+01 : f32
      %sub3A_503 = vector.broadcast %sub3A_502 : f32 to vector<16xf32>
      %sub3A_504 = arith.subf %mul3A_501, %sub3A_503 : vector<16xf32>
      %exp3A_505 = math.exp %sub3A_504 : vector<16xf32>
      %add3A_506 = arith.addf %scan3A_402#7, %exp3A_505 : vector<16xf32>
      %get3A_507 = arith.constant 0 : i32
      %get3A_508 = arith.index_cast %get3A_507 : i32 to index
      %get3A_509 = arith.constant 16 : index
      %get3A_510 = tpu.vector_load %arg10[%get3A_508, %get3A_509] {strides = array<i32>} : memref<8x32xf32, #tpu.memory_space<vmem>>, vector<1x16xf32>,
      %get3A_511 = vector.shape_cast %get3A_510 : vector<1x16xf32> to vector<16xf32>
      %mul3A_512 = arith.constant 6.400000e+01 : f32
      %mul3A_513 = vector.broadcast %mul3A_512 : f32 to vector<16xf32>
      %mul3A_514 = arith.mulf %mul3A_513, %get3A_511 : vector<16xf32>
      %sub3A_515 = arith.constant 6.400000e+01 : f32
      %sub3A_516 = vector.broadcast %sub3A_515 : f32 to vector<16xf32>
      %sub3A_517 = arith.subf %mul3A_514, %sub3A_516 : vector<16xf32>
      %exp3A_518 = math.exp %sub3A_517 : vector<16xf32>
      %add3A_519 = arith.addf %add3A_415, %exp3A_518 : vector<16xf32>
      %get3A_520 = arith.constant 1 : i32
      %get3A_521 = arith.index_cast %get3A_520 : i32 to index
      %get3A_522 = arith.constant 16 : index
      %get3A_523 = tpu.vector_load %arg10[%get3A_521, %get3A_522] {strides = array<i32>} : memref<8x32xf32, #tpu.memory_space<vmem>>, vector<1x16xf32>,
      %get3A_524 = vector.shape_cast %get3A_523 : vector<1x16xf32> to vector<16xf32>
      %mul3A_525 = arith.constant 6.400000e+01 : f32
      %mul3A_526 = vector.broadcast %mul3A_525 : f32 to vector<16xf32>
      %mul3A_527 = arith.mulf %mul3A_526, %get3A_524 : vector<16xf32>
      %sub3A_528 = arith.constant 6.400000e+01 : f32
      %sub3A_529 = vector.broadcast %sub3A_528 : f32 to vector<16xf32>
      %sub3A_530 = arith.subf %mul3A_527, %sub3A_529 : vector<16xf32>
      %exp3A_531 = math.exp %sub3A_530 : vector<16xf32>
      %add3A_532 = arith.addf %add3A_428, %exp3A_531 : vector<16xf32>
      %get3A_533 = arith.constant 2 : i32
      %get3A_534 = arith.index_cast %get3A_533 : i32 to index
      %get3A_535 = arith.constant 16 : index
      %get3A_536 = tpu.vector_load %arg10[%get3A_534, %get3A_535] {strides = array<i32>} : memref<8x32xf32, #tpu.memory_space<vmem>>, vector<1x16xf32>,
      %get3A_537 = vector.shape_cast %get3A_536 : vector<1x16xf32> to vector<16xf32>
      %mul3A_538 = arith.constant 6.400000e+01 : f32
      %mul3A_539 = vector.broadcast %mul3A_538 : f32 to vector<16xf32>
      %mul3A_540 = arith.mulf %mul3A_539, %get3A_537 : vector<16xf32>
      %sub3A_541 = arith.constant 6.400000e+01 : f32
      %sub3A_542 = vector.broadcast %sub3A_541 : f32 to vector<16xf32>
      %sub3A_543 = arith.subf %mul3A_540, %sub3A_542 : vector<16xf32>
      %exp3A_544 = math.exp %sub3A_543 : vector<16xf32>
      %add3A_545 = arith.addf %add3A_441, %exp3A_544 : vector<16xf32>
      %get3A_546 = arith.constant 3 : i32
      %get3A_547 = arith.index_cast %get3A_546 : i32 to index
      %get3A_548 = arith.constant 16 : index
      %get3A_549 = tpu.vector_load %arg10[%get3A_547, %get3A_548] {strides = array<i32>} : memref<8x32xf32, #tpu.memory_space<vmem>>, vector<1x16xf32>,
      %get3A_550 = vector.shape_cast %get3A_549 : vector<1x16xf32> to vector<16xf32>
      %mul3A_551 = arith.constant 6.400000e+01 : f32
      %mul3A_552 = vector.broadcast %mul3A_551 : f32 to vector<16xf32>
      %mul3A_553 = arith.mulf %mul3A_552, %get3A_550 : vector<16xf32>
      %sub3A_554 = arith.constant 6.400000e+01 : f32
      %sub3A_555 = vector.broadcast %sub3A_554 : f32 to vector<16xf32>
      %sub3A_556 = arith.subf %mul3A_553, %sub3A_555 : vector<16xf32>
      %exp3A_557 = math.exp %sub3A_556 : vector<16xf32>
      %add3A_558 = arith.addf %add3A_454, %exp3A_557 : vector<16xf32>
      %get3A_559 = arith.constant 4 : i32
      %get3A_560 = arith.index_cast %get3A_559 : i32 to index
      %get3A_561 = arith.constant 16 : index
      %get3A_562 = tpu.vector_load %arg10[%get3A_560, %get3A_561] {strides = array<i32>} : memref<8x32xf32, #tpu.memory_space<vmem>>, vector<1x16xf32>,
      %get3A_563 = vector.shape_cast %get3A_562 : vector<1x16xf32> to vector<16xf32>
      %mul3A_564 = arith.constant 6.400000e+01 : f32
      %mul3A_565 = vector.broadcast %mul3A_564 : f32 to vector<16xf32>
      %mul3A_566 = arith.mulf %mul3A_565, %get3A_563 : vector<16xf32>
      %sub3A_567 = arith.constant 6.400000e+01 : f32
      %sub3A_568 = vector.broadcast %sub3A_567 : f32 to vector<16xf32>
      %sub3A_569 = arith.subf %mul3A_566, %sub3A_568 : vector<16xf32>
      %exp3A_570 = math.exp %sub3A_569 : vector<16xf32>
      %add3A_571 = arith.addf %add3A_467, %exp3A_570 : vector<16xf32>
      %get3A_572 = arith.constant 5 : i32
      %get3A_573 = arith.index_cast %get3A_572 : i32 to index
      %get3A_574 = arith.constant 16 : index
      %get3A_575 = tpu.vector_load %arg10[%get3A_573, %get3A_574] {strides = array<i32>} : memref<8x32xf32, #tpu.memory_space<vmem>>, vector<1x16xf32>,
      %get3A_576 = vector.shape_cast %get3A_575 : vector<1x16xf32> to vector<16xf32>
      %mul3A_577 = arith.constant 6.400000e+01 : f32
      %mul3A_578 = vector.broadcast %mul3A_577 : f32 to vector<16xf32>
      %mul3A_579 = arith.mulf %mul3A_578, %get3A_576 : vector<16xf32>
      %sub3A_580 = arith.constant 6.400000e+01 : f32
      %sub3A_581 = vector.broadcast %sub3A_580 : f32 to vector<16xf32>
      %sub3A_582 = arith.subf %mul3A_579, %sub3A_581 : vector<16xf32>
      %exp3A_583 = math.exp %sub3A_582 : vector<16xf32>
      %add3A_584 = arith.addf %add3A_480, %exp3A_583 : vector<16xf32>
      %get3A_585 = arith.constant 6 : i32
      %get3A_586 = arith.index_cast %get3A_585 : i32 to index
      %get3A_587 = arith.constant 16 : index
      %get3A_588 = tpu.vector_load %arg10[%get3A_586, %get3A_587] {strides = array<i32>} : memref<8x32xf32, #tpu.memory_space<vmem>>, vector<1x16xf32>,
      %get3A_589 = vector.shape_cast %get3A_588 : vector<1x16xf32> to vector<16xf32>
      %mul3A_590 = arith.constant 6.400000e+01 : f32
      %mul3A_591 = vector.broadcast %mul3A_590 : f32 to vector<16xf32>
      %mul3A_592 = arith.mulf %mul3A_591, %get3A_589 : vector<16xf32>
      %sub3A_593 = arith.constant 6.400000e+01 : f32
      %sub3A_594 = vector.broadcast %sub3A_593 : f32 to vector<16xf32>
      %sub3A_595 = arith.subf %mul3A_592, %sub3A_594 : vector<16xf32>
      %exp3A_596 = math.exp %sub3A_595 : vector<16xf32>
      %add3A_597 = arith.addf %add3A_493, %exp3A_596 : vector<16xf32>
      %get3A_598 = arith.constant 7 : i32
      %get3A_599 = arith.index_cast %get3A_598 : i32 to index
      %get3A_600 = arith.constant 16 : index
      %get3A_601 = tpu.vector_load %arg10[%get3A_599, %get3A_600] {strides = array<i32>} : memref<8x32xf32, #tpu.memory_space<vmem>>, vector<1x16xf32>,
      %get3A_602 = vector.shape_cast %get3A_601 : vector<1x16xf32> to vector<16xf32>
      %mul3A_603 = arith.constant 6.400000e+01 : f32
      %mul3A_604 = vector.broadcast %mul3A_603 : f32 to vector<16xf32>
      %mul3A_605 = arith.mulf %mul3A_604, %get3A_602 : vector<16xf32>
      %sub3A_606 = arith.constant 6.400000e+01 : f32
      %sub3A_607 = vector.broadcast %sub3A_606 : f32 to vector<16xf32>
      %sub3A_608 = arith.subf %mul3A_605, %sub3A_607 : vector<16xf32>
      %exp3A_609 = math.exp %sub3A_608 : vector<16xf32>
      %add3A_610 = arith.addf %add3A_506, %exp3A_609 : vector<16xf32>
      %swap3A = arith.constant 0 : i32
      %swap3A_611 = arith.index_cast %swap3A : i32 to index
      %swap3A_612 = arith.constant 0 : index
      %swap3A_613 = tpu.vector_load %arg12[%swap3A_611, %swap3A_612] {strides = array<i32>} : memref<8x16xf32, #tpu.memory_space<vmem>>, vector<1x16xf32>,
      %swap3A_614 = vector.shape_cast %swap3A_613 : vector<1x16xf32> to vector<16xf32>
      %swap3A_615 = vector.shape_cast %add3A_519 : vector<16xf32> to vector<1x16xf32>
      tpu.vector_store %arg12[%swap3A_611, %swap3A_612], %swap3A_615 {strides = array<i32>} : memref<8x16xf32, #tpu.memory_space<vmem>>, vector<1x16xf32>,
      %swap3A_616 = arith.constant 1 : i32
      %swap3A_617 = arith.index_cast %swap3A_616 : i32 to index
      %swap3A_618 = arith.constant 0 : index
      %swap3A_619 = tpu.vector_load %arg12[%swap3A_617, %swap3A_618] {strides = array<i32>} : memref<8x16xf32, #tpu.memory_space<vmem>>, vector<1x16xf32>,
      %swap3A_620 = vector.shape_cast %swap3A_619 : vector<1x16xf32> to vector<16xf32>
      %swap3A_621 = vector.shape_cast %add3A_532 : vector<16xf32> to vector<1x16xf32>
      tpu.vector_store %arg12[%swap3A_617, %swap3A_618], %swap3A_621 {strides = array<i32>} : memref<8x16xf32, #tpu.memory_space<vmem>>, vector<1x16xf32>,
      %swap3A_622 = arith.constant 2 : i32
      %swap3A_623 = arith.index_cast %swap3A_622 : i32 to index
      %swap3A_624 = arith.constant 0 : index
      %swap3A_625 = tpu.vector_load %arg12[%swap3A_623, %swap3A_624] {strides = array<i32>} : memref<8x16xf32, #tpu.memory_space<vmem>>, vector<1x16xf32>,
      %swap3A_626 = vector.shape_cast %swap3A_625 : vector<1x16xf32> to vector<16xf32>
      %swap3A_627 = vector.shape_cast %add3A_545 : vector<16xf32> to vector<1x16xf32>
      tpu.vector_store %arg12[%swap3A_623, %swap3A_624], %swap3A_627 {strides = array<i32>} : memref<8x16xf32, #tpu.memory_space<vmem>>, vector<1x16xf32>,
      %swap3A_628 = arith.constant 3 : i32
      %swap3A_629 = arith.index_cast %swap3A_628 : i32 to index
      %swap3A_630 = arith.constant 0 : index
      %swap3A_631 = tpu.vector_load %arg12[%swap3A_629, %swap3A_630] {strides = array<i32>} : memref<8x16xf32, #tpu.memory_space<vmem>>, vector<1x16xf32>,
      %swap3A_632 = vector.shape_cast %swap3A_631 : vector<1x16xf32> to vector<16xf32>
      %swap3A_633 = vector.shape_cast %add3A_558 : vector<16xf32> to vector<1x16xf32>
      tpu.vector_store %arg12[%swap3A_629, %swap3A_630], %swap3A_633 {strides = array<i32>} : memref<8x16xf32, #tpu.memory_space<vmem>>, vector<1x16xf32>,
      %swap3A_634 = arith.constant 4 : i32
      %swap3A_635 = arith.index_cast %swap3A_634 : i32 to index
      %swap3A_636 = arith.constant 0 : index
      %swap3A_637 = tpu.vector_load %arg12[%swap3A_635, %swap3A_636] {strides = array<i32>} : memref<8x16xf32, #tpu.memory_space<vmem>>, vector<1x16xf32>,
      %swap3A_638 = vector.shape_cast %swap3A_637 : vector<1x16xf32> to vector<16xf32>
      %swap3A_639 = vector.shape_cast %add3A_571 : vector<16xf32> to vector<1x16xf32>
      tpu.vector_store %arg12[%swap3A_635, %swap3A_636], %swap3A_639 {strides = array<i32>} : memref<8x16xf32, #tpu.memory_space<vmem>>, vector<1x16xf32>,
      %swap3A_640 = arith.constant 5 : i32
      %swap3A_641 = arith.index_cast %swap3A_640 : i32 to index
      %swap3A_642 = arith.constant 0 : index
      %swap3A_643 = tpu.vector_load %arg12[%swap3A_641, %swap3A_642] {strides = array<i32>} : memref<8x16xf32, #tpu.memory_space<vmem>>, vector<1x16xf32>,
      %swap3A_644 = vector.shape_cast %swap3A_643 : vector<1x16xf32> to vector<16xf32>
      %swap3A_645 = vector.shape_cast %add3A_584 : vector<16xf32> to vector<1x16xf32>
      tpu.vector_store %arg12[%swap3A_641, %swap3A_642], %swap3A_645 {strides = array<i32>} : memref<8x16xf32, #tpu.memory_space<vmem>>, vector<1x16xf32>,
      %swap3A_646 = arith.constant 6 : i32
      %swap3A_647 = arith.index_cast %swap3A_646 : i32 to index
      %swap3A_648 = arith.constant 0 : index
      %swap3A_649 = tpu.vector_load %arg12[%swap3A_647, %swap3A_648] {strides = array<i32>} : memref<8x16xf32, #tpu.memory_space<vmem>>, vector<1x16xf32>,
      %swap3A_650 = vector.shape_cast %swap3A_649 : vector<1x16xf32> to vector<16xf32>
      %swap3A_651 = vector.shape_cast %add3A_597 : vector<16xf32> to vector<1x16xf32>
      tpu.vector_store %arg12[%swap3A_647, %swap3A_648], %swap3A_651 {strides = array<i32>} : memref<8x16xf32, #tpu.memory_space<vmem>>, vector<1x16xf32>,
      %swap3A_652 = arith.constant 7 : i32
      %swap3A_653 = arith.index_cast %swap3A_652 : i32 to index
      %swap3A_654 = arith.constant 0 : index
      %swap3A_655 = tpu.vector_load %arg12[%swap3A_653, %swap3A_654] {strides = array<i32>} : memref<8x16xf32, #tpu.memory_space<vmem>>, vector<1x16xf32>,
      %swap3A_656 = vector.shape_cast %swap3A_655 : vector<1x16xf32> to vector<16xf32>
      %swap3A_657 = vector.shape_cast %add3A_610 : vector<16xf32> to vector<1x16xf32>
      tpu.vector_store %arg12[%swap3A_653, %swap3A_654], %swap3A_657 {strides = array<i32>} : memref<8x16xf32, #tpu.memory_space<vmem>>, vector<1x16xf32>,
      %dma_wait3A = arith.constant 0 : i32
      %dma_wait3A_658 = arith.constant 0 : i32
      %dma_wait3A_659 = arith.constant 0 : i32
      %dma_wait3A_660 = tpu.memref_slice %arg11[%dma_wait3A, %dma_wait3A_658, %dma_wait3A_659] : memref<8x8x128xf32, #tpu.memory_space<vmem>> -> memref<1x8x128xf32, #tpu.memory_space<vmem>>
      %dma_wait3A_661 = tpu.memref_squeeze %dma_wait3A_660 : memref<1x8x128xf32, #tpu.memory_space<vmem>> -> memref<8x128xf32, #tpu.memory_space<vmem>>
      %dma_wait3A_662 = arith.constant 0 : i32
      %dma_wait3A_663 = tpu.memref_slice %arg3[%add3A_19, %dma_wait3A_662] : memref<1024x100000xf32, #tpu.memory_space<hbm>> -> memref<8x128xf32, #tpu.memory_space<hbm>>
      %dma_wait3A_664 = arith.constant 0 : i32
      %dma_wait3A_665 = arith.constant 0 : i32
      %dma_wait3A_666 = tpu.memref_slice %arg11[%dma_wait3A, %dma_wait3A_664, %dma_wait3A_665] : memref<8x8x128xf32, #tpu.memory_space<vmem>> -> memref<1x8x128xf32, #tpu.memory_space<vmem>>
      %dma_wait3A_667 = tpu.memref_squeeze %dma_wait3A_666 : memref<1x8x128xf32, #tpu.memory_space<vmem>> -> memref<8x128xf32, #tpu.memory_space<vmem>>
      %dma_wait3A_668 = arith.constant 0 : i32
      %dma_wait3A_669 = tpu.memref_slice %arg3[%add3A_19, %dma_wait3A_668] : memref<1024x100000xf32, #tpu.memory_space<hbm>> -> memref<8x128xf32, #tpu.memory_space<hbm>>
      tpu.wait_dma2 semaphore(%arg19 : memref<!tpu.dma_semaphore, #tpu.memory_space<semaphore_mem>>) src(%dma_wait3A_669 : memref<8x128xf32, #tpu.memory_space<hbm>>) dst(%dma_wait3A_667 : memref<8x128xf32, #tpu.memory_space<vmem>>)
      %dma_wait3A_670 = arith.constant 1 : i32
      %dma_wait3A_671 = arith.constant 0 : i32
      %dma_wait3A_672 = arith.constant 0 : i32
      %dma_wait3A_673 = tpu.memref_slice %arg11[%dma_wait3A_670, %dma_wait3A_671, %dma_wait3A_672] : memref<8x8x128xf32, #tpu.memory_space<vmem>> -> memref<1x8x128xf32, #tpu.memory_space<vmem>>
      %dma_wait3A_674 = tpu.memref_squeeze %dma_wait3A_673 : memref<1x8x128xf32, #tpu.memory_space<vmem>> -> memref<8x128xf32, #tpu.memory_space<vmem>>
      %dma_wait3A_675 = arith.constant 0 : i32
      %dma_wait3A_676 = tpu.memref_slice %arg3[%add3A_19, %dma_wait3A_675] : memref<1024x100000xf32, #tpu.memory_space<hbm>> -> memref<8x128xf32, #tpu.memory_space<hbm>>
      %dma_wait3A_677 = arith.constant 0 : i32
      %dma_wait3A_678 = arith.constant 0 : i32
      %dma_wait3A_679 = tpu.memref_slice %arg11[%dma_wait3A_670, %dma_wait3A_677, %dma_wait3A_678] : memref<8x8x128xf32, #tpu.memory_space<vmem>> -> memref<1x8x128xf32, #tpu.memory_space<vmem>>
      %dma_wait3A_680 = tpu.memref_squeeze %dma_wait3A_679 : memref<1x8x128xf32, #tpu.memory_space<vmem>> -> memref<8x128xf32, #tpu.memory_space<vmem>>
      %dma_wait3A_681 = arith.constant 0 : i32
      %dma_wait3A_682 = tpu.memref_slice %arg3[%add3A_19, %dma_wait3A_681] : memref<1024x100000xf32, #tpu.memory_space<hbm>> -> memref<8x128xf32, #tpu.memory_space<hbm>>
      tpu.wait_dma2 semaphore(%arg19 : memref<!tpu.dma_semaphore, #tpu.memory_space<semaphore_mem>>) src(%dma_wait3A_682 : memref<8x128xf32, #tpu.memory_space<hbm>>) dst(%dma_wait3A_680 : memref<8x128xf32, #tpu.memory_space<vmem>>)
      %dma_wait3A_683 = arith.constant 2 : i32
      %dma_wait3A_684 = arith.constant 0 : i32
      %dma_wait3A_685 = arith.constant 0 : i32
      %dma_wait3A_686 = tpu.memref_slice %arg11[%dma_wait3A_683, %dma_wait3A_684, %dma_wait3A_685] : memref<8x8x128xf32, #tpu.memory_space<vmem>> -> memref<1x8x128xf32, #tpu.memory_space<vmem>>
      %dma_wait3A_687 = tpu.memref_squeeze %dma_wait3A_686 : memref<1x8x128xf32, #tpu.memory_space<vmem>> -> memref<8x128xf32, #tpu.memory_space<vmem>>
      %dma_wait3A_688 = arith.constant 0 : i32
      %dma_wait3A_689 = tpu.memref_slice %arg3[%add3A_19, %dma_wait3A_688] : memref<1024x100000xf32, #tpu.memory_space<hbm>> -> memref<8x128xf32, #tpu.memory_space<hbm>>
      %dma_wait3A_690 = arith.constant 0 : i32
      %dma_wait3A_691 = arith.constant 0 : i32
      %dma_wait3A_692 = tpu.memref_slice %arg11[%dma_wait3A_683, %dma_wait3A_690, %dma_wait3A_691] : memref<8x8x128xf32, #tpu.memory_space<vmem>> -> memref<1x8x128xf32, #tpu.memory_space<vmem>>
      %dma_wait3A_693 = tpu.memref_squeeze %dma_wait3A_692 : memref<1x8x128xf32, #tpu.memory_space<vmem>> -> memref<8x128xf32, #tpu.memory_space<vmem>>
      %dma_wait3A_694 = arith.constant 0 : i32
      %dma_wait3A_695 = tpu.memref_slice %arg3[%add3A_19, %dma_wait3A_694] : memref<1024x100000xf32, #tpu.memory_space<hbm>> -> memref<8x128xf32, #tpu.memory_space<hbm>>
      tpu.wait_dma2 semaphore(%arg19 : memref<!tpu.dma_semaphore, #tpu.memory_space<semaphore_mem>>) src(%dma_wait3A_695 : memref<8x128xf32, #tpu.memory_space<hbm>>) dst(%dma_wait3A_693 : memref<8x128xf32, #tpu.memory_space<vmem>>)
      %dma_wait3A_696 = arith.constant 3 : i32
      %dma_wait3A_697 = arith.constant 0 : i32
      %dma_wait3A_698 = arith.constant 0 : i32
      %dma_wait3A_699 = tpu.memref_slice %arg11[%dma_wait3A_696, %dma_wait3A_697, %dma_wait3A_698] : memref<8x8x128xf32, #tpu.memory_space<vmem>> -> memref<1x8x128xf32, #tpu.memory_space<vmem>>
      %dma_wait3A_700 = tpu.memref_squeeze %dma_wait3A_699 : memref<1x8x128xf32, #tpu.memory_space<vmem>> -> memref<8x128xf32, #tpu.memory_space<vmem>>
      %dma_wait3A_701 = arith.constant 0 : i32
      %dma_wait3A_702 = tpu.memref_slice %arg3[%add3A_19, %dma_wait3A_701] : memref<1024x100000xf32, #tpu.memory_space<hbm>> -> memref<8x128xf32, #tpu.memory_space<hbm>>
      %dma_wait3A_703 = arith.constant 0 : i32
      %dma_wait3A_704 = arith.constant 0 : i32
      %dma_wait3A_705 = tpu.memref_slice %arg11[%dma_wait3A_696, %dma_wait3A_703, %dma_wait3A_704] : memref<8x8x128xf32, #tpu.memory_space<vmem>> -> memref<1x8x128xf32, #tpu.memory_space<vmem>>
      %dma_wait3A_706 = tpu.memref_squeeze %dma_wait3A_705 : memref<1x8x128xf32, #tpu.memory_space<vmem>> -> memref<8x128xf32, #tpu.memory_space<vmem>>
      %dma_wait3A_707 = arith.constant 0 : i32
      %dma_wait3A_708 = tpu.memref_slice %arg3[%add3A_19, %dma_wait3A_707] : memref<1024x100000xf32, #tpu.memory_space<hbm>> -> memref<8x128xf32, #tpu.memory_space<hbm>>
      tpu.wait_dma2 semaphore(%arg19 : memref<!tpu.dma_semaphore, #tpu.memory_space<semaphore_mem>>) src(%dma_wait3A_708 : memref<8x128xf32, #tpu.memory_space<hbm>>) dst(%dma_wait3A_706 : memref<8x128xf32, #tpu.memory_space<vmem>>)
      %dma_wait3A_709 = arith.constant 4 : i32
      %dma_wait3A_710 = arith.constant 0 : i32
      %dma_wait3A_711 = arith.constant 0 : i32
      %dma_wait3A_712 = tpu.memref_slice %arg11[%dma_wait3A_709, %dma_wait3A_710, %dma_wait3A_711] : memref<8x8x128xf32, #tpu.memory_space<vmem>> -> memref<1x8x128xf32, #tpu.memory_space<vmem>>
      %dma_wait3A_713 = tpu.memref_squeeze %dma_wait3A_712 : memref<1x8x128xf32, #tpu.memory_space<vmem>> -> memref<8x128xf32, #tpu.memory_space<vmem>>
      %dma_wait3A_714 = arith.constant 0 : i32
      %dma_wait3A_715 = tpu.memref_slice %arg3[%add3A_19, %dma_wait3A_714] : memref<1024x100000xf32, #tpu.memory_space<hbm>> -> memref<8x128xf32, #tpu.memory_space<hbm>>
      %dma_wait3A_716 = arith.constant 0 : i32
      %dma_wait3A_717 = arith.constant 0 : i32
      %dma_wait3A_718 = tpu.memref_slice %arg11[%dma_wait3A_709, %dma_wait3A_716, %dma_wait3A_717] : memref<8x8x128xf32, #tpu.memory_space<vmem>> -> memref<1x8x128xf32, #tpu.memory_space<vmem>>
      %dma_wait3A_719 = tpu.memref_squeeze %dma_wait3A_718 : memref<1x8x128xf32, #tpu.memory_space<vmem>> -> memref<8x128xf32, #tpu.memory_space<vmem>>
      %dma_wait3A_720 = arith.constant 0 : i32
      %dma_wait3A_721 = tpu.memref_slice %arg3[%add3A_19, %dma_wait3A_720] : memref<1024x100000xf32, #tpu.memory_space<hbm>> -> memref<8x128xf32, #tpu.memory_space<hbm>>
      tpu.wait_dma2 semaphore(%arg19 : memref<!tpu.dma_semaphore, #tpu.memory_space<semaphore_mem>>) src(%dma_wait3A_721 : memref<8x128xf32, #tpu.memory_space<hbm>>) dst(%dma_wait3A_719 : memref<8x128xf32, #tpu.memory_space<vmem>>)
      %dma_wait3A_722 = arith.constant 5 : i32
      %dma_wait3A_723 = arith.constant 0 : i32
      %dma_wait3A_724 = arith.constant 0 : i32
      %dma_wait3A_725 = tpu.memref_slice %arg11[%dma_wait3A_722, %dma_wait3A_723, %dma_wait3A_724] : memref<8x8x128xf32, #tpu.memory_space<vmem>> -> memref<1x8x128xf32, #tpu.memory_space<vmem>>
      %dma_wait3A_726 = tpu.memref_squeeze %dma_wait3A_725 : memref<1x8x128xf32, #tpu.memory_space<vmem>> -> memref<8x128xf32, #tpu.memory_space<vmem>>
      %dma_wait3A_727 = arith.constant 0 : i32
      %dma_wait3A_728 = tpu.memref_slice %arg3[%add3A_19, %dma_wait3A_727] : memref<1024x100000xf32, #tpu.memory_space<hbm>> -> memref<8x128xf32, #tpu.memory_space<hbm>>
      %dma_wait3A_729 = arith.constant 0 : i32
      %dma_wait3A_730 = arith.constant 0 : i32
      %dma_wait3A_731 = tpu.memref_slice %arg11[%dma_wait3A_722, %dma_wait3A_729, %dma_wait3A_730] : memref<8x8x128xf32, #tpu.memory_space<vmem>> -> memref<1x8x128xf32, #tpu.memory_space<vmem>>
      %dma_wait3A_732 = tpu.memref_squeeze %dma_wait3A_731 : memref<1x8x128xf32, #tpu.memory_space<vmem>> -> memref<8x128xf32, #tpu.memory_space<vmem>>
      %dma_wait3A_733 = arith.constant 0 : i32
      %dma_wait3A_734 = tpu.memref_slice %arg3[%add3A_19, %dma_wait3A_733] : memref<1024x100000xf32, #tpu.memory_space<hbm>> -> memref<8x128xf32, #tpu.memory_space<hbm>>
      tpu.wait_dma2 semaphore(%arg19 : memref<!tpu.dma_semaphore, #tpu.memory_space<semaphore_mem>>) src(%dma_wait3A_734 : memref<8x128xf32, #tpu.memory_space<hbm>>) dst(%dma_wait3A_732 : memref<8x128xf32, #tpu.memory_space<vmem>>)
      %dma_wait3A_735 = arith.constant 6 : i32
      %dma_wait3A_736 = arith.constant 0 : i32
      %dma_wait3A_737 = arith.constant 0 : i32
      %dma_wait3A_738 = tpu.memref_slice %arg11[%dma_wait3A_735, %dma_wait3A_736, %dma_wait3A_737] : memref<8x8x128xf32, #tpu.memory_space<vmem>> -> memref<1x8x128xf32, #tpu.memory_space<vmem>>
      %dma_wait3A_739 = tpu.memref_squeeze %dma_wait3A_738 : memref<1x8x128xf32, #tpu.memory_space<vmem>> -> memref<8x128xf32, #tpu.memory_space<vmem>>
      %dma_wait3A_740 = arith.constant 0 : i32
      %dma_wait3A_741 = tpu.memref_slice %arg3[%add3A_19, %dma_wait3A_740] : memref<1024x100000xf32, #tpu.memory_space<hbm>> -> memref<8x128xf32, #tpu.memory_space<hbm>>
      %dma_wait3A_742 = arith.constant 0 : i32
      %dma_wait3A_743 = arith.constant 0 : i32
      %dma_wait3A_744 = tpu.memref_slice %arg11[%dma_wait3A_735, %dma_wait3A_742, %dma_wait3A_743] : memref<8x8x128xf32, #tpu.memory_space<vmem>> -> memref<1x8x128xf32, #tpu.memory_space<vmem>>
      %dma_wait3A_745 = tpu.memref_squeeze %dma_wait3A_744 : memref<1x8x128xf32, #tpu.memory_space<vmem>> -> memref<8x128xf32, #tpu.memory_space<vmem>>
      %dma_wait3A_746 = arith.constant 0 : i32
      %dma_wait3A_747 = tpu.memref_slice %arg3[%add3A_19, %dma_wait3A_746] : memref<1024x100000xf32, #tpu.memory_space<hbm>> -> memref<8x128xf32, #tpu.memory_space<hbm>>
      tpu.wait_dma2 semaphore(%arg19 : memref<!tpu.dma_semaphore, #tpu.memory_space<semaphore_mem>>) src(%dma_wait3A_747 : memref<8x128xf32, #tpu.memory_space<hbm>>) dst(%dma_wait3A_745 : memref<8x128xf32, #tpu.memory_space<vmem>>)
      %dma_wait3A_748 = arith.constant 7 : i32
      %dma_wait3A_749 = arith.constant 0 : i32
      %dma_wait3A_750 = arith.constant 0 : i32
      %dma_wait3A_751 = tpu.memref_slice %arg11[%dma_wait3A_748, %dma_wait3A_749, %dma_wait3A_750] : memref<8x8x128xf32, #tpu.memory_space<vmem>> -> memref<1x8x128xf32, #tpu.memory_space<vmem>>
      %dma_wait3A_752 = tpu.memref_squeeze %dma_wait3A_751 : memref<1x8x128xf32, #tpu.memory_space<vmem>> -> memref<8x128xf32, #tpu.memory_space<vmem>>
      %dma_wait3A_753 = arith.constant 0 : i32
      %dma_wait3A_754 = tpu.memref_slice %arg3[%add3A_19, %dma_wait3A_753] : memref<1024x100000xf32, #tpu.memory_space<hbm>> -> memref<8x128xf32, #tpu.memory_space<hbm>>
      %dma_wait3A_755 = arith.constant 0 : i32
      %dma_wait3A_756 = arith.constant 0 : i32
      %dma_wait3A_757 = tpu.memref_slice %arg11[%dma_wait3A_748, %dma_wait3A_755, %dma_wait3A_756] : memref<8x8x128xf32, #tpu.memory_space<vmem>> -> memref<1x8x128xf32, #tpu.memory_space<vmem>>
      %dma_wait3A_758 = tpu.memref_squeeze %dma_wait3A_757 : memref<1x8x128xf32, #tpu.memory_space<vmem>> -> memref<8x128xf32, #tpu.memory_space<vmem>>
      %dma_wait3A_759 = arith.constant 0 : i32
      %dma_wait3A_760 = tpu.memref_slice %arg3[%add3A_19, %dma_wait3A_759] : memref<1024x100000xf32, #tpu.memory_space<hbm>> -> memref<8x128xf32, #tpu.memory_space<hbm>>
      tpu.wait_dma2 semaphore(%arg19 : memref<!tpu.dma_semaphore, #tpu.memory_space<semaphore_mem>>) src(%dma_wait3A_760 : memref<8x128xf32, #tpu.memory_space<hbm>>) dst(%dma_wait3A_758 : memref<8x128xf32, #tpu.memory_space<vmem>>)
      %jit3A_761 = arith.constant 128 : i32
      %eq3A = arith.constant 0 : i32
      %eq3A_762 = arith.cmpi eq, %jit3A_761, %eq3A : i32
      %jit3A_763 = arith.constant 1 : i32
      %select_n3A_764 = arith.select %eq3A_762, %jit3A_763, %jit3A_761 : i32
      %rem3A_765 = arith.remsi %select_n3A, %select_n3A_764 : i32
      %ne3A_766 = arith.constant 0 : i32
      %ne3A_767 = arith.cmpi ne, %rem3A_765, %ne3A_766 : i32
      %lt3A_768 = arith.constant 0 : i32
      %lt3A_769 = arith.cmpi slt, %rem3A_765, %lt3A_768 : i32
      %lt3A_770 = arith.constant 0 : i32
      %lt3A_771 = arith.cmpi slt, %select_n3A_764, %lt3A_770 : i32
      %ne3A_772 = arith.xori %lt3A_769, %lt3A_771 : i1
      %and3A_773 = arith.andi %ne3A_772, %ne3A_767 : i1
      %add3A_774 = arith.addi %rem3A_765, %select_n3A_764 : i32
      %select_n3A_775 = arith.select %and3A_773, %add3A_774, %rem3A_765 : i32
      %jit3A_776 = arith.constant 16 : i32
      %div3A_777 = arith.divsi %select_n3A_775, %jit3A_776 : i32
      %sign3A_778 = arith.constant 0 : i32
      %sign3A_779 = arith.cmpi sgt, %select_n3A_775, %sign3A_778 : i32
      %sign3A_780 = arith.extui %sign3A_779 : i1 to i32
      %sign3A_781 = arith.constant 0 : i32
      %sign3A_782 = arith.cmpi slt, %select_n3A_775, %sign3A_781 : i32
      %sign3A_783 = arith.extui %sign3A_782 : i1 to i32
      %sign3A_784 = arith.subi %sign3A_780, %sign3A_783 : i32
      %sign3A_785 = arith.constant 0 : i32
      %sign3A_786 = arith.cmpi sgt, %jit3A_776, %sign3A_785 : i32
      %sign3A_787 = arith.extui %sign3A_786 : i1 to i32
      %sign3A_788 = arith.constant 0 : i32
      %sign3A_789 = arith.cmpi slt, %jit3A_776, %sign3A_788 : i32
      %sign3A_790 = arith.extui %sign3A_789 : i1 to i32
      %sign3A_791 = arith.subi %sign3A_787, %sign3A_790 : i32
      %ne3A_792 = arith.cmpi ne, %sign3A_784, %sign3A_791 : i32
      %rem3A_793 = arith.remsi %select_n3A_775, %jit3A_776 : i32
      %ne3A_794 = arith.constant 0 : i32
      %ne3A_795 = arith.cmpi ne, %rem3A_793, %ne3A_794 : i32
      %and3A_796 = arith.andi %ne3A_792, %ne3A_795 : i1
      %sub3A_797 = arith.constant 1 : i32
      %sub3A_798 = arith.subi %div3A_777, %sub3A_797 : i32
      %select_n3A_799 = arith.select %and3A_796, %sub3A_798, %div3A_777 : i32
      %mul3A_800 = arith.constant 16 : i32
      %mul3A_801 = arith.muli %select_n3A_799, %mul3A_800 : i32
      %get3A_802 = arith.constant 0 : i32
      %get3A_803 = arith.constant 0 : i32
      %get3A_804 = arith.index_cast %get3A_802 : i32 to index
      %get3A_805 = arith.index_cast %get3A_803 : i32 to index
      %get3A_806 = arith.index_cast %mul3A_801 : i32 to index
      %get3A_807 = tpu.vector_load %arg11[%get3A_804, %get3A_805, %get3A_806] {strides = array<i32>} : memref<8x8x128xf32, #tpu.memory_space<vmem>>, vector<1x1x16xf32>,
      %get3A_808 = vector.shape_cast %get3A_807 : vector<1x1x16xf32> to vector<16xf32>
      %jit3A_809 = arith.constant 16 : i32
      %eq3A_810 = arith.constant 0 : i32
      %eq3A_811 = arith.cmpi eq, %jit3A_809, %eq3A_810 : i32
      %jit3A_812 = arith.constant 1 : i32
      %select_n3A_813 = arith.select %eq3A_811, %jit3A_812, %jit3A_809 : i32
      %rem3A_814 = arith.remsi %select_n3A_775, %select_n3A_813 : i32
      %ne3A_815 = arith.constant 0 : i32
      %ne3A_816 = arith.cmpi ne, %rem3A_814, %ne3A_815 : i32
      %lt3A_817 = arith.constant 0 : i32
      %lt3A_818 = arith.cmpi slt, %rem3A_814, %lt3A_817 : i32
      %lt3A_819 = arith.constant 0 : i32
      %lt3A_820 = arith.cmpi slt, %select_n3A_813, %lt3A_819 : i32
      %ne3A_821 = arith.xori %lt3A_818, %lt3A_820 : i1
      %and3A_822 = arith.andi %ne3A_821, %ne3A_816 : i1
      %add3A_823 = arith.addi %rem3A_814, %select_n3A_813 : i32
      %select_n3A_824 = arith.select %and3A_822, %add3A_823, %rem3A_814 : i32
      %eq3A_825 = vector.broadcast %select_n3A_824 : i32 to vector<16xi32>
      %eq3A_826 = arith.cmpi eq, %iota3A, %eq3A_825 : vector<16xi32>
      %jit3A_827 = arith.constant 0.000000e+00 : f32
      %broadcast_in_dim3A_828 = vector.broadcast %jit3A_827 : f32 to vector<16xf32>
      %select_n3A_829 = arith.select %eq3A_826, %get3A_808, %broadcast_in_dim3A_828 : vector<16xi1>, vector<16xf32>
      %swap3A_830 = arith.constant 0 : i32
      %swap3A_831 = arith.index_cast %swap3A_830 : i32 to index
      %swap3A_832 = arith.constant 0 : index
      %swap3A_833 = tpu.vector_load %arg13[%swap3A_831, %swap3A_832] {strides = array<i32>} : memref<8x16xf32, #tpu.memory_space<vmem>>, vector<1x16xf32>,
      %swap3A_834 = vector.shape_cast %swap3A_833 : vector<1x16xf32> to vector<16xf32>
      %swap3A_835 = vector.shape_cast %select_n3A_829 : vector<16xf32> to vector<1x16xf32>
      tpu.vector_store %arg13[%swap3A_831, %swap3A_832], %swap3A_835 {strides = array<i32>} : memref<8x16xf32, #tpu.memory_space<vmem>>, vector<1x16xf32>,
      %jit3A_836 = arith.constant 128 : i32
      %eq3A_837 = arith.constant 0 : i32
      %eq3A_838 = arith.cmpi eq, %jit3A_836, %eq3A_837 : i32
      %jit3A_839 = arith.constant 1 : i32
      %select_n3A_840 = arith.select %eq3A_838, %jit3A_839, %jit3A_836 : i32
      %rem3A_841 = arith.remsi %select_n3A_65, %select_n3A_840 : i32
      %ne3A_842 = arith.constant 0 : i32
      %ne3A_843 = arith.cmpi ne, %rem3A_841, %ne3A_842 : i32
      %lt3A_844 = arith.constant 0 : i32
      %lt3A_845 = arith.cmpi slt, %rem3A_841, %lt3A_844 : i32
      %lt3A_846 = arith.constant 0 : i32
      %lt3A_847 = arith.cmpi slt, %select_n3A_840, %lt3A_846 : i32
      %ne3A_848 = arith.xori %lt3A_845, %lt3A_847 : i1
      %and3A_849 = arith.andi %ne3A_848, %ne3A_843 : i1
      %add3A_850 = arith.addi %rem3A_841, %select_n3A_840 : i32
      %select_n3A_851 = arith.select %and3A_849, %add3A_850, %rem3A_841 : i32
      %jit3A_852 = arith.constant 16 : i32
      %div3A_853 = arith.divsi %select_n3A_851, %jit3A_852 : i32
      %sign3A_854 = arith.constant 0 : i32
      %sign3A_855 = arith.cmpi sgt, %select_n3A_851, %sign3A_854 : i32
      %sign3A_856 = arith.extui %sign3A_855 : i1 to i32
      %sign3A_857 = arith.constant 0 : i32
      %sign3A_858 = arith.cmpi slt, %select_n3A_851, %sign3A_857 : i32
      %sign3A_859 = arith.extui %sign3A_858 : i1 to i32
      %sign3A_860 = arith.subi %sign3A_856, %sign3A_859 : i32
      %sign3A_861 = arith.constant 0 : i32
      %sign3A_862 = arith.cmpi sgt, %jit3A_852, %sign3A_861 : i32
      %sign3A_863 = arith.extui %sign3A_862 : i1 to i32
      %sign3A_864 = arith.constant 0 : i32
      %sign3A_865 = arith.cmpi slt, %jit3A_852, %sign3A_864 : i32
      %sign3A_866 = arith.extui %sign3A_865 : i1 to i32
      %sign3A_867 = arith.subi %sign3A_863, %sign3A_866 : i32
      %ne3A_868 = arith.cmpi ne, %sign3A_860, %sign3A_867 : i32
      %rem3A_869 = arith.remsi %select_n3A_851, %jit3A_852 : i32
      %ne3A_870 = arith.constant 0 : i32
      %ne3A_871 = arith.cmpi ne, %rem3A_869, %ne3A_870 : i32
      %and3A_872 = arith.andi %ne3A_868, %ne3A_871 : i1
      %sub3A_873 = arith.constant 1 : i32
      %sub3A_874 = arith.subi %div3A_853, %sub3A_873 : i32
      %select_n3A_875 = arith.select %and3A_872, %sub3A_874, %div3A_853 : i32
      %mul3A_876 = arith.constant 16 : i32
      %mul3A_877 = arith.muli %select_n3A_875, %mul3A_876 : i32
      %get3A_878 = arith.constant 1 : i32
      %get3A_879 = arith.constant 1 : i32
      %get3A_880 = arith.index_cast %get3A_878 : i32 to index
      %get3A_881 = arith.index_cast %get3A_879 : i32 to index
      %get3A_882 = arith.index_cast %mul3A_877 : i32 to index
      %get3A_883 = tpu.vector_load %arg11[%get3A_880, %get3A_881, %get3A_882] {strides = array<i32>} : memref<8x8x128xf32, #tpu.memory_space<vmem>>, vector<1x1x16xf32>,
      %get3A_884 = vector.shape_cast %get3A_883 : vector<1x1x16xf32> to vector<16xf32>
      %jit3A_885 = arith.constant 16 : i32
      %eq3A_886 = arith.constant 0 : i32
      %eq3A_887 = arith.cmpi eq, %jit3A_885, %eq3A_886 : i32
      %jit3A_888 = arith.constant 1 : i32
      %select_n3A_889 = arith.select %eq3A_887, %jit3A_888, %jit3A_885 : i32
      %rem3A_890 = arith.remsi %select_n3A_851, %select_n3A_889 : i32
      %ne3A_891 = arith.constant 0 : i32
      %ne3A_892 = arith.cmpi ne, %rem3A_890, %ne3A_891 : i32
      %lt3A_893 = arith.constant 0 : i32
      %lt3A_894 = arith.cmpi slt, %rem3A_890, %lt3A_893 : i32
      %lt3A_895 = arith.constant 0 : i32
      %lt3A_896 = arith.cmpi slt, %select_n3A_889, %lt3A_895 : i32
      %ne3A_897 = arith.xori %lt3A_894, %lt3A_896 : i1
      %and3A_898 = arith.andi %ne3A_897, %ne3A_892 : i1
      %add3A_899 = arith.addi %rem3A_890, %select_n3A_889 : i32
      %select_n3A_900 = arith.select %and3A_898, %add3A_899, %rem3A_890 : i32
      %eq3A_901 = vector.broadcast %select_n3A_900 : i32 to vector<16xi32>
      %eq3A_902 = arith.cmpi eq, %iota3A, %eq3A_901 : vector<16xi32>
      %jit3A_903 = arith.constant 0.000000e+00 : f32
      %broadcast_in_dim3A_904 = vector.broadcast %jit3A_903 : f32 to vector<16xf32>
      %select_n3A_905 = arith.select %eq3A_902, %get3A_884, %broadcast_in_dim3A_904 : vector<16xi1>, vector<16xf32>
      %swap3A_906 = arith.constant 1 : i32
      %swap3A_907 = arith.index_cast %swap3A_906 : i32 to index
      %swap3A_908 = arith.constant 0 : index
      %swap3A_909 = tpu.vector_load %arg13[%swap3A_907, %swap3A_908] {strides = array<i32>} : memref<8x16xf32, #tpu.memory_space<vmem>>, vector<1x16xf32>,
      %swap3A_910 = vector.shape_cast %swap3A_909 : vector<1x16xf32> to vector<16xf32>
      %swap3A_911 = vector.shape_cast %select_n3A_905 : vector<16xf32> to vector<1x16xf32>
      tpu.vector_store %arg13[%swap3A_907, %swap3A_908], %swap3A_911 {strides = array<i32>} : memref<8x16xf32, #tpu.memory_space<vmem>>, vector<1x16xf32>,
      %jit3A_912 = arith.constant 128 : i32
      %eq3A_913 = arith.constant 0 : i32
      %eq3A_914 = arith.cmpi eq, %jit3A_912, %eq3A_913 : i32
      %jit3A_915 = arith.constant 1 : i32
      %select_n3A_916 = arith.select %eq3A_914, %jit3A_915, %jit3A_912 : i32
      %rem3A_917 = arith.remsi %select_n3A_108, %select_n3A_916 : i32
      %ne3A_918 = arith.constant 0 : i32
      %ne3A_919 = arith.cmpi ne, %rem3A_917, %ne3A_918 : i32
      %lt3A_920 = arith.constant 0 : i32
      %lt3A_921 = arith.cmpi slt, %rem3A_917, %lt3A_920 : i32
      %lt3A_922 = arith.constant 0 : i32
      %lt3A_923 = arith.cmpi slt, %select_n3A_916, %lt3A_922 : i32
      %ne3A_924 = arith.xori %lt3A_921, %lt3A_923 : i1
      %and3A_925 = arith.andi %ne3A_924, %ne3A_919 : i1
      %add3A_926 = arith.addi %rem3A_917, %select_n3A_916 : i32
      %select_n3A_927 = arith.select %and3A_925, %add3A_926, %rem3A_917 : i32
      %jit3A_928 = arith.constant 16 : i32
      %div3A_929 = arith.divsi %select_n3A_927, %jit3A_928 : i32
      %sign3A_930 = arith.constant 0 : i32
      %sign3A_931 = arith.cmpi sgt, %select_n3A_927, %sign3A_930 : i32
      %sign3A_932 = arith.extui %sign3A_931 : i1 to i32
      %sign3A_933 = arith.constant 0 : i32
      %sign3A_934 = arith.cmpi slt, %select_n3A_927, %sign3A_933 : i32
      %sign3A_935 = arith.extui %sign3A_934 : i1 to i32
      %sign3A_936 = arith.subi %sign3A_932, %sign3A_935 : i32
      %sign3A_937 = arith.constant 0 : i32
      %sign3A_938 = arith.cmpi sgt, %jit3A_928, %sign3A_937 : i32
      %sign3A_939 = arith.extui %sign3A_938 : i1 to i32
      %sign3A_940 = arith.constant 0 : i32
      %sign3A_941 = arith.cmpi slt, %jit3A_928, %sign3A_940 : i32
      %sign3A_942 = arith.extui %sign3A_941 : i1 to i32
      %sign3A_943 = arith.subi %sign3A_939, %sign3A_942 : i32
      %ne3A_944 = arith.cmpi ne, %sign3A_936, %sign3A_943 : i32
      %rem3A_945 = arith.remsi %select_n3A_927, %jit3A_928 : i32
      %ne3A_946 = arith.constant 0 : i32
      %ne3A_947 = arith.cmpi ne, %rem3A_945, %ne3A_946 : i32
      %and3A_948 = arith.andi %ne3A_944, %ne3A_947 : i1
      %sub3A_949 = arith.constant 1 : i32
      %sub3A_950 = arith.subi %div3A_929, %sub3A_949 : i32
      %select_n3A_951 = arith.select %and3A_948, %sub3A_950, %div3A_929 : i32
      %mul3A_952 = arith.constant 16 : i32
      %mul3A_953 = arith.muli %select_n3A_951, %mul3A_952 : i32
      %get3A_954 = arith.constant 2 : i32
      %get3A_955 = arith.constant 2 : i32
      %get3A_956 = arith.index_cast %get3A_954 : i32 to index
      %get3A_957 = arith.index_cast %get3A_955 : i32 to index
      %get3A_958 = arith.index_cast %mul3A_953 : i32 to index
      %get3A_959 = tpu.vector_load %arg11[%get3A_956, %get3A_957, %get3A_958] {strides = array<i32>} : memref<8x8x128xf32, #tpu.memory_space<vmem>>, vector<1x1x16xf32>,
      %get3A_960 = vector.shape_cast %get3A_959 : vector<1x1x16xf32> to vector<16xf32>
      %jit3A_961 = arith.constant 16 : i32
      %eq3A_962 = arith.constant 0 : i32
      %eq3A_963 = arith.cmpi eq, %jit3A_961, %eq3A_962 : i32
      %jit3A_964 = arith.constant 1 : i32
      %select_n3A_965 = arith.select %eq3A_963, %jit3A_964, %jit3A_961 : i32
      %rem3A_966 = arith.remsi %select_n3A_927, %select_n3A_965 : i32
      %ne3A_967 = arith.constant 0 : i32
      %ne3A_968 = arith.cmpi ne, %rem3A_966, %ne3A_967 : i32
      %lt3A_969 = arith.constant 0 : i32
      %lt3A_970 = arith.cmpi slt, %rem3A_966, %lt3A_969 : i32
      %lt3A_971 = arith.constant 0 : i32
      %lt3A_972 = arith.cmpi slt, %select_n3A_965, %lt3A_971 : i32
      %ne3A_973 = arith.xori %lt3A_970, %lt3A_972 : i1
      %and3A_974 = arith.andi %ne3A_973, %ne3A_968 : i1
      %add3A_975 = arith.addi %rem3A_966, %select_n3A_965 : i32
      %select_n3A_976 = arith.select %and3A_974, %add3A_975, %rem3A_966 : i32
      %eq3A_977 = vector.broadcast %select_n3A_976 : i32 to vector<16xi32>
      %eq3A_978 = arith.cmpi eq, %iota3A, %eq3A_977 : vector<16xi32>
      %jit3A_979 = arith.constant 0.000000e+00 : f32
      %broadcast_in_dim3A_980 = vector.broadcast %jit3A_979 : f32 to vector<16xf32>
      %select_n3A_981 = arith.select %eq3A_978, %get3A_960, %broadcast_in_dim3A_980 : vector<16xi1>, vector<16xf32>
      %swap3A_982 = arith.constant 2 : i32
      %swap3A_983 = arith.index_cast %swap3A_982 : i32 to index
      %swap3A_984 = arith.constant 0 : index
      %swap3A_985 = tpu.vector_load %arg13[%swap3A_983, %swap3A_984] {strides = array<i32>} : memref<8x16xf32, #tpu.memory_space<vmem>>, vector<1x16xf32>,
      %swap3A_986 = vector.shape_cast %swap3A_985 : vector<1x16xf32> to vector<16xf32>
      %swap3A_987 = vector.shape_cast %select_n3A_981 : vector<16xf32> to vector<1x16xf32>
      tpu.vector_store %arg13[%swap3A_983, %swap3A_984], %swap3A_987 {strides = array<i32>} : memref<8x16xf32, #tpu.memory_space<vmem>>, vector<1x16xf32>,
      %jit3A_988 = arith.constant 128 : i32
      %eq3A_989 = arith.constant 0 : i32
      %eq3A_990 = arith.cmpi eq, %jit3A_988, %eq3A_989 : i32
      %jit3A_991 = arith.constant 1 : i32
      %select_n3A_992 = arith.select %eq3A_990, %jit3A_991, %jit3A_988 : i32
      %rem3A_993 = arith.remsi %select_n3A_151, %select_n3A_992 : i32
      %ne3A_994 = arith.constant 0 : i32
      %ne3A_995 = arith.cmpi ne, %rem3A_993, %ne3A_994 : i32
      %lt3A_996 = arith.constant 0 : i32
      %lt3A_997 = arith.cmpi slt, %rem3A_993, %lt3A_996 : i32
      %lt3A_998 = arith.constant 0 : i32
      %lt3A_999 = arith.cmpi slt, %select_n3A_992, %lt3A_998 : i32
      %ne3A_1000 = arith.xori %lt3A_997, %lt3A_999 : i1
      %and3A_1001 = arith.andi %ne3A_1000, %ne3A_995 : i1
      %add3A_1002 = arith.addi %rem3A_993, %select_n3A_992 : i32
      %select_n3A_1003 = arith.select %and3A_1001, %add3A_1002, %rem3A_993 : i32
      %jit3A_1004 = arith.constant 16 : i32
      %div3A_1005 = arith.divsi %select_n3A_1003, %jit3A_1004 : i32
      %sign3A_1006 = arith.constant 0 : i32
      %sign3A_1007 = arith.cmpi sgt, %select_n3A_1003, %sign3A_1006 : i32
      %sign3A_1008 = arith.extui %sign3A_1007 : i1 to i32
      %sign3A_1009 = arith.constant 0 : i32
      %sign3A_1010 = arith.cmpi slt, %select_n3A_1003, %sign3A_1009 : i32
      %sign3A_1011 = arith.extui %sign3A_1010 : i1 to i32
      %sign3A_1012 = arith.subi %sign3A_1008, %sign3A_1011 : i32
      %sign3A_1013 = arith.constant 0 : i32
      %sign3A_1014 = arith.cmpi sgt, %jit3A_1004, %sign3A_1013 : i32
      %sign3A_1015 = arith.extui %sign3A_1014 : i1 to i32
      %sign3A_1016 = arith.constant 0 : i32
      %sign3A_1017 = arith.cmpi slt, %jit3A_1004, %sign3A_1016 : i32
      %sign3A_1018 = arith.extui %sign3A_1017 : i1 to i32
      %sign3A_1019 = arith.subi %sign3A_1015, %sign3A_1018 : i32
      %ne3A_1020 = arith.cmpi ne, %sign3A_1012, %sign3A_1019 : i32
      %rem3A_1021 = arith.remsi %select_n3A_1003, %jit3A_1004 : i32
      %ne3A_1022 = arith.constant 0 : i32
      %ne3A_1023 = arith.cmpi ne, %rem3A_1021, %ne3A_1022 : i32
      %and3A_1024 = arith.andi %ne3A_1020, %ne3A_1023 : i1
      %sub3A_1025 = arith.constant 1 : i32
      %sub3A_1026 = arith.subi %div3A_1005, %sub3A_1025 : i32
      %select_n3A_1027 = arith.select %and3A_1024, %sub3A_1026, %div3A_1005 : i32
      %mul3A_1028 = arith.constant 16 : i32
      %mul3A_1029 = arith.muli %select_n3A_1027, %mul3A_1028 : i32
      %get3A_1030 = arith.constant 3 : i32
      %get3A_1031 = arith.constant 3 : i32
      %get3A_1032 = arith.index_cast %get3A_1030 : i32 to index
      %get3A_1033 = arith.index_cast %get3A_1031 : i32 to index
      %get3A_1034 = arith.index_cast %mul3A_1029 : i32 to index
      %get3A_1035 = tpu.vector_load %arg11[%get3A_1032, %get3A_1033, %get3A_1034] {strides = array<i32>} : memref<8x8x128xf32, #tpu.memory_space<vmem>>, vector<1x1x16xf32>,
      %get3A_1036 = vector.shape_cast %get3A_1035 : vector<1x1x16xf32> to vector<16xf32>
      %jit3A_1037 = arith.constant 16 : i32
      %eq3A_1038 = arith.constant 0 : i32
      %eq3A_1039 = arith.cmpi eq, %jit3A_1037, %eq3A_1038 : i32
      %jit3A_1040 = arith.constant 1 : i32
      %select_n3A_1041 = arith.select %eq3A_1039, %jit3A_1040, %jit3A_1037 : i32
      %rem3A_1042 = arith.remsi %select_n3A_1003, %select_n3A_1041 : i32
      %ne3A_1043 = arith.constant 0 : i32
      %ne3A_1044 = arith.cmpi ne, %rem3A_1042, %ne3A_1043 : i32
      %lt3A_1045 = arith.constant 0 : i32
      %lt3A_1046 = arith.cmpi slt, %rem3A_1042, %lt3A_1045 : i32
      %lt3A_1047 = arith.constant 0 : i32
      %lt3A_1048 = arith.cmpi slt, %select_n3A_1041, %lt3A_1047 : i32
      %ne3A_1049 = arith.xori %lt3A_1046, %lt3A_1048 : i1
      %and3A_1050 = arith.andi %ne3A_1049, %ne3A_1044 : i1
      %add3A_1051 = arith.addi %rem3A_1042, %select_n3A_1041 : i32
      %select_n3A_1052 = arith.select %and3A_1050, %add3A_1051, %rem3A_1042 : i32
      %eq3A_1053 = vector.broadcast %select_n3A_1052 : i32 to vector<16xi32>
      %eq3A_1054 = arith.cmpi eq, %iota3A, %eq3A_1053 : vector<16xi32>
      %jit3A_1055 = arith.constant 0.000000e+00 : f32
      %broadcast_in_dim3A_1056 = vector.broadcast %jit3A_1055 : f32 to vector<16xf32>
      %select_n3A_1057 = arith.select %eq3A_1054, %get3A_1036, %broadcast_in_dim3A_1056 : vector<16xi1>, vector<16xf32>
      %swap3A_1058 = arith.constant 3 : i32
      %swap3A_1059 = arith.index_cast %swap3A_1058 : i32 to index
      %swap3A_1060 = arith.constant 0 : index
      %swap3A_1061 = tpu.vector_load %arg13[%swap3A_1059, %swap3A_1060] {strides = array<i32>} : memref<8x16xf32, #tpu.memory_space<vmem>>, vector<1x16xf32>,
      %swap3A_1062 = vector.shape_cast %swap3A_1061 : vector<1x16xf32> to vector<16xf32>
      %swap3A_1063 = vector.shape_cast %select_n3A_1057 : vector<16xf32> to vector<1x16xf32>
      tpu.vector_store %arg13[%swap3A_1059, %swap3A_1060], %swap3A_1063 {strides = array<i32>} : memref<8x16xf32, #tpu.memory_space<vmem>>, vector<1x16xf32>,
      %jit3A_1064 = arith.constant 128 : i32
      %eq3A_1065 = arith.constant 0 : i32
      %eq3A_1066 = arith.cmpi eq, %jit3A_1064, %eq3A_1065 : i32
      %jit3A_1067 = arith.constant 1 : i32
      %select_n3A_1068 = arith.select %eq3A_1066, %jit3A_1067, %jit3A_1064 : i32
      %rem3A_1069 = arith.remsi %select_n3A_194, %select_n3A_1068 : i32
      %ne3A_1070 = arith.constant 0 : i32
      %ne3A_1071 = arith.cmpi ne, %rem3A_1069, %ne3A_1070 : i32
      %lt3A_1072 = arith.constant 0 : i32
      %lt3A_1073 = arith.cmpi slt, %rem3A_1069, %lt3A_1072 : i32
      %lt3A_1074 = arith.constant 0 : i32
      %lt3A_1075 = arith.cmpi slt, %select_n3A_1068, %lt3A_1074 : i32
      %ne3A_1076 = arith.xori %lt3A_1073, %lt3A_1075 : i1
      %and3A_1077 = arith.andi %ne3A_1076, %ne3A_1071 : i1
      %add3A_1078 = arith.addi %rem3A_1069, %select_n3A_1068 : i32
      %select_n3A_1079 = arith.select %and3A_1077, %add3A_1078, %rem3A_1069 : i32
      %jit3A_1080 = arith.constant 16 : i32
      %div3A_1081 = arith.divsi %select_n3A_1079, %jit3A_1080 : i32
      %sign3A_1082 = arith.constant 0 : i32
      %sign3A_1083 = arith.cmpi sgt, %select_n3A_1079, %sign3A_1082 : i32
      %sign3A_1084 = arith.extui %sign3A_1083 : i1 to i32
      %sign3A_1085 = arith.constant 0 : i32
      %sign3A_1086 = arith.cmpi slt, %select_n3A_1079, %sign3A_1085 : i32
      %sign3A_1087 = arith.extui %sign3A_1086 : i1 to i32
      %sign3A_1088 = arith.subi %sign3A_1084, %sign3A_1087 : i32
      %sign3A_1089 = arith.constant 0 : i32
      %sign3A_1090 = arith.cmpi sgt, %jit3A_1080, %sign3A_1089 : i32
      %sign3A_1091 = arith.extui %sign3A_1090 : i1 to i32
      %sign3A_1092 = arith.constant 0 : i32
      %sign3A_1093 = arith.cmpi slt, %jit3A_1080, %sign3A_1092 : i32
      %sign3A_1094 = arith.extui %sign3A_1093 : i1 to i32
      %sign3A_1095 = arith.subi %sign3A_1091, %sign3A_1094 : i32
      %ne3A_1096 = arith.cmpi ne, %sign3A_1088, %sign3A_1095 : i32
      %rem3A_1097 = arith.remsi %select_n3A_1079, %jit3A_1080 : i32
      %ne3A_1098 = arith.constant 0 : i32
      %ne3A_1099 = arith.cmpi ne, %rem3A_1097, %ne3A_1098 : i32
      %and3A_1100 = arith.andi %ne3A_1096, %ne3A_1099 : i1
      %sub3A_1101 = arith.constant 1 : i32
      %sub3A_1102 = arith.subi %div3A_1081, %sub3A_1101 : i32
      %select_n3A_1103 = arith.select %and3A_1100, %sub3A_1102, %div3A_1081 : i32
      %mul3A_1104 = arith.constant 16 : i32
      %mul3A_1105 = arith.muli %select_n3A_1103, %mul3A_1104 : i32
      %get3A_1106 = arith.constant 4 : i32
      %get3A_1107 = arith.constant 4 : i32
      %get3A_1108 = arith.index_cast %get3A_1106 : i32 to index
      %get3A_1109 = arith.index_cast %get3A_1107 : i32 to index
      %get3A_1110 = arith.index_cast %mul3A_1105 : i32 to index
      %get3A_1111 = tpu.vector_load %arg11[%get3A_1108, %get3A_1109, %get3A_1110] {strides = array<i32>} : memref<8x8x128xf32, #tpu.memory_space<vmem>>, vector<1x1x16xf32>,
      %get3A_1112 = vector.shape_cast %get3A_1111 : vector<1x1x16xf32> to vector<16xf32>
      %jit3A_1113 = arith.constant 16 : i32
      %eq3A_1114 = arith.constant 0 : i32
      %eq3A_1115 = arith.cmpi eq, %jit3A_1113, %eq3A_1114 : i32
      %jit3A_1116 = arith.constant 1 : i32
      %select_n3A_1117 = arith.select %eq3A_1115, %jit3A_1116, %jit3A_1113 : i32
      %rem3A_1118 = arith.remsi %select_n3A_1079, %select_n3A_1117 : i32
      %ne3A_1119 = arith.constant 0 : i32
      %ne3A_1120 = arith.cmpi ne, %rem3A_1118, %ne3A_1119 : i32
      %lt3A_1121 = arith.constant 0 : i32
      %lt3A_1122 = arith.cmpi slt, %rem3A_1118, %lt3A_1121 : i32
      %lt3A_1123 = arith.constant 0 : i32
      %lt3A_1124 = arith.cmpi slt, %select_n3A_1117, %lt3A_1123 : i32
      %ne3A_1125 = arith.xori %lt3A_1122, %lt3A_1124 : i1
      %and3A_1126 = arith.andi %ne3A_1125, %ne3A_1120 : i1
      %add3A_1127 = arith.addi %rem3A_1118, %select_n3A_1117 : i32
      %select_n3A_1128 = arith.select %and3A_1126, %add3A_1127, %rem3A_1118 : i32
      %eq3A_1129 = vector.broadcast %select_n3A_1128 : i32 to vector<16xi32>
      %eq3A_1130 = arith.cmpi eq, %iota3A, %eq3A_1129 : vector<16xi32>
      %jit3A_1131 = arith.constant 0.000000e+00 : f32
      %broadcast_in_dim3A_1132 = vector.broadcast %jit3A_1131 : f32 to vector<16xf32>
      %select_n3A_1133 = arith.select %eq3A_1130, %get3A_1112, %broadcast_in_dim3A_1132 : vector<16xi1>, vector<16xf32>
      %swap3A_1134 = arith.constant 4 : i32
      %swap3A_1135 = arith.index_cast %swap3A_1134 : i32 to index
      %swap3A_1136 = arith.constant 0 : index
      %swap3A_1137 = tpu.vector_load %arg13[%swap3A_1135, %swap3A_1136] {strides = array<i32>} : memref<8x16xf32, #tpu.memory_space<vmem>>, vector<1x16xf32>,
      %swap3A_1138 = vector.shape_cast %swap3A_1137 : vector<1x16xf32> to vector<16xf32>
      %swap3A_1139 = vector.shape_cast %select_n3A_1133 : vector<16xf32> to vector<1x16xf32>
      tpu.vector_store %arg13[%swap3A_1135, %swap3A_1136], %swap3A_1139 {strides = array<i32>} : memref<8x16xf32, #tpu.memory_space<vmem>>, vector<1x16xf32>,
      %jit3A_1140 = arith.constant 128 : i32
      %eq3A_1141 = arith.constant 0 : i32
      %eq3A_1142 = arith.cmpi eq, %jit3A_1140, %eq3A_1141 : i32
      %jit3A_1143 = arith.constant 1 : i32
      %select_n3A_1144 = arith.select %eq3A_1142, %jit3A_1143, %jit3A_1140 : i32
      %rem3A_1145 = arith.remsi %select_n3A_237, %select_n3A_1144 : i32
      %ne3A_1146 = arith.constant 0 : i32
      %ne3A_1147 = arith.cmpi ne, %rem3A_1145, %ne3A_1146 : i32
      %lt3A_1148 = arith.constant 0 : i32
      %lt3A_1149 = arith.cmpi slt, %rem3A_1145, %lt3A_1148 : i32
      %lt3A_1150 = arith.constant 0 : i32
      %lt3A_1151 = arith.cmpi slt, %select_n3A_1144, %lt3A_1150 : i32
      %ne3A_1152 = arith.xori %lt3A_1149, %lt3A_1151 : i1
      %and3A_1153 = arith.andi %ne3A_1152, %ne3A_1147 : i1
      %add3A_1154 = arith.addi %rem3A_1145, %select_n3A_1144 : i32
      %select_n3A_1155 = arith.select %and3A_1153, %add3A_1154, %rem3A_1145 : i32
      %jit3A_1156 = arith.constant 16 : i32
      %div3A_1157 = arith.divsi %select_n3A_1155, %jit3A_1156 : i32
      %sign3A_1158 = arith.constant 0 : i32
      %sign3A_1159 = arith.cmpi sgt, %select_n3A_1155, %sign3A_1158 : i32
      %sign3A_1160 = arith.extui %sign3A_1159 : i1 to i32
      %sign3A_1161 = arith.constant 0 : i32
      %sign3A_1162 = arith.cmpi slt, %select_n3A_1155, %sign3A_1161 : i32
      %sign3A_1163 = arith.extui %sign3A_1162 : i1 to i32
      %sign3A_1164 = arith.subi %sign3A_1160, %sign3A_1163 : i32
      %sign3A_1165 = arith.constant 0 : i32
      %sign3A_1166 = arith.cmpi sgt, %jit3A_1156, %sign3A_1165 : i32
      %sign3A_1167 = arith.extui %sign3A_1166 : i1 to i32
      %sign3A_1168 = arith.constant 0 : i32
      %sign3A_1169 = arith.cmpi slt, %jit3A_1156, %sign3A_1168 : i32
      %sign3A_1170 = arith.extui %sign3A_1169 : i1 to i32
      %sign3A_1171 = arith.subi %sign3A_1167, %sign3A_1170 : i32
      %ne3A_1172 = arith.cmpi ne, %sign3A_1164, %sign3A_1171 : i32
      %rem3A_1173 = arith.remsi %select_n3A_1155, %jit3A_1156 : i32
      %ne3A_1174 = arith.constant 0 : i32
      %ne3A_1175 = arith.cmpi ne, %rem3A_1173, %ne3A_1174 : i32
      %and3A_1176 = arith.andi %ne3A_1172, %ne3A_1175 : i1
      %sub3A_1177 = arith.constant 1 : i32
      %sub3A_1178 = arith.subi %div3A_1157, %sub3A_1177 : i32
      %select_n3A_1179 = arith.select %and3A_1176, %sub3A_1178, %div3A_1157 : i32
      %mul3A_1180 = arith.constant 16 : i32
      %mul3A_1181 = arith.muli %select_n3A_1179, %mul3A_1180 : i32
      %get3A_1182 = arith.constant 5 : i32
      %get3A_1183 = arith.constant 5 : i32
      %get3A_1184 = arith.index_cast %get3A_1182 : i32 to index
      %get3A_1185 = arith.index_cast %get3A_1183 : i32 to index
      %get3A_1186 = arith.index_cast %mul3A_1181 : i32 to index
      %get3A_1187 = tpu.vector_load %arg11[%get3A_1184, %get3A_1185, %get3A_1186] {strides = array<i32>} : memref<8x8x128xf32, #tpu.memory_space<vmem>>, vector<1x1x16xf32>,
      %get3A_1188 = vector.shape_cast %get3A_1187 : vector<1x1x16xf32> to vector<16xf32>
      %jit3A_1189 = arith.constant 16 : i32
      %eq3A_1190 = arith.constant 0 : i32
      %eq3A_1191 = arith.cmpi eq, %jit3A_1189, %eq3A_1190 : i32
      %jit3A_1192 = arith.constant 1 : i32
      %select_n3A_1193 = arith.select %eq3A_1191, %jit3A_1192, %jit3A_1189 : i32
      %rem3A_1194 = arith.remsi %select_n3A_1155, %select_n3A_1193 : i32
      %ne3A_1195 = arith.constant 0 : i32
      %ne3A_1196 = arith.cmpi ne, %rem3A_1194, %ne3A_1195 : i32
      %lt3A_1197 = arith.constant 0 : i32
      %lt3A_1198 = arith.cmpi slt, %rem3A_1194, %lt3A_1197 : i32
      %lt3A_1199 = arith.constant 0 : i32
      %lt3A_1200 = arith.cmpi slt, %select_n3A_1193, %lt3A_1199 : i32
      %ne3A_1201 = arith.xori %lt3A_1198, %lt3A_1200 : i1
      %and3A_1202 = arith.andi %ne3A_1201, %ne3A_1196 : i1
      %add3A_1203 = arith.addi %rem3A_1194, %select_n3A_1193 : i32
      %select_n3A_1204 = arith.select %and3A_1202, %add3A_1203, %rem3A_1194 : i32
      %eq3A_1205 = vector.broadcast %select_n3A_1204 : i32 to vector<16xi32>
      %eq3A_1206 = arith.cmpi eq, %iota3A, %eq3A_1205 : vector<16xi32>
      %jit3A_1207 = arith.constant 0.000000e+00 : f32
      %broadcast_in_dim3A_1208 = vector.broadcast %jit3A_1207 : f32 to vector<16xf32>
      %select_n3A_1209 = arith.select %eq3A_1206, %get3A_1188, %broadcast_in_dim3A_1208 : vector<16xi1>, vector<16xf32>
      %swap3A_1210 = arith.constant 5 : i32
      %swap3A_1211 = arith.index_cast %swap3A_1210 : i32 to index
      %swap3A_1212 = arith.constant 0 : index
      %swap3A_1213 = tpu.vector_load %arg13[%swap3A_1211, %swap3A_1212] {strides = array<i32>} : memref<8x16xf32, #tpu.memory_space<vmem>>, vector<1x16xf32>,
      %swap3A_1214 = vector.shape_cast %swap3A_1213 : vector<1x16xf32> to vector<16xf32>
      %swap3A_1215 = vector.shape_cast %select_n3A_1209 : vector<16xf32> to vector<1x16xf32>
      tpu.vector_store %arg13[%swap3A_1211, %swap3A_1212], %swap3A_1215 {strides = array<i32>} : memref<8x16xf32, #tpu.memory_space<vmem>>, vector<1x16xf32>,
      %jit3A_1216 = arith.constant 128 : i32
      %eq3A_1217 = arith.constant 0 : i32
      %eq3A_1218 = arith.cmpi eq, %jit3A_1216, %eq3A_1217 : i32
      %jit3A_1219 = arith.constant 1 : i32
      %select_n3A_1220 = arith.select %eq3A_1218, %jit3A_1219, %jit3A_1216 : i32
      %rem3A_1221 = arith.remsi %select_n3A_280, %select_n3A_1220 : i32
      %ne3A_1222 = arith.constant 0 : i32
      %ne3A_1223 = arith.cmpi ne, %rem3A_1221, %ne3A_1222 : i32
      %lt3A_1224 = arith.constant 0 : i32
      %lt3A_1225 = arith.cmpi slt, %rem3A_1221, %lt3A_1224 : i32
      %lt3A_1226 = arith.constant 0 : i32
      %lt3A_1227 = arith.cmpi slt, %select_n3A_1220, %lt3A_1226 : i32
      %ne3A_1228 = arith.xori %lt3A_1225, %lt3A_1227 : i1
      %and3A_1229 = arith.andi %ne3A_1228, %ne3A_1223 : i1
      %add3A_1230 = arith.addi %rem3A_1221, %select_n3A_1220 : i32
      %select_n3A_1231 = arith.select %and3A_1229, %add3A_1230, %rem3A_1221 : i32
      %jit3A_1232 = arith.constant 16 : i32
      %div3A_1233 = arith.divsi %select_n3A_1231, %jit3A_1232 : i32
      %sign3A_1234 = arith.constant 0 : i32
      %sign3A_1235 = arith.cmpi sgt, %select_n3A_1231, %sign3A_1234 : i32
      %sign3A_1236 = arith.extui %sign3A_1235 : i1 to i32
      %sign3A_1237 = arith.constant 0 : i32
      %sign3A_1238 = arith.cmpi slt, %select_n3A_1231, %sign3A_1237 : i32
      %sign3A_1239 = arith.extui %sign3A_1238 : i1 to i32
      %sign3A_1240 = arith.subi %sign3A_1236, %sign3A_1239 : i32
      %sign3A_1241 = arith.constant 0 : i32
      %sign3A_1242 = arith.cmpi sgt, %jit3A_1232, %sign3A_1241 : i32
      %sign3A_1243 = arith.extui %sign3A_1242 : i1 to i32
      %sign3A_1244 = arith.constant 0 : i32
      %sign3A_1245 = arith.cmpi slt, %jit3A_1232, %sign3A_1244 : i32
      %sign3A_1246 = arith.extui %sign3A_1245 : i1 to i32
      %sign3A_1247 = arith.subi %sign3A_1243, %sign3A_1246 : i32
      %ne3A_1248 = arith.cmpi ne, %sign3A_1240, %sign3A_1247 : i32
      %rem3A_1249 = arith.remsi %select_n3A_1231, %jit3A_1232 : i32
      %ne3A_1250 = arith.constant 0 : i32
      %ne3A_1251 = arith.cmpi ne, %rem3A_1249, %ne3A_1250 : i32
      %and3A_1252 = arith.andi %ne3A_1248, %ne3A_1251 : i1
      %sub3A_1253 = arith.constant 1 : i32
      %sub3A_1254 = arith.subi %div3A_1233, %sub3A_1253 : i32
      %select_n3A_1255 = arith.select %and3A_1252, %sub3A_1254, %div3A_1233 : i32
      %mul3A_1256 = arith.constant 16 : i32
      %mul3A_1257 = arith.muli %select_n3A_1255, %mul3A_1256 : i32
      %get3A_1258 = arith.constant 6 : i32
      %get3A_1259 = arith.constant 6 : i32
      %get3A_1260 = arith.index_cast %get3A_1258 : i32 to index
      %get3A_1261 = arith.index_cast %get3A_1259 : i32 to index
      %get3A_1262 = arith.index_cast %mul3A_1257 : i32 to index
      %get3A_1263 = tpu.vector_load %arg11[%get3A_1260, %get3A_1261, %get3A_1262] {strides = array<i32>} : memref<8x8x128xf32, #tpu.memory_space<vmem>>, vector<1x1x16xf32>,
      %get3A_1264 = vector.shape_cast %get3A_1263 : vector<1x1x16xf32> to vector<16xf32>
      %jit3A_1265 = arith.constant 16 : i32
      %eq3A_1266 = arith.constant 0 : i32
      %eq3A_1267 = arith.cmpi eq, %jit3A_1265, %eq3A_1266 : i32
      %jit3A_1268 = arith.constant 1 : i32
      %select_n3A_1269 = arith.select %eq3A_1267, %jit3A_1268, %jit3A_1265 : i32
      %rem3A_1270 = arith.remsi %select_n3A_1231, %select_n3A_1269 : i32
      %ne3A_1271 = arith.constant 0 : i32
      %ne3A_1272 = arith.cmpi ne, %rem3A_1270, %ne3A_1271 : i32
      %lt3A_1273 = arith.constant 0 : i32
      %lt3A_1274 = arith.cmpi slt, %rem3A_1270, %lt3A_1273 : i32
      %lt3A_1275 = arith.constant 0 : i32
      %lt3A_1276 = arith.cmpi slt, %select_n3A_1269, %lt3A_1275 : i32
      %ne3A_1277 = arith.xori %lt3A_1274, %lt3A_1276 : i1
      %and3A_1278 = arith.andi %ne3A_1277, %ne3A_1272 : i1
      %add3A_1279 = arith.addi %rem3A_1270, %select_n3A_1269 : i32
      %select_n3A_1280 = arith.select %and3A_1278, %add3A_1279, %rem3A_1270 : i32
      %eq3A_1281 = vector.broadcast %select_n3A_1280 : i32 to vector<16xi32>
      %eq3A_1282 = arith.cmpi eq, %iota3A, %eq3A_1281 : vector<16xi32>
      %jit3A_1283 = arith.constant 0.000000e+00 : f32
      %broadcast_in_dim3A_1284 = vector.broadcast %jit3A_1283 : f32 to vector<16xf32>
      %select_n3A_1285 = arith.select %eq3A_1282, %get3A_1264, %broadcast_in_dim3A_1284 : vector<16xi1>, vector<16xf32>
      %swap3A_1286 = arith.constant 6 : i32
      %swap3A_1287 = arith.index_cast %swap3A_1286 : i32 to index
      %swap3A_1288 = arith.constant 0 : index
      %swap3A_1289 = tpu.vector_load %arg13[%swap3A_1287, %swap3A_1288] {strides = array<i32>} : memref<8x16xf32, #tpu.memory_space<vmem>>, vector<1x16xf32>,
      %swap3A_1290 = vector.shape_cast %swap3A_1289 : vector<1x16xf32> to vector<16xf32>
      %swap3A_1291 = vector.shape_cast %select_n3A_1285 : vector<16xf32> to vector<1x16xf32>
      tpu.vector_store %arg13[%swap3A_1287, %swap3A_1288], %swap3A_1291 {strides = array<i32>} : memref<8x16xf32, #tpu.memory_space<vmem>>, vector<1x16xf32>,
      %jit3A_1292 = arith.constant 128 : i32
      %eq3A_1293 = arith.constant 0 : i32
      %eq3A_1294 = arith.cmpi eq, %jit3A_1292, %eq3A_1293 : i32
      %jit3A_1295 = arith.constant 1 : i32
      %select_n3A_1296 = arith.select %eq3A_1294, %jit3A_1295, %jit3A_1292 : i32
      %rem3A_1297 = arith.remsi %select_n3A_323, %select_n3A_1296 : i32
      %ne3A_1298 = arith.constant 0 : i32
      %ne3A_1299 = arith.cmpi ne, %rem3A_1297, %ne3A_1298 : i32
      %lt3A_1300 = arith.constant 0 : i32
      %lt3A_1301 = arith.cmpi slt, %rem3A_1297, %lt3A_1300 : i32
      %lt3A_1302 = arith.constant 0 : i32
      %lt3A_1303 = arith.cmpi slt, %select_n3A_1296, %lt3A_1302 : i32
      %ne3A_1304 = arith.xori %lt3A_1301, %lt3A_1303 : i1
      %and3A_1305 = arith.andi %ne3A_1304, %ne3A_1299 : i1
      %add3A_1306 = arith.addi %rem3A_1297, %select_n3A_1296 : i32
      %select_n3A_1307 = arith.select %and3A_1305, %add3A_1306, %rem3A_1297 : i32
      %jit3A_1308 = arith.constant 16 : i32
      %div3A_1309 = arith.divsi %select_n3A_1307, %jit3A_1308 : i32
      %sign3A_1310 = arith.constant 0 : i32
      %sign3A_1311 = arith.cmpi sgt, %select_n3A_1307, %sign3A_1310 : i32
      %sign3A_1312 = arith.extui %sign3A_1311 : i1 to i32
      %sign3A_1313 = arith.constant 0 : i32
      %sign3A_1314 = arith.cmpi slt, %select_n3A_1307, %sign3A_1313 : i32
      %sign3A_1315 = arith.extui %sign3A_1314 : i1 to i32
      %sign3A_1316 = arith.subi %sign3A_1312, %sign3A_1315 : i32
      %sign3A_1317 = arith.constant 0 : i32
      %sign3A_1318 = arith.cmpi sgt, %jit3A_1308, %sign3A_1317 : i32
      %sign3A_1319 = arith.extui %sign3A_1318 : i1 to i32
      %sign3A_1320 = arith.constant 0 : i32
      %sign3A_1321 = arith.cmpi slt, %jit3A_1308, %sign3A_1320 : i32
      %sign3A_1322 = arith.extui %sign3A_1321 : i1 to i32
      %sign3A_1323 = arith.subi %sign3A_1319, %sign3A_1322 : i32
      %ne3A_1324 = arith.cmpi ne, %sign3A_1316, %sign3A_1323 : i32
      %rem3A_1325 = arith.remsi %select_n3A_1307, %jit3A_1308 : i32
      %ne3A_1326 = arith.constant 0 : i32
      %ne3A_1327 = arith.cmpi ne, %rem3A_1325, %ne3A_1326 : i32
      %and3A_1328 = arith.andi %ne3A_1324, %ne3A_1327 : i1
      %sub3A_1329 = arith.constant 1 : i32
      %sub3A_1330 = arith.subi %div3A_1309, %sub3A_1329 : i32
      %select_n3A_1331 = arith.select %and3A_1328, %sub3A_1330, %div3A_1309 : i32
      %mul3A_1332 = arith.constant 16 : i32
      %mul3A_1333 = arith.muli %select_n3A_1331, %mul3A_1332 : i32
      %get3A_1334 = arith.constant 7 : i32
      %get3A_1335 = arith.constant 7 : i32
      %get3A_1336 = arith.index_cast %get3A_1334 : i32 to index
      %get3A_1337 = arith.index_cast %get3A_1335 : i32 to index
      %get3A_1338 = arith.index_cast %mul3A_1333 : i32 to index
      %get3A_1339 = tpu.vector_load %arg11[%get3A_1336, %get3A_1337, %get3A_1338] {strides = array<i32>} : memref<8x8x128xf32, #tpu.memory_space<vmem>>, vector<1x1x16xf32>,
      %get3A_1340 = vector.shape_cast %get3A_1339 : vector<1x1x16xf32> to vector<16xf32>
      %jit3A_1341 = arith.constant 16 : i32
      %eq3A_1342 = arith.constant 0 : i32
      %eq3A_1343 = arith.cmpi eq, %jit3A_1341, %eq3A_1342 : i32
      %jit3A_1344 = arith.constant 1 : i32
      %select_n3A_1345 = arith.select %eq3A_1343, %jit3A_1344, %jit3A_1341 : i32
      %rem3A_1346 = arith.remsi %select_n3A_1307, %select_n3A_1345 : i32
      %ne3A_1347 = arith.constant 0 : i32
      %ne3A_1348 = arith.cmpi ne, %rem3A_1346, %ne3A_1347 : i32
      %lt3A_1349 = arith.constant 0 : i32
      %lt3A_1350 = arith.cmpi slt, %rem3A_1346, %lt3A_1349 : i32
      %lt3A_1351 = arith.constant 0 : i32
      %lt3A_1352 = arith.cmpi slt, %select_n3A_1345, %lt3A_1351 : i32
      %ne3A_1353 = arith.xori %lt3A_1350, %lt3A_1352 : i1
      %and3A_1354 = arith.andi %ne3A_1353, %ne3A_1348 : i1
      %add3A_1355 = arith.addi %rem3A_1346, %select_n3A_1345 : i32
      %select_n3A_1356 = arith.select %and3A_1354, %add3A_1355, %rem3A_1346 : i32
      %eq3A_1357 = vector.broadcast %select_n3A_1356 : i32 to vector<16xi32>
      %eq3A_1358 = arith.cmpi eq, %iota3A, %eq3A_1357 : vector<16xi32>
      %jit3A_1359 = arith.constant 0.000000e+00 : f32
      %broadcast_in_dim3A_1360 = vector.broadcast %jit3A_1359 : f32 to vector<16xf32>
      %select_n3A_1361 = arith.select %eq3A_1358, %get3A_1340, %broadcast_in_dim3A_1360 : vector<16xi1>, vector<16xf32>
      %swap3A_1362 = arith.constant 7 : i32
      %swap3A_1363 = arith.index_cast %swap3A_1362 : i32 to index
      %swap3A_1364 = arith.constant 0 : index
      %swap3A_1365 = tpu.vector_load %arg13[%swap3A_1363, %swap3A_1364] {strides = array<i32>} : memref<8x16xf32, #tpu.memory_space<vmem>>, vector<1x16xf32>,
      %swap3A_1366 = vector.shape_cast %swap3A_1365 : vector<1x16xf32> to vector<16xf32>
      %swap3A_1367 = vector.shape_cast %select_n3A_1361 : vector<16xf32> to vector<1x16xf32>
      tpu.vector_store %arg13[%swap3A_1363, %swap3A_1364], %swap3A_1367 {strides = array<i32>} : memref<8x16xf32, #tpu.memory_space<vmem>>, vector<1x16xf32>,
      "tpu.region"() ({
        %run_scoped3A = tpu.sem_alloc : memref<!tpu.dma_semaphore, #tpu.memory_space<semaphore_mem>>
        %dma_start3A_1369 = arith.constant 0 : i32
        %dma_start3A_1370 = tpu.memref_slice %arg4[%mul3A_24, %dma_start3A_1369] : memref<512x16xf32, #tpu.memory_space<hbm>> -> memref<8x16xf32, #tpu.memory_space<hbm>>
        %dma_start3A_1371 = arith.constant 0 : i32
        %dma_start3A_1372 = tpu.memref_slice %arg4[%mul3A_24, %dma_start3A_1371] : memref<512x16xf32, #tpu.memory_space<hbm>> -> memref<8x16xf32, #tpu.memory_space<hbm>>
        tpu.enqueue_dma source(%arg12 : memref<8x16xf32, #tpu.memory_space<vmem>>) target(%dma_start3A_1372 : memref<8x16xf32, #tpu.memory_space<hbm>>) target_semaphore(%run_scoped3A : memref<!tpu.dma_semaphore, #tpu.memory_space<semaphore_mem>>)
        %dma_wait3A_1373 = arith.constant 0 : i32
        %dma_wait3A_1374 = tpu.memref_slice %arg4[%mul3A_24, %dma_wait3A_1373] : memref<512x16xf32, #tpu.memory_space<hbm>> -> memref<8x16xf32, #tpu.memory_space<hbm>>
        %dma_wait3A_1375 = arith.constant 0 : i32
        %dma_wait3A_1376 = tpu.memref_slice %arg4[%mul3A_24, %dma_wait3A_1375] : memref<512x16xf32, #tpu.memory_space<hbm>> -> memref<8x16xf32, #tpu.memory_space<hbm>>
        tpu.wait_dma2 semaphore(%run_scoped3A : memref<!tpu.dma_semaphore, #tpu.memory_space<semaphore_mem>>) src(%arg12 : memref<8x16xf32, #tpu.memory_space<vmem>>) dst(%dma_wait3A_1376 : memref<8x16xf32, #tpu.memory_space<hbm>>)
        tpu.yield
      }) : () -> ()
      "tpu.region"() ({
        %run_scoped3A = tpu.sem_alloc : memref<!tpu.dma_semaphore, #tpu.memory_space<semaphore_mem>>
        %dma_start3A_1369 = arith.constant 0 : i32
        %dma_start3A_1370 = tpu.memref_slice %arg5[%mul3A_24, %dma_start3A_1369] : memref<512x16xf32, #tpu.memory_space<hbm>> -> memref<8x16xf32, #tpu.memory_space<hbm>>
        %dma_start3A_1371 = arith.constant 0 : i32
        %dma_start3A_1372 = tpu.memref_slice %arg5[%mul3A_24, %dma_start3A_1371] : memref<512x16xf32, #tpu.memory_space<hbm>> -> memref<8x16xf32, #tpu.memory_space<hbm>>
        tpu.enqueue_dma source(%arg13 : memref<8x16xf32, #tpu.memory_space<vmem>>) target(%dma_start3A_1372 : memref<8x16xf32, #tpu.memory_space<hbm>>) target_semaphore(%run_scoped3A : memref<!tpu.dma_semaphore, #tpu.memory_space<semaphore_mem>>)
        %dma_wait3A_1373 = arith.constant 0 : i32
        %dma_wait3A_1374 = tpu.memref_slice %arg5[%mul3A_24, %dma_wait3A_1373] : memref<512x16xf32, #tpu.memory_space<hbm>> -> memref<8x16xf32, #tpu.memory_space<hbm>>
        %dma_wait3A_1375 = arith.constant 0 : i32
        %dma_wait3A_1376 = tpu.memref_slice %arg5[%mul3A_24, %dma_wait3A_1375] : memref<512x16xf32, #tpu.memory_space<hbm>> -> memref<8x16xf32, #tpu.memory_space<hbm>>
        tpu.wait_dma2 semaphore(%run_scoped3A : memref<!tpu.dma_semaphore, #tpu.memory_space<semaphore_mem>>) src(%arg13 : memref<8x16xf32, #tpu.memory_space<vmem>>) dst(%dma_wait3A_1376 : memref<8x16xf32, #tpu.memory_space<hbm>>)
        tpu.yield
      }) : () -> ()
      %scan3A_1368 = arith.constant 0 : i32
      scf.yield %scan3A_1368 : i32
    }
    %scan3A_10 = arith.constant 2 : i32
    return
  }
}

module attributes {stable_mosaic.version = 14 : i64} {
  func.func @_tc_body(%arg0: i32, %arg1: memref<32x1xi32, #tpu.memory_space<vmem>>, %arg2: memref<32x100000xf32, #tpu.memory_space<vmem>>, %arg3: memref<32x1xf32, #tpu.memory_space<vmem>>, %arg4: memref<32x1xf32, #tpu.memory_space<vmem>>) attributes {dimension_semantics = [#tpu.dimension_semantics<arbitrary>], iteration_bounds = array<i64: 16>, scalar_prefetch = 0 : i64, scratch_operands = 0 : i64, tpu.core_type = #tpu.core_type<tc>, window_params = [{transform_indices = @transform_0, window_bounds = array<i64: 32, 1>}, {transform_indices = @transform_1, window_bounds = array<i64: 32, 100000>}, {transform_indices = @transform_2, window_bounds = array<i64: 32, 1>}, {transform_indices = @transform_3, window_bounds = array<i64: 32, 1>}]} {
    %get3A = arith.constant 0 : index
    %get3A_0 = arith.constant 0 : index
    %get3A_1 = vector.load %arg2[%get3A, %get3A_0] : memref<32x100000xf32, #tpu.memory_space<vmem>>, vector<32x100000xf32>
    %iota3A = tpu.iota {dimensions = array<i32: 1>} : vector<32x100000xi32>
    %get3A_2 = arith.constant 0 : index
    %get3A_3 = arith.constant 0 : index
    %get3A_4 = vector.load %arg1[%get3A_2, %get3A_3] : memref<32x1xi32, #tpu.memory_space<vmem>>, vector<32x1xi32>
    %lt3A = arith.constant 0 : i32
    %lt3A_5 = vector.broadcast %lt3A : i32 to vector<32x1xi32>
    %lt3A_6 = arith.cmpi slt, %get3A_4, %lt3A_5 : vector<32x1xi32>
    %jit3A = arith.constant 0 : i32
    %broadcast_in_dim3A = vector.broadcast %jit3A : i32 to vector<32x1xi32>
    %select_n3A = arith.select %lt3A_6, %broadcast_in_dim3A, %get3A_4 : vector<32x1xi1>, vector<32x1xi32>
    %lt3A_7 = arith.constant 100000 : i32
    %lt3A_8 = vector.broadcast %lt3A_7 : i32 to vector<32x100000xi32>
    %lt3A_9 = arith.cmpi slt, %iota3A, %lt3A_8 : vector<32x100000xi32>
    %jit3A_10 = arith.constant -1.000000e+00 : f32
    %broadcast_in_dim3A_11 = vector.broadcast %jit3A_10 : f32 to vector<32x100000xf32>
    %select_n3A_12 = arith.select %lt3A_9, %get3A_1, %broadcast_in_dim3A_11 : vector<32x100000xi1>, vector<32x100000xf32>
    %mul3A = arith.constant 92.3324813 : f32
    %mul3A_13 = vector.broadcast %mul3A : f32 to vector<32x100000xf32>
    %mul3A_14 = arith.mulf %mul3A_13, %select_n3A_12 : vector<32x100000xf32>
    %sub3A = arith.constant 92.3324813 : f32
    %sub3A_15 = vector.broadcast %sub3A : f32 to vector<32x100000xf32>
    %sub3A_16 = arith.subf %mul3A_14, %sub3A_15 : vector<32x100000xf32>
    %exp23A = math.exp2 %sub3A_16 : vector<32x100000xf32>
    %reduce_sum3A = arith.constant dense<0.000000e+00> : vector<32xf32>
    %reduce_sum3A_17 = vector.multi_reduction <add>, %exp23A, %reduce_sum3A [1] : vector<32x100000xf32> to vector<32xf32>
    %broadcast_in_dim3A_18 = vector.shape_cast %reduce_sum3A_17 : vector<32xf32> to vector<32x1xf32>
    %swap3A = arith.constant 0 : index
    %swap3A_19 = arith.constant 0 : index
    %swap3A_20 = vector.load %arg3[%swap3A, %swap3A_19] : memref<32x1xf32, #tpu.memory_space<vmem>>, vector<32x1xf32>
    tpu.vector_store %arg3[%swap3A, %swap3A_19], %broadcast_in_dim3A_18 {strides = array<i32>} : memref<32x1xf32, #tpu.memory_space<vmem>>, vector<32x1xf32>,
    %eq3A = vector.broadcast %select_n3A : vector<32x1xi32> to vector<32x100000xi32>
    %eq3A_21 = arith.cmpi eq, %iota3A, %eq3A : vector<32x100000xi32>
    %jit3A_22 = arith.constant 0.000000e+00 : f32
    %broadcast_in_dim3A_23 = vector.broadcast %jit3A_22 : f32 to vector<32x100000xf32>
    %select_n3A_24 = arith.select %eq3A_21, %select_n3A_12, %broadcast_in_dim3A_23 : vector<32x100000xi1>, vector<32x100000xf32>
    %reduce_sum3A_25 = arith.constant dense<0.000000e+00> : vector<32xf32>
    %reduce_sum3A_26 = vector.multi_reduction <add>, %select_n3A_24, %reduce_sum3A_25 [1] : vector<32x100000xf32> to vector<32xf32>
    %broadcast_in_dim3A_27 = vector.shape_cast %reduce_sum3A_26 : vector<32xf32> to vector<32x1xf32>
    %swap3A_28 = arith.constant 0 : index
    %swap3A_29 = arith.constant 0 : index
    %swap3A_30 = vector.load %arg4[%swap3A_28, %swap3A_29] : memref<32x1xf32, #tpu.memory_space<vmem>>, vector<32x1xf32>
    tpu.vector_store %arg4[%swap3A_28, %swap3A_29], %broadcast_in_dim3A_27 {strides = array<i32>} : memref<32x1xf32, #tpu.memory_space<vmem>>, vector<32x1xf32>,
    return
  }
  func.func @transform_0(%arg0: i32) -> (i32, i32) {
    %c0_i32 = arith.constant 0 : i32
    %c0_i32_0 = arith.constant 0 : i32
    return %arg0, %c0_i32 : i32, i32
  }
  func.func @transform_1(%arg0: i32) -> (i32, i32) {
    %c0_i32 = arith.constant 0 : i32
    %c0_i32_0 = arith.constant 0 : i32
    return %arg0, %c0_i32 : i32, i32
  }
  func.func @transform_2(%arg0: i32) -> (i32, i32) {
    %c0_i32 = arith.constant 0 : i32
    %c0_i32_0 = arith.constant 0 : i32
    return %arg0, %c0_i32 : i32, i32
  }
  func.func @transform_3(%arg0: i32) -> (i32, i32) {
    %c0_i32 = arith.constant 0 : i32
    %c0_i32_0 = arith.constant 0 : i32
    return %arg0, %c0_i32 : i32, i32
  }
}

module attributes {stable_mosaic.version = 14 : i64} {
  func.func @_combine_body(%arg0: memref<512x1xf32, #tpu.memory_space<vmem>>, %arg1: memref<512x1xf32, #tpu.memory_space<vmem>>, %arg2: memref<512x16xf32, #tpu.memory_space<vmem>>, %arg3: memref<512x16xf32, #tpu.memory_space<vmem>>, %arg4: memref<1024x1xi32, #tpu.memory_space<vmem>>, %arg5: memref<1x1xf32, #tpu.memory_space<smem>>) attributes {dimension_semantics = [], scalar_prefetch = 0 : i64, scratch_operands = 0 : i64, tpu.core_type = #tpu.core_type<tc>} {
    %get3A = arith.constant 0 : index
    %get3A_0 = arith.constant 0 : index
    %get3A_1 = vector.load %arg0[%get3A, %get3A_0] : memref<512x1xf32, #tpu.memory_space<vmem>>, vector<512x1xf32>
    %get3A_2 = arith.constant 0 : index
    %get3A_3 = arith.constant 0 : index
    %get3A_4 = vector.load %arg1[%get3A_2, %get3A_3] : memref<512x1xf32, #tpu.memory_space<vmem>>, vector<512x1xf32>
    %get3A_5 = arith.constant 0 : index
    %get3A_6 = arith.constant 0 : index
    %get3A_7 = vector.load %arg4[%get3A_5, %get3A_6] : memref<1024x1xi32, #tpu.memory_space<vmem>>, vector<512x1xi32>
    %mul3A = arith.mulf %get3A_4, %get3A_4 : vector<512x1xf32>
    %sub3A = arith.constant 1.000000e+00 : f32
    %sub3A_8 = vector.broadcast %sub3A : f32 to vector<512x1xf32>
    %sub3A_9 = arith.subf %sub3A_8, %mul3A : vector<512x1xf32>
    %max3A = arith.constant 0.000000e+00 : f32
    %max3A_10 = vector.broadcast %max3A : f32 to vector<512x1xf32>
    %max3A_11 = arith.maximumf %sub3A_9, %max3A_10 : vector<512x1xf32>
    %sqrt3A = math.sqrt %max3A_11 : vector<512x1xf32>
    %gt3A = arith.constant -0.87758255 : f32
    %gt3A_12 = vector.broadcast %gt3A : f32 to vector<512x1xf32>
    %gt3A_13 = arith.cmpf ogt, %get3A_4, %gt3A_12 : vector<512x1xf32>
    %mul3A_14 = arith.constant 0.87758255 : f32
    %mul3A_15 = vector.broadcast %mul3A_14 : f32 to vector<512x1xf32>
    %mul3A_16 = arith.mulf %get3A_4, %mul3A_15 : vector<512x1xf32>
    %mul3A_17 = arith.constant 0.47942555 : f32
    %mul3A_18 = vector.broadcast %mul3A_17 : f32 to vector<512x1xf32>
    %mul3A_19 = arith.mulf %sqrt3A, %mul3A_18 : vector<512x1xf32>
    %sub3A_20 = arith.subf %mul3A_16, %mul3A_19 : vector<512x1xf32>
    %sub3A_21 = arith.constant 0.239712775 : f32
    %sub3A_22 = vector.broadcast %sub3A_21 : f32 to vector<512x1xf32>
    %sub3A_23 = arith.subf %get3A_4, %sub3A_22 : vector<512x1xf32>
    %select_n3A = arith.select %gt3A_13, %sub3A_20, %sub3A_23 : vector<512x1xi1>, vector<512x1xf32>
    %ne3A = arith.constant -1 : i32
    %ne3A_24 = vector.broadcast %ne3A : i32 to vector<512x1xi32>
    %ne3A_25 = arith.cmpi ne, %get3A_7, %ne3A_24 : vector<512x1xi32>
    %select_n3A_26 = arith.select %ne3A_25, %select_n3A, %get3A_4 : vector<512x1xi1>, vector<512x1xf32>
    %mul3A_27 = arith.constant 92.3324813 : f32
    %mul3A_28 = vector.broadcast %mul3A_27 : f32 to vector<512x1xf32>
    %mul3A_29 = arith.mulf %mul3A_28, %get3A_4 : vector<512x1xf32>
    %sub3A_30 = arith.constant 92.3324813 : f32
    %sub3A_31 = vector.broadcast %sub3A_30 : f32 to vector<512x1xf32>
    %sub3A_32 = arith.subf %mul3A_29, %sub3A_31 : vector<512x1xf32>
    %exp23A = math.exp2 %sub3A_32 : vector<512x1xf32>
    %sub3A_33 = arith.subf %get3A_1, %exp23A : vector<512x1xf32>
    %mul3A_34 = arith.constant 92.3324813 : f32
    %mul3A_35 = vector.broadcast %mul3A_34 : f32 to vector<512x1xf32>
    %mul3A_36 = arith.mulf %mul3A_35, %select_n3A_26 : vector<512x1xf32>
    %sub3A_37 = arith.constant 92.3324813 : f32
    %sub3A_38 = vector.broadcast %sub3A_37 : f32 to vector<512x1xf32>
    %sub3A_39 = arith.subf %mul3A_36, %sub3A_38 : vector<512x1xf32>
    %exp23A_40 = math.exp2 %sub3A_39 : vector<512x1xf32>
    %add3A = arith.addf %sub3A_33, %exp23A_40 : vector<512x1xf32>
    %max3A_41 = arith.constant 1.000000e-35 : f32
    %max3A_42 = vector.broadcast %max3A_41 : f32 to vector<512x1xf32>
    %max3A_43 = arith.maximumf %add3A, %max3A_42 : vector<512x1xf32>
    %log3A = math.log %max3A_43 : vector<512x1xf32>
    %add3A_44 = arith.constant 6.400000e+01 : f32
    %add3A_45 = vector.broadcast %add3A_44 : f32 to vector<512x1xf32>
    %add3A_46 = arith.addf %add3A_45, %log3A : vector<512x1xf32>
    %mul3A_47 = arith.constant 6.400000e+01 : f32
    %mul3A_48 = vector.broadcast %mul3A_47 : f32 to vector<512x1xf32>
    %mul3A_49 = arith.mulf %mul3A_48, %select_n3A_26 : vector<512x1xf32>
    %sub3A_50 = arith.subf %add3A_46, %mul3A_49 : vector<512x1xf32>
    %reduce_sum3A = vector.shape_cast %sub3A_50 : vector<512x1xf32> to vector<1x512x1xf32>
    %reduce_sum3A_51 = arith.constant dense<0.000000e+00> : vector<1xf32>
    %reduce_sum3A_52 = vector.multi_reduction <add>, %reduce_sum3A, %reduce_sum3A_51 [1, 2] : vector<1x512x1xf32> to vector<1xf32>
    %reduce_sum3A_53 = vector.shape_cast %reduce_sum3A_52 : vector<1xf32> to vector<1x1x1xf32>
    %reduce_sum3A_54 = vector.extract %reduce_sum3A_53[0, 0, 0] : f32 from vector<1x1x1xf32>
    %get3A_55 = arith.constant 0 : index
    %get3A_56 = arith.constant 0 : index
    %get3A_57 = vector.load %arg2[%get3A_55, %get3A_56] : memref<512x16xf32, #tpu.memory_space<vmem>>, vector<512x16xf32>
    %reduce_sum3A_58 = arith.constant dense<0.000000e+00> : vector<512xf32>
    %reduce_sum3A_59 = vector.multi_reduction <add>, %get3A_57, %reduce_sum3A_58 [1] : vector<512x16xf32> to vector<512xf32>
    %broadcast_in_dim3A = vector.shape_cast %reduce_sum3A_59 : vector<512xf32> to vector<512x1xf32>
    %get3A_60 = arith.constant 0 : index
    %get3A_61 = arith.constant 0 : index
    %get3A_62 = vector.load %arg3[%get3A_60, %get3A_61] : memref<512x16xf32, #tpu.memory_space<vmem>>, vector<512x16xf32>
    %reduce_sum3A_63 = arith.constant dense<0.000000e+00> : vector<512xf32>
    %reduce_sum3A_64 = vector.multi_reduction <add>, %get3A_62, %reduce_sum3A_63 [1] : vector<512x16xf32> to vector<512xf32>
    %broadcast_in_dim3A_65 = vector.shape_cast %reduce_sum3A_64 : vector<512xf32> to vector<512x1xf32>
    %get3A_66 = arith.constant 512 : index
    %get3A_67 = arith.constant 0 : index
    %get3A_68 = vector.load %arg4[%get3A_66, %get3A_67] : memref<1024x1xi32, #tpu.memory_space<vmem>>, vector<512x1xi32>
    %mul3A_69 = arith.mulf %broadcast_in_dim3A_65, %broadcast_in_dim3A_65 : vector<512x1xf32>
    %sub3A_70 = arith.constant 1.000000e+00 : f32
    %sub3A_71 = vector.broadcast %sub3A_70 : f32 to vector<512x1xf32>
    %sub3A_72 = arith.subf %sub3A_71, %mul3A_69 : vector<512x1xf32>
    %max3A_73 = arith.constant 0.000000e+00 : f32
    %max3A_74 = vector.broadcast %max3A_73 : f32 to vector<512x1xf32>
    %max3A_75 = arith.maximumf %sub3A_72, %max3A_74 : vector<512x1xf32>
    %sqrt3A_76 = math.sqrt %max3A_75 : vector<512x1xf32>
    %gt3A_77 = arith.constant -0.87758255 : f32
    %gt3A_78 = vector.broadcast %gt3A_77 : f32 to vector<512x1xf32>
    %gt3A_79 = arith.cmpf ogt, %broadcast_in_dim3A_65, %gt3A_78 : vector<512x1xf32>
    %mul3A_80 = arith.constant 0.87758255 : f32
    %mul3A_81 = vector.broadcast %mul3A_80 : f32 to vector<512x1xf32>
    %mul3A_82 = arith.mulf %broadcast_in_dim3A_65, %mul3A_81 : vector<512x1xf32>
    %mul3A_83 = arith.constant 0.47942555 : f32
    %mul3A_84 = vector.broadcast %mul3A_83 : f32 to vector<512x1xf32>
    %mul3A_85 = arith.mulf %sqrt3A_76, %mul3A_84 : vector<512x1xf32>
    %sub3A_86 = arith.subf %mul3A_82, %mul3A_85 : vector<512x1xf32>
    %sub3A_87 = arith.constant 0.239712775 : f32
    %sub3A_88 = vector.broadcast %sub3A_87 : f32 to vector<512x1xf32>
    %sub3A_89 = arith.subf %broadcast_in_dim3A_65, %sub3A_88 : vector<512x1xf32>
    %select_n3A_90 = arith.select %gt3A_79, %sub3A_86, %sub3A_89 : vector<512x1xi1>, vector<512x1xf32>
    %ne3A_91 = arith.constant -1 : i32
    %ne3A_92 = vector.broadcast %ne3A_91 : i32 to vector<512x1xi32>
    %ne3A_93 = arith.cmpi ne, %get3A_68, %ne3A_92 : vector<512x1xi32>
    %select_n3A_94 = arith.select %ne3A_93, %select_n3A_90, %broadcast_in_dim3A_65 : vector<512x1xi1>, vector<512x1xf32>
    %mul3A_95 = arith.constant 92.3324813 : f32
    %mul3A_96 = vector.broadcast %mul3A_95 : f32 to vector<512x1xf32>
    %mul3A_97 = arith.mulf %mul3A_96, %broadcast_in_dim3A_65 : vector<512x1xf32>
    %sub3A_98 = arith.constant 92.3324813 : f32
    %sub3A_99 = vector.broadcast %sub3A_98 : f32 to vector<512x1xf32>
    %sub3A_100 = arith.subf %mul3A_97, %sub3A_99 : vector<512x1xf32>
    %exp23A_101 = math.exp2 %sub3A_100 : vector<512x1xf32>
    %sub3A_102 = arith.subf %broadcast_in_dim3A, %exp23A_101 : vector<512x1xf32>
    %mul3A_103 = arith.constant 92.3324813 : f32
    %mul3A_104 = vector.broadcast %mul3A_103 : f32 to vector<512x1xf32>
    %mul3A_105 = arith.mulf %mul3A_104, %select_n3A_94 : vector<512x1xf32>
    %sub3A_106 = arith.constant 92.3324813 : f32
    %sub3A_107 = vector.broadcast %sub3A_106 : f32 to vector<512x1xf32>
    %sub3A_108 = arith.subf %mul3A_105, %sub3A_107 : vector<512x1xf32>
    %exp23A_109 = math.exp2 %sub3A_108 : vector<512x1xf32>
    %add3A_110 = arith.addf %sub3A_102, %exp23A_109 : vector<512x1xf32>
    %max3A_111 = arith.constant 1.000000e-35 : f32
    %max3A_112 = vector.broadcast %max3A_111 : f32 to vector<512x1xf32>
    %max3A_113 = arith.maximumf %add3A_110, %max3A_112 : vector<512x1xf32>
    %log3A_114 = math.log %max3A_113 : vector<512x1xf32>
    %add3A_115 = arith.constant 6.400000e+01 : f32
    %add3A_116 = vector.broadcast %add3A_115 : f32 to vector<512x1xf32>
    %add3A_117 = arith.addf %add3A_116, %log3A_114 : vector<512x1xf32>
    %mul3A_118 = arith.constant 6.400000e+01 : f32
    %mul3A_119 = vector.broadcast %mul3A_118 : f32 to vector<512x1xf32>
    %mul3A_120 = arith.mulf %mul3A_119, %select_n3A_94 : vector<512x1xf32>
    %sub3A_121 = arith.subf %add3A_117, %mul3A_120 : vector<512x1xf32>
    %reduce_sum3A_122 = vector.shape_cast %sub3A_121 : vector<512x1xf32> to vector<1x512x1xf32>
    %reduce_sum3A_123 = arith.constant dense<0.000000e+00> : vector<1xf32>
    %reduce_sum3A_124 = vector.multi_reduction <add>, %reduce_sum3A_122, %reduce_sum3A_123 [1, 2] : vector<1x512x1xf32> to vector<1xf32>
    %reduce_sum3A_125 = vector.shape_cast %reduce_sum3A_124 : vector<1xf32> to vector<1x1x1xf32>
    %reduce_sum3A_126 = vector.extract %reduce_sum3A_125[0, 0, 0] : f32 from vector<1x1x1xf32>
    %add3A_127 = arith.addf %reduce_sum3A_54, %reduce_sum3A_126 : f32
    %mul3A_128 = arith.constant 9.765625E-4 : f32
    %mul3A_129 = arith.mulf %add3A_127, %mul3A_128 : f32
    %swap3A = arith.constant 0 : index
    %swap3A_130 = arith.constant 0 : index
    %swap3A_131 = memref.load %arg5[%swap3A, %swap3A_130] : memref<1x1xf32, #tpu.memory_space<smem>>
    memref.store %mul3A_129, %arg5[%swap3A, %swap3A_130] : memref<1x1xf32, #tpu.memory_space<smem>>
    return
  }
}

</mosaic_0001>

<sc_bundles>
// kernel: kernel.5.cloned.1.call-start
scs
__scs_entry_jumppad:
0x0: {  	(pc) =	sbr.rel $0x88, $3  }
0x1: {  	(tag) =	ssettag $0x0;
	lr =	simm.s32 $0x1  }
0x2: {  	[smem:$0x3F9F] =	sst lr;
	_ =	strace $0xD0000000  }
0x3: {  	_ = 	snop  }
0x4: {  	_ = 	snop  }
0x5: {  	_ = 	snop  }
0x6: {  	_ = 	snop  }
0x7: {  	_ = 	snop  }
__scs_overlays_trampoline_lowered:
0x8: {  	[smem:$0x3FAE] =	sst s0  }
0x9: {  	[smem:$0x3FAF] =	sst s1  }
0xa: {  	[smem:$0x3FB0] =	sst s2  }
0xb: {  	[smem:$0x3FB1] =	sst s3  }
0xc: {  	[smem:$0x3FB2] =	sst s4  }
0xd: {  	[smem:$0x3FB3] =	sst s5  }
0xe: {  	[smem:$0x3FB4] =	sst s6  }
0xf: {  	[smem:$0x3FB5] =	sst s7  }
0x10: {  	[smem:$0x3FB6] =	sst s8  }
0x11: {  	[smem:$0x3FB7] =	sst s9;
	s0 =	simm.s32 @!p0 $0x0  }
0x12: {  	s1 =	sld [smem:$0x3F9D];
	s0 =	simm.s32 @p0 $0x1  }
0x13: {  	[smem:$0x3FB8] =	sst s0;
	s0 =	simm.s32 @!p1 $0x0  }
0x14: {  	s2 =	sld [smem:$0x3F9C];
	s0 =	simm.s32 @p1 $0x1  }
0x15: {  	[smem:$0x3FB9] =	sst s0;
	s0 =	simm.s32 @!p2 $0x0  }
0x16: {  	s3 =	sld [smem:$0x3FDB];
	s0 =	simm.s32 @p2 $0x1  }
0x17: {  	s4 =	simm.s32 $0x1BF5;
	[smem:$0x3FBB] =	sst s0  }
0x18: {  	s0 =	sld [smem:$0x3F9E];
	_ =	swait.ge [sflag:s4], $0x0  }
0x19: {  	s7 =	sld [smem:$0x3F9F]  }
0x1a: {  	s8 =	sadd.s32 $0xFFFFE003, lr  }
0x1b: {  	s9 =	sadd.s32 $0xFFFFFEF7, lr;
	s5 =	simm.s32 $0xFFFFFFFF;
	p2 =	slt.u32 s8, $0xFFFFF086  }
0x1c: {  	p1 =	slt.u32 s9, $0xF7A;
	s5 =	simm.s32 @!p2 $0x0  }
0x1d: {  	s5 =	simm.s32 @p1 $0x1;
	p0 =	seq.s32 s7, s2  }
0x1e: {  	s7 =	smul.u32 @!p0 $0xF7A, s2;
	p2 =	seq.s32 @!p0 s5, $0x0  }
0x1f: {  	s9 =	smul.u32 $0xF7A, s1;
	s8 =	simm.s32 @!p0 $0x1BF5;
	p2 =	por !p2, p0  }
0x20: {  	[sflag:s8] =	ssyncset.s32 @!p0 $0xFFFFF086;
	s6 =	sadd.s32 @!p0 s3, s7;
	s7 =	simm.s32 @!p0 $0x108  }
0x21: {  	s3 =	sadd.s32 s3, s9;
	s6 =	sadd.s32 @!p0 $0x88, s6;
	s7 =	simm.s32 @p2 $0x1082  }
0x22: {  	[simem:s7], [sflag:s8] =	dma.local @!p0 [hbm:s6], $0xF7A  }
0x23: {  	s9 =	sor.u32 $0xD0000000, s2;
	s6 =	simm.s32 $0x108;
	_ =	swait.ge @!p0 [sflag:s8], $0x0  }
0x24: {  	s3 =	sadd.s32 $0x88, s3;
	s6 =	simm.s32 @!p1 $0x1082;
	[sflag:s4] =	ssyncset.s32 $0xFFFFF086  }
0x25: {  	[simem:s6], [sflag:s4] =	dma.local [hbm:s3], $0xF7A  }
0x26: {  	[smem:$0x3F9F] =	sst s1;
	(tag) =	ssettag s2;
	_ =	strace s9  }
0x27: {  	s1 =	sld [smem:$0x3FAF]  }
0x28: {  	s2 =	sld [smem:$0x3FB0]  }
0x29: {  	s4 =	sld [smem:$0x3FB2]  }
0x2a: {  	p0 =	seq.s32 s5, $0x0;
	s5 =	sld [smem:$0x3FB3]  }
0x2b: {  	s6 =	sld [smem:$0x3FB4]  }
0x2c: {  	s7 =	sld [smem:$0x3FB5]  }
0x2d: {  	s3 =	simm.s32 $0x108;
	s8 =	sld [smem:$0x3FB6]  }
0x2e: {  	s3 =	simm.s32 @!p0 $0x1082;
	s9 =	sld [smem:$0x3FB7]  }
0x2f: {  	lr =	sadd.s32 s0, s3;
	s0 =	sld [smem:$0x3FAE]  }
0x30: {  	s3 =	sld [smem:$0x3FB1]  }
0x31: {  	[smem:$0x3FBA] =	sst s10  }
0x32: {  	s10 =	sld [smem:$0x3FB8];
	_ =	sdelay $0x3  }
0x33: {  	p0 =	seq.s32 s10, $0x1;
	s10 =	sld [smem:$0x3FBA];
	_ =	sdelay $0x3  }
0x34: {  	[smem:$0x3FBA] =	sst s10  }
0x35: {  	s10 =	sld [smem:$0x3FB9];
	_ =	sdelay $0x3  }
0x36: {  	p1 =	seq.s32 s10, $0x1;
	s10 =	sld [smem:$0x3FBA];
	_ =	sdelay $0x3  }
0x37: {  	[smem:$0x3FBA] =	sst s10  }
0x38: {  	s10 =	sld [smem:$0x3FBB]  }
0x39: {  	_ = 	snop;
	(pc) =	sbr.ind lr, $3  }
0x3a: {  	_ = 	snop  }
0x3b: {  	_ = 	snop  }
0x3c: {  	p2 =	seq.s32 s10, $0x1;
	s10 =	sld [smem:$0x3FBA]  }
0x3d: {  	_ =	shalt  }
0x3e: {  	_ =	shalt  }
0x3f: {  	_ =	shalt  }
0x40: {  	_ =	shalt  }
0x41: {  	_ =	shalt  }
0x42: {  	_ =	shalt  }
0x43: {  	_ =	shalt  }
0x44: {  	_ =	shalt  }
0x45: {  	_ =	shalt  }
0x46: {  	_ =	shalt  }
0x47: {  	_ =	shalt  }
0x48: {  	_ =	shalt  }
0x49: {  	_ =	shalt  }
0x4a: {  	_ =	shalt  }
0x4b: {  	_ =	shalt  }
0x4c: {  	_ =	shalt  }
0x4d: {  	_ =	shalt  }
0x4e: {  	_ =	shalt  }
0x4f: {  	_ =	shalt  }
0x50: {  	_ =	shalt  }
0x51: {  	_ =	shalt  }
0x52: {  	_ =	shalt  }
0x53: {  	_ =	shalt  }
0x54: {  	_ =	shalt  }
0x55: {  	_ =	shalt  }
0x56: {  	_ =	shalt  }
0x57: {  	_ =	shalt  }
0x58: {  	_ =	shalt  }
0x59: {  	_ =	shalt  }
0x5a: {  	_ =	shalt  }
0x5b: {  	_ =	shalt  }
0x5c: {  	_ =	shalt  }
0x5d: {  	_ =	shalt  }
0x5e: {  	_ =	shalt  }
0x5f: {  	_ =	shalt  }
0x60: {  	_ =	shalt  }
0x61: {  	_ =	shalt  }
0x62: {  	_ =	shalt  }
0x63: {  	_ =	shalt  }
0x64: {  	_ =	shalt  }
0x65: {  	_ =	shalt  }
0x66: {  	_ =	shalt  }
0x67: {  	_ =	shalt  }
0x68: {  	_ =	shalt  }
0x69: {  	_ =	shalt  }
0x6a: {  	_ =	shalt  }
0x6b: {  	_ =	shalt  }
0x6c: {  	_ =	shalt  }
0x6d: {  	_ =	shalt  }
0x6e: {  	_ =	shalt  }
0x6f: {  	_ =	shalt  }
0x70: {  	_ =	shalt  }
0x71: {  	_ =	shalt  }
0x72: {  	_ =	shalt  }
0x73: {  	_ =	shalt  }
0x74: {  	_ =	shalt  }
0x75: {  	_ =	shalt  }
0x76: {  	_ =	shalt  }
0x77: {  	_ =	shalt  }
0x78: {  	_ =	shalt  }
0x79: {  	_ =	shalt  }
0x7a: {  	_ =	shalt  }
0x7b: {  	_ =	shalt  }
0x7c: {  	_ =	shalt  }
0x7d: {  	_ =	shalt  }
0x7e: {  	_ =	shalt  }
0x7f: {  	_ =	shalt  }
0x80: {  	_ =	shalt  }
0x81: {  	_ =	shalt  }
0x82: {  	_ =	shalt  }
0x83: {  	_ =	shalt  }
0x84: {  	_ =	shalt  }
0x85: {  	_ =	shalt  }
0x86: {  	_ =	shalt  }
0x87: {  	_ =	shalt  }
.Lfunc_end0:
.L_simem_size_0:
called_computation_lowered:
.L_overlay_start_0:
0x88: {  	s2 =	sld [smem:$0x3FD9]  }
0x89: {  	s3 =	sld [smem:$0x3FFE];
	_ =	sdelay $0x1  }
0x8a: {  	s1 =	srdreg.scid  }
0x8b: {  	s0 =	sand.u32 $0x1, s1  }
0x8c: {  	s17 =	sshll.u32 s0, $0xA;
	s2 =	sadd.s32 s3, s2  }
0x8d: {  	s2 =	sadd.s32 s2, s17  }
0x8e: {  	[smem:$0x3FC6] =	sst s2  }
0x8f: {  	_ = 	snop  }
0x90: {  	s2 =	sld [smem:$0x3FC8];
	(tm) =	ssettm $0x1  }
0x91: {  	s18 =	sld [smem:$0x3FFB];
	_ =	sdelay $0x3  }
0x92: {  	_ =	strace s18  }
0x93: {  	s3 =	sld [smem:$0x3FFC];
	_ =	sdelay $0x3  }
0x94: {  	_ =	strace s3  }
0x95: {  	s3 =	sld [smem:$0x3FFD];
	_ =	sdelay $0x3  }
0x96: {  	_ =	strace s3  }
0x97: {  	_ =	strace $0x8FFFFFFF  }
0x98: {  	s19 =	sld [smem:$0x3FDB];
	_ =	sdelay $0x1  }
0x99: {  	s4 =	simm.s32 $_scs_section_size  }
0x9a: {  	s5 =	simm.s32 $_size__tile_overlayer_lowered;
	s6 =	simm.s32 $_tile_overlayer_lowered  }
0x9b: {  	s22 =	simm.s32 $0x1BFF;
	s21 =	sshll.u32 s6, $0x1;
	s3 =	sadd.s32 s4, s19  }
0x9c: {  	s7 =	simm.s32 $0x0;
	s20 =	sshll.u32 s5, $0x1;
	s5 =	sadd.s32 s21, s3  }
0x9d: {  	[timem:s7], [sflag:s22] =	dma.local [hbm:s5], s20  }
0x9e: {  	_ =	swait.ge [sflag:s22], s20  }
0x9f: {  	s4 =	ssub.s32 $0x0, s20;
	[sflag:s22] =	ssyncset.done $0x0  }
0xa0: {  	[sflag:s22] =	ssyncadd.s32 s4;
	_ =	sdelay $0x1  }
0xa1: {  	s23 =	simm.s32 $0x1B8B  }
0xa2: {  	_ =	swait.ge [sflag:s23], $0x1  }
0xa3: {  	[sflag:s23] =	ssyncset.done $0x0  }
0xa4: {  	s25 =	simm.s32 $0x1B8E;
	s24 =	sld [smem:$0x3FFE];
	[sflag:s23] =	ssyncadd.s32 $0xFFFFFFFF  }
0xa5: {  	s26 =	simm.s32 $execute0_lowered;
	[smem:$0x3FD2] =	sst s25  }
0xa6: {  	s5 =	sshll.u32 s26, $0x1;
	_ =	strace $0x80000046;
	[dreg:$0x1] =	wrdreg $0xFFFFFFFF  }
0xa7: {  	s28 =	simm.s32 $_size_execute0_lowered;
	s3 =	sadd.s32 s3, s5;
	[dreg:$0x0] =	wrdreg $0x0  }
0xa8: {  	s5 =	sshll.u32 s28, $0x1;
	[dreg:$0x2] =	wrdreg s3  }
0xa9: {  	[dreg:$0x3] =	wrdreg s5  }
0xaa: {  	[dreg:$0x4] =	wrdreg $0xC0  }
0xab: {  	_ =	task [dreg:s7], $0x5FFFF  }
0xac: {  	[dreg:$0x1] =	wrdreg $0xFFFFFFFF  }
0xad: {  	[dreg:$0x0] =	wrdreg $0x60  }
0xae: {  	[dreg:$0x2] =	wrdreg s2  }
0xaf: {  	[dreg:$0x3] =	wrdreg s24  }
0xb0: {  	[dreg:$0x4] =	wrdreg $0x9  }
0xb1: {  	_ =	task.clear_ibuf [dreg:s7], $0x5FFFF;
	_ =	strace $0x90000046  }
0xb2: {  	s29 =	simm.s32 $0x9;
	_ =	strace $0x80000048  }
0xb3: {  	_ =	swait.ge [sflag:s29], $0x1  }
0xb4: {  	[sflag:s29] =	ssyncadd.s32 $0xFFFFFFFF  }
0xb5: {  	_ =	strace $0x90000048  }
0xb6: {  	_ =	sfence  }
0xb7: {  	s30 =	sld [smem:$0x0];
	_ =	sdelay $0x2  }
0xb8: {  	s31 =	sshll.u32 s1, $0xD;
	s1 =	sshrl.u32 s1, $0x2  }
0xb9: {  	s3 =	sand.u32 $0x4000, s31;
	s1 =	sadd.s32 s1, s30  }
0xba: {  	s0 =	sor.u32 s3, s0;
	s1 =	sshll.u32 s1, $0x11  }
0xbb: {  	s0 =	sor.u32 s1, s0  }
0xbc: {  	s0 =	sadd.s32 $0x8F2B, s0  }
0xbd: {  	[sflag:s0] =	ssyncadd.remote.s32 $0x1  }
0xbe: {  	_ =	sfence.sel $0xFFFF  }
0xbf: {  	[dreg:$0x0] =	wrdreg $0xFFFFFFFF;
	(pc) =	sbr.abs _section_cstart, $3  }
0xc0: {  	[dreg:$0x1] =	wrdreg $0xFFFFFFFF  }
0xc1: {  	_ =	task.clear_ibuf [dreg:s7], $0x2FFFF;
	_ =	strace $0x9FFFFFFF  }
0xc2: {  	(tm) =	ssettm $0x7FFFFFFF  }
0xc3: {  	_ =	shalt  }
tec
execute0_lowered:
.L_overlay_start_1:
0x0: {  	(tag) =	ssettag $0x1  }
0x1: {  	s0 =	rddreg [dreg:$0x0]  }
0x2: {  	s1 =	rddreg [dreg:$0x1];
	s2 =	simm.s32 $0x0;
	s3 =	srdreg.scid  }
0x3: {  	s5 =	stileid.u32;
	s10 =	simm.s32 $0x6;
	s11 =	simm.s32 $0x1  }
0x4: {  	s22 =	simm.s32 $0x14400;
	s23 =	simm.s32 $0x2;
	s24 =	simm.s32 $0x3  }
0x5: {  	[smem:$0x7FF] =	sst s2;
	s4 =	sand.u32 $0x1, s3;
	s5 =	sshll.u32 s5, $0x5  }
0x6: {  	s3 =	sadd.s32 $0x1000, s1;
	s26 =	sadd.s32 $0xC39000, s1;
	s1 =	sadd.s32 $0xC3B000, s1  }
0x7: {  	_ =	strace $0x80000047;
	s6 =	sshll.u32 s4, $0x4;
	s4 =	ssub.s32 $0x2, s4  }
0x8: {  	[dreg:$0x4] =	wrdreg s26;
	s6 =	sor.u32 s6, s5;
	s29 =	sshrl.u32 s4, $0x1  }
0x9: {  	[dreg:$0x3] =	wrdreg s6;
	s6 =	sshrl.u32 s6, $0x3;
	s30 =	ssub.s32 s4, s29  }
0xa: {  	[dreg:$0x5] =	wrdreg s1;
	s0 =	sadd.s32 s6, s0;
	s31 =	smax.u32 s30, $0x1  }
0xb: {  	s25 =	simm.s32 $0x4;
	s0 =	sadd.s32 $0x40, s0;
	[dreg:$0x7] =	wrdreg s31  }
0xc: {  	s28 =	simm.s32 $0x5;
	v0 =	vlaneseq.u32;
	s1 =	simm.s32 $0x0;
	[dreg:$0x6] =	wrdreg s0  }
.LBB2_1:
0xd: {  	[dreg:$0x8] =	wrdreg s1  }
0xe: {  	s0 =	rddreg [dreg:$0x6];
	s31 =	simm.s32 $0x1DC00  }
0xf: {  	[tilespmem:s31], [sflag:$0x6] =	stream.linear.gather [hbm4b:s0+s2], $0x10, $0x38;
	[tilespmem:$0x1DC80] =	vst v63  }
0x10: {  	_ =	swait.ge [sflag:s10], $0x10  }
0x11: {  	[sflag:s10] =	ssyncset.done $0x0  }
0x12: {  	p1 =	por $0x1, $0x1;
	s0 =	simm.s32 $0x0;
	[sflag:s10] =	ssyncadd.s32 $0xFFFFFFF0  }
.LBB2_2:
0x13: {  	s0 =	sshll.u32 s0, $0x3  }
0x14: {  	s1 =	sand.u32 $0x3FFFFFF8, s0  }
0x15: {  	v1 =	vld [tilespmem:s1+$0x1DC00];
	_ =	sdelay $0x4  }
0x16: {  	(v2sf) =	vpush v1, $0x0;
	_ =	sdelay $0x5  }
0x17: {  	(v2sf) =	vpush v1, $0x1;
	_ =	sdelay $0x8  }
0x18: {  	s1 =	spop (v2sf)  }
0x19: {  	(v2sf) =	vpush v1, $0x2;
	p0 =	sgt.s32 s1, $0x0  }
0x1a: {  	p2 =	slt.s32 s1, $0x1;
	s1 =	simm.s32 @!p0 $0x0  }
0x1b: {  	s4 =	sand.u32 $0x7F, s1  }
0x1c: {  	s15 =	rddreg [dreg:$0x3];
	p4 =	sne.s32 s4, $0x0  }
0x1d: {  	s5 =	simm.s32 $0x1;
	s0 =	sor.u32 s15, s0;
	p0 =	por !p2, !p4  }
0x1e: {  	s9 =	spop (v2sf);
	s4 =	sshrl.u32 s0, $0x3;
	p0 =	por !p0, !p0  }
0x1f: {  	s16 =	sshrl.u32 s1, $0x7;
	s20 =	smul.u32 $0xC3800, s4;
	s5 =	simm.s32 @!p0 $0x0  }
0x20: {  	p5 =	slt.s32 s9, $0x1;
	p0 =	sgt.s32 s9, $0x0;
	s4 =	ssub.s32 s16, s5  }
0x21: {  	(v2sf) =	vpush v1, $0x3;
	s15 =	sadd.s32 $0x30E0000, s20;
	s9 =	simm.s32 @!p0 $0x0;
	s4 =	sshll.u32 s4, $0xA  }
0x22: {  	s18 =	sand.u32 $0x7F, s9;
	s4 =	sadd.s32 s15, s4  }
0x23: {  	s17 =	simm.s32 $0x1B400;
	p6 =	sne.s32 s18, $0x0;
	s4 =	sshrl.u32 s4, $0x3  }
0x24: {  	s16 =	simm.s32 $0x0;
	p0 =	por !p5, !p6;
	s4 =	sadd.s32 s3, s4  }
0x25: {  	[tilespmem:s17], [sflag:$0x5] =	stream.linear.gather [hbm4b:s4+s16], $0x400, $0x38;
	[tilespmem:$0x1DC80] =	vst v63  }
0x26: {  	p0 =	por !p0, !p0;
	s4 =	simm.s32 $0x1  }
0x27: {  	s19 =	sshrl.u32 s9, $0x7;
	s4 =	simm.s32 @!p0 $0x0  }
0x28: {  	s4 =	ssub.s32 s19, s4;
	s7 =	spop (v2sf)  }
0x29: {  	s4 =	sshll.u32 s4, $0xA;
	p0 =	sgt.s32 s7, $0x0  }
0x2a: {  	(v2sf) =	vpush v1, $0x4;
	p3 =	slt.s32 s7, $0x1;
	s4 =	sadd.s32 s15, s4;
	s7 =	simm.s32 @!p0 $0x0  }
0x2b: {  	s4 =	sshrl.u32 s4, $0x3;
	s26 =	sand.u32 $0x7F, s7  }
0x2c: {  	s21 =	simm.s32 $0x1B800;
	s4 =	sadd.s32 s3, s4;
	p4 =	sne.s32 s26, $0x0  }
0x2d: {  	[tilespmem:s21], [sflag:$0x5] =	stream.linear.gather [hbm4b:s4+s16], $0x400, $0x38;
	[tilespmem:$0x1DC80] =	vst v63  }
0x2e: {  	p0 =	por !p3, !p4  }
0x2f: {  	s4 =	simm.s32 $0x1;
	p0 =	por !p0, !p0  }
0x30: {  	s8 =	spop (v2sf);
	s29 =	sshrl.u32 s7, $0x7;
	s4 =	simm.s32 @!p0 $0x0  }
0x31: {  	p0 =	sgt.s32 s8, $0x0;
	s4 =	ssub.s32 s29, s4  }
0x32: {  	(v2sf) =	vpush v1, $0x5;
	p5 =	slt.s32 s8, $0x1;
	s8 =	simm.s32 @!p0 $0x0;
	s4 =	sshll.u32 s4, $0xA  }
0x33: {  	s5 =	sand.u32 $0x7F, s8;
	s4 =	sadd.s32 s15, s4  }
0x34: {  	p6 =	sne.s32 s5, $0x0;
	s4 =	sshrl.u32 s4, $0x3  }
0x35: {  	s30 =	simm.s32 $0x1BC00;
	p0 =	por !p5, !p6;
	s4 =	sadd.s32 s3, s4  }
0x36: {  	[tilespmem:s30], [sflag:$0x5] =	stream.linear.gather [hbm4b:s4+s16], $0x400, $0x38;
	[tilespmem:$0x1DC80] =	vst v63  }
0x37: {  	p0 =	por !p0, !p0;
	s4 =	simm.s32 $0x1  }
0x38: {  	s6 =	sshrl.u32 s8, $0x7;
	s4 =	simm.s32 @!p0 $0x0  }
0x39: {  	s4 =	ssub.s32 s6, s4;
	s31 =	spop (v2sf)  }
0x3a: {  	s4 =	sshll.u32 s4, $0xA;
	p0 =	sgt.s32 s31, $0x0  }
0x3b: {  	(v2sf) =	vpush v1, $0x6;
	p3 =	slt.s32 s31, $0x1;
	s4 =	sadd.s32 s15, s4;
	s31 =	simm.s32 @!p0 $0x0  }
0x3c: {  	s4 =	sshrl.u32 s4, $0x3;
	s13 =	sand.u32 $0x7F, s31  }
0x3d: {  	s12 =	simm.s32 $0x1C000;
	s4 =	sadd.s32 s3, s4;
	p4 =	sne.s32 s13, $0x0  }
0x3e: {  	[tilespmem:s12], [sflag:$0x5] =	stream.linear.gather [hbm4b:s4+s16], $0x400, $0x38;
	[tilespmem:$0x1DC80] =	vst v63  }
0x3f: {  	p0 =	por !p3, !p4  }
0x40: {  	s4 =	simm.s32 $0x1;
	p0 =	por !p0, !p0  }
0x41: {  	s14 =	sshrl.u32 s31, $0x7;
	s12 =	spop (v2sf);
	s4 =	simm.s32 @!p0 $0x0  }
0x42: {  	p0 =	sgt.s32 s12, $0x0;
	s4 =	ssub.s32 s14, s4  }
0x43: {  	p5 =	slt.s32 s12, $0x1;
	s12 =	simm.s32 @!p0 $0x0;
	s4 =	sshll.u32 s4, $0xA  }
0x44: {  	s18 =	sand.u32 $0x7F, s12;
	s4 =	sadd.s32 s15, s4  }
0x45: {  	p6 =	sne.s32 s18, $0x0;
	s4 =	sshrl.u32 s4, $0x3  }
0x46: {  	s17 =	simm.s32 $0x1C400;
	p0 =	por !p5, !p6;
	s4 =	sadd.s32 s3, s4  }
0x47: {  	[tilespmem:s17], [sflag:$0x5] =	stream.linear.gather [hbm4b:s4+s16], $0x400, $0x38;
	[tilespmem:$0x1DC80] =	vst v63  }
0x48: {  	p0 =	por !p0, !p0;
	s4 =	simm.s32 $0x1  }
0x49: {  	s19 =	sshrl.u32 s12, $0x7;
	s4 =	simm.s32 @!p0 $0x0  }
0x4a: {  	s4 =	ssub.s32 s19, s4;
	s13 =	spop (v2sf);
	(v2sf) =	vpush v1, $0x7  }
0x4b: {  	s4 =	sshll.u32 s4, $0xA;
	p0 =	sgt.s32 s13, $0x0  }
0x4c: {  	p3 =	slt.s32 s13, $0x1;
	s4 =	sadd.s32 s15, s4;
	s13 =	simm.s32 @!p0 $0x0  }
0x4d: {  	s4 =	sshrl.u32 s4, $0x3;
	s26 =	sand.u32 $0x7F, s13  }
0x4e: {  	s21 =	simm.s32 $0x1C800;
	s4 =	sadd.s32 s3, s4;
	p4 =	sne.s32 s26, $0x0  }
0x4f: {  	[tilespmem:s21], [sflag:$0x5] =	stream.linear.gather [hbm4b:s4+s16], $0x400, $0x38;
	[tilespmem:$0x1DC80] =	vst v63  }
0x50: {  	p0 =	por !p3, !p4  }
0x51: {  	s4 =	simm.s32 $0x1;
	p0 =	por !p0, !p0  }
0x52: {  	s29 =	sshrl.u32 s13, $0x7;
	s4 =	simm.s32 @!p0 $0x0  }
0x53: {  	s4 =	ssub.s32 s29, s4  }
0x54: {  	s4 =	sshll.u32 s4, $0xA  }
0x55: {  	s4 =	sadd.s32 s15, s4  }
0x56: {  	s4 =	sshrl.u32 s4, $0x3  }
0x57: {  	s30 =	simm.s32 $0x1CC00;
	s4 =	sadd.s32 s3, s4  }
0x58: {  	[tilespmem:s30], [sflag:$0x5] =	stream.linear.gather [hbm4b:s4+s16], $0x400, $0x38;
	[tilespmem:$0x1DC80] =	vst v63  }
0x59: {  	s14 =	spop (v2sf)  }
0x5a: {  	p0 =	sgt.s32 s14, $0x0  }
0x5b: {  	p5 =	slt.s32 s14, $0x1;
	s14 =	simm.s32 @!p0 $0x0  }
0x5c: {  	s5 =	sand.u32 $0x7F, s14  }
0x5d: {  	p6 =	sne.s32 s5, $0x0  }
0x5e: {  	p0 =	por !p5, !p6  }
0x5f: {  	s4 =	simm.s32 $0x1;
	p0 =	por !p0, !p0  }
0x60: {  	s6 =	sshrl.u32 s14, $0x7;
	s4 =	simm.s32 @!p0 $0x0  }
0x61: {  	s4 =	ssub.s32 s6, s4  }
0x62: {  	s4 =	sshll.u32 s4, $0xA  }
0x63: {  	s18 =	sshrl.u32 s15, $0x3;
	s4 =	sadd.s32 s15, s4  }
0x64: {  	s17 =	simm.s32 $0x1D000;
	s19 =	sshrl.u32 s20, $0x3;
	s4 =	sshrl.u32 s4, $0x3  }
0x65: {  	s21 =	simm.s32 $0x6C00;
	s29 =	simm.s32 $0xD800;
	s4 =	sadd.s32 s3, s4  }
0x66: {  	[tilespmem:s17], [sflag:$0x5] =	stream.linear.gather [hbm4b:s4+s16], $0x400, $0x38;
	[tilespmem:$0x1DC80] =	vst v63  }
0x67: {  	s15 =	sadd.s32 s3, s19;
	s19 =	sadd.s32 $0x3108800, s20;
	s4 =	sadd.s32 s3, s18  }
0x68: {  	[tilespmem:s16], [sflag:$0x1] =	stream.linear.gather [hbm4b:s4+s16], $0x6C00, $0x38;
	[tilespmem:$0x1DC80] =	vst v63  }
0x69: {  	[dreg:$0x9] =	wrdreg s0;
	s26 =	sadd.s32 $0x61DB00, s15;
	s4 =	sadd.s32 $0x61CD80, s15  }
0x6a: {  	[tilespmem:s21], [sflag:$0x2] =	stream.linear.gather [hbm4b:s4+s16], $0x6C00, $0x38;
	[tilespmem:$0x1DC80] =	vst v63  }
0x6b: {  	p0 =	por p1, p1;
	s30 =	sadd.s32 $0x61E880, s15;
	s17 =	sadd.s32 $0x30FB000, s20  }
0x6c: {  	v8 =	vimm.f32 $0.0e+00;
	v2 =	vimm.f32 $0.0e+00;
	[tilespmem:s29], [sflag:$0x3] =	stream.linear.gather [hbm4b:s26+s16], $0x6C00, $0x38;
	[tilespmem:$0x1DC80] =	vst v63  }
0x6d: {  	v3 =	vimm.f32 $0.0e+00;
	v4 =	vimm.f32 $0.0e+00;
	v5 =	vimm.f32 $0.0e+00;
	s18 =	sadd.s32 $0x3101C00, s20;
	s20 =	sadd.s32 $0x310F400, s20;
	s21 =	simm.s32 $0x0  }
0x6e: {  	v6 =	vimm.f32 $0.0e+00;
	v7 =	vimm.f32 $0.0e+00;
	v1 =	vimm.f32 $0.0e+00;
	[tilespmem:s22], [sflag:$0x4] =	stream.linear.gather [hbm4b:s30+s16], $0x6C00, $0x38;
	[tilespmem:$0x1DC80] =	vst v63  }
.LBB2_3:
0x6f: {  	s4 =	sand.u32 $0x7, s16  }
0x70: {  	_ =	swait.ge [sflag:s11], $0x6C00;
	s4 =	sshll.u32 s4, $0x4  }
0x71: {  	s5 =	sand.u32 $0x70, s16;
	[sflag:s11] =	ssyncset.done $0x0;
	s4 =	sadd.s32 $0x0, s4  }
0x72: {  	s6 =	sand.u32 $0x7C00, s16;
	[sflag:s11] =	ssyncadd.s32 $0xFFFF9400;
	s4 =	sor.u32 $0x380, s4  }
0x73: {  	s5 =	sor.u32 s5, s6;
	v9 =	vld [tilespmem:s4+$0x0]  }
0x74: {  	v10 =	vld [tilespmem:s5+$0x0]  }
0x75: {  	v11 =	vld [tilespmem:s5+$0x80]  }
0x76: {  	v12 =	vld [tilespmem:s5+$0x100]  }
0x77: {  	v13 =	vld [tilespmem:s5+$0x180]  }
0x78: {  	v14 =	vld [tilespmem:s5+$0x200];
	v9 =	vmul.f32 $6.400000000e+01, v9  }
0x79: {  	v15 =	vld [tilespmem:s5+$0x280];
	v10 =	vmul.f32 $6.400000000e+01, v10  }
0x7a: {  	v16 =	vld [tilespmem:s5+$0x300];
	v11 =	vmul.f32 $6.400000000e+01, v11;
	v9 =	vadd.f32 $-6.400000000e+01, v9  }
0x7b: {  	s5 =	simm.s32 $0x1;
	v12 =	vmul.f32 $6.400000000e+01, v12;
	v10 =	vadd.f32 $-6.400000000e+01, v10  }
0x7c: {  	s4 =	sand.u32 $0x7, s5;
	v13 =	vmul.f32 $6.400000000e+01, v13;
	v11 =	vadd.f32 $-6.400000000e+01, v11;
	v9 =	vmul.f32 $1.442695020e+00, v9  }
0x7d: {  	s4 =	sshll.u32 s4, $0x4;
	v14 =	vmul.f32 $6.400000000e+01, v14;
	v10 =	vmul.f32 $1.442695020e+00, v10  }
0x7e: {  	s26 =	simm.s32 $0x80;
	s6 =	simm.s32 $0x10;
	s4 =	sadd.s32 $0x80, s4;
	v12 =	vadd.f32 $-6.400000000e+01, v12;
	v11 =	vmul.f32 $1.442695020e+00, v11;
	(erf) = vpow2.f32 v9  }
0x7f: {  	s0 =	sand.u32 $0x7C00, s26;
	s5 =	sand.u32 $0x70, s6;
	s4 =	sor.u32 $0x380, s4;
	v13 =	vadd.f32 $-6.400000000e+01, v13;
	v9 =	vmul.f32 $6.400000000e+01, v15;
	v15 =	vmul.f32 $6.400000000e+01, v16  }
0x80: {  	s6 =	sor.u32 s5, s0;
	v14 =	vadd.f32 $-6.400000000e+01, v14;
	v16 =	vld [tilespmem:s4+$0x0];
	(erf) = vpow2.f32 v10;
	v10 =	vmul.f32 $1.442695020e+00, v12  }
0x81: {  	v12 =	vld [tilespmem:s6+$0x0];
	v9 =	vadd.f32 $-6.400000000e+01, v9;
	(erf) = vpow2.f32 v11;
	v11 =	vmul.f32 $1.442695020e+00, v13  }
0x82: {  	v13 =	vmul.f32 $1.442695020e+00, v14;
	v14 =	vadd.f32 $-6.400000000e+01, v15;
	(erf) = vpow2.f32 v10;
	v10 =	vld [tilespmem:s6+$0x100]  }
0x83: {  	v18 =	vld [tilespmem:s6+$0x200];
	v9 =	vmul.f32 $1.442695020e+00, v9  }
0x84: {  	v15 =	vld [tilespmem:s6+$0x80];
	v14 =	vmul.f32 $1.442695020e+00, v14;
	(erf) = vpow2.f32 v11  }
0x85: {  	v11 =	vld [tilespmem:s6+$0x180];
	(erf) = vpow2.f32 v13;
	v13 =	vmul.f32 $6.400000000e+01, v16  }
0x86: {  	(erf) = vpow2.f32 v9;
	v9 =	vmul.f32 $6.400000000e+01, v12  }
0x87: {  	(erf) = vpow2.f32 v14;
	v14 =	vld [tilespmem:s6+$0x280];
	v10 =	vmul.f32 $6.400000000e+01, v10;
	v12 =	vpop (erf)  }
0x88: {  	v16 =	vadd.f32 $-6.400000000e+01, v13;
	v8 =	vadd.f32 v12, v8;
	v12 =	vld [tilespmem:s6+$0x300]  }
0x89: {  	v18 =	vmul.f32 $6.400000000e+01, v18;
	v15 =	vmul.f32 $6.400000000e+01, v15;
	v19 =	vadd.f32 $-6.400000000e+01, v9  }
0x8a: {  	s29 =	simm.s32 $0x2;
	v17 =	vmul.f32 $6.400000000e+01, v11;
	v16 =	vmul.f32 $1.442695020e+00, v16;
	v9 =	vpop (erf)  }
0x8b: {  	s30 =	simm.s32 $0x30;
	s5 =	simm.s32 $0x20;
	s4 =	sand.u32 $0x7, s29;
	v13 =	vadd.f32 $-6.400000000e+01, v15;
	v11 =	vmul.f32 $1.442695020e+00, v19;
	v15 =	vadd.f32 $-6.400000000e+01, v10;
	v10 =	vpop (erf)  }
.LBB2_4:
0x8c: {  	p1 =	sne.s32 s30, $0xD70;
	s4 =	sshll.u32 s4, $0x4;
	v17 =	vadd.f32 $-6.400000000e+01, v17;
	v14 =	vmul.f32 $6.400000000e+01, v14;
	s26 =	sadd.s32 $0x80, s26;
	(erf) = vpow2.f32 v16;
	v16 =	vpop (erf)  }
0x8d: {  	s5 =	sand.u32 $0x70, s5;
	v13 =	vmul.f32 $1.442695020e+00, v13;
	s4 =	sadd.s32 s4, s26;
	s6 =	sand.u32 $0x7C00, s26;
	v18 =	vadd.f32 $-6.400000000e+01, v18;
	v12 =	vmul.f32 $6.400000000e+01, v12;
	v19 =	vpop (erf)  }
0x8e: {  	v15 =	vmul.f32 $1.442695020e+00, v15;
	s6 =	sor.u32 s5, s6;
	s4 =	sor.u32 $0x380, s4;
	v17 =	vmul.f32 $1.442695020e+00, v17;
	v14 =	vadd.f32 $-6.400000000e+01, v14;
	v20 =	vpop (erf);
	s5 =	smov.u32 s30  }
0x8f: {  	v21 =	vld [tilespmem:s4+$0x0];
	v18 =	vmul.f32 $1.442695020e+00, v18;
	v12 =	vadd.f32 $-6.400000000e+01, v12;
	(erf) = vpow2.f32 v11;
	v11 =	vpop (erf)  }
0x90: {  	v7 =	vadd.f32 v9, v7;
	v22 =	vld [tilespmem:s6+$0x0];
	v14 =	vmul.f32 $1.442695020e+00, v14;
	(erf) = vpow2.f32 v13;
	v9 =	vpop (erf)  }
0x91: {  	v6 =	vadd.f32 v10, v6;
	v13 =	vld [tilespmem:s6+$0x80];
	v12 =	vmul.f32 $1.442695020e+00, v12;
	(erf) = vpow2.f32 v15  }
0x92: {  	v5 =	vadd.f32 v16, v5;
	v4 =	vadd.f32 v19, v4;
	v10 =	vld [tilespmem:s6+$0x100];
	(erf) = vpow2.f32 v17  }
0x93: {  	v3 =	vadd.f32 v20, v3;
	v2 =	vadd.f32 v11, v2;
	v15 =	vld [tilespmem:s6+$0x180];
	(erf) = vpow2.f32 v18  }
0x94: {  	v1 =	vadd.f32 v9, v1;
	v18 =	vld [tilespmem:s6+$0x200];
	v11 =	vmul.f32 $6.400000000e+01, v21;
	(erf) = vpow2.f32 v14  }
.Ltmp0:
0x95: {  	v20 =	vmul.f32 $6.400000000e+01, v22;
	v14 =	vld [tilespmem:s6+$0x280];
	(erf) = vpow2.f32 v12;
	v16 =	vpop (erf);
	(pc) =	sbr.rel @p1 .LBB2_4-.Ltmp0, $4  }
0x96: {  	v13 =	vmul.f32 $6.400000000e+01, v13;
	v12 =	vld [tilespmem:s6+$0x300];
	v11 =	vadd.f32 $-6.400000000e+01, v11;
	v8 =	vadd.f32 v16, v8  }
0x97: {  	v19 =	vadd.f32 $-6.400000000e+01, v20;
	v20 =	vmul.f32 $6.400000000e+01, v10  }
0x98: {  	s29 =	sadd.s32 $0x1, s29;
	v13 =	vadd.f32 $-6.400000000e+01, v13;
	v17 =	vmul.f32 $6.400000000e+01, v15;
	v16 =	vmul.f32 $1.442695020e+00, v11;
	v9 =	vpop (erf)  }
0x99: {  	s30 =	sadd.s32 $0x10, s30;
	s4 =	sand.u32 $0x7, s29;
	v11 =	vmul.f32 $1.442695020e+00, v19;
	v15 =	vadd.f32 $-6.400000000e+01, v20;
	v18 =	vmul.f32 $6.400000000e+01, v18;
	v10 =	vpop (erf)  }
0x9a: {  	s4 =	sshll.u32 s4, $0x4;
	s6 =	sadd.s32 $0x80, s26  }
0x9b: {  	v14 =	vmul.f32 $6.400000000e+01, v14;
	s4 =	sadd.s32 s4, s6  }
0x9c: {  	v17 =	vadd.f32 $-6.400000000e+01, v17;
	(erf) = vpow2.f32 v16;
	s5 =	sand.u32 $0x70, s5;
	v13 =	vmul.f32 $1.442695020e+00, v13;
	s6 =	sand.u32 $0x7C00, s6;
	s4 =	sor.u32 $0x380, s4  }
0x9d: {  	v16 =	vadd.f32 $-6.400000000e+01, v18;
	v12 =	vmul.f32 $6.400000000e+01, v12;
	v15 =	vmul.f32 $1.442695020e+00, v15;
	s5 =	sor.u32 s5, s6;
	v18 =	vld [tilespmem:s4+$0x0]  }
0x9e: {  	(erf) = vpow2.f32 v11;
	v17 =	vmul.f32 $1.442695020e+00, v17;
	v14 =	vadd.f32 $-6.400000000e+01, v14;
	v11 =	vld [tilespmem:s5+$0x0]  }
0x9f: {  	(erf) = vpow2.f32 v13;
	v16 =	vmul.f32 $1.442695020e+00, v16;
	v12 =	vadd.f32 $-6.400000000e+01, v12;
	v13 =	vld [tilespmem:s5+$0x80]  }
0xa0: {  	(erf) = vpow2.f32 v15;
	v15 =	vld [tilespmem:s5+$0x100];
	v14 =	vmul.f32 $1.442695020e+00, v14  }
0xa1: {  	(erf) = vpow2.f32 v17;
	v17 =	vld [tilespmem:s5+$0x180];
	v12 =	vmul.f32 $1.442695020e+00, v12  }
0xa2: {  	(erf) = vpow2.f32 v16;
	v16 =	vld [tilespmem:s5+$0x200];
	v18 =	vmul.f32 $6.400000000e+01, v18  }
0xa3: {  	v19 =	vpop (erf);
	(erf) = vpow2.f32 v14;
	v14 =	vld [tilespmem:s5+$0x280]  }
0xa4: {  	(erf) = vpow2.f32 v12;
	v12 =	vld [tilespmem:s5+$0x300];
	v11 =	vmul.f32 $6.400000000e+01, v11;
	v18 =	vadd.f32 $-6.400000000e+01, v18  }
0xa5: {  	v13 =	vmul.f32 $6.400000000e+01, v13  }
0xa6: {  	v15 =	vmul.f32 $6.400000000e+01, v15;
	v11 =	vadd.f32 $-6.400000000e+01, v11;
	v18 =	vmul.f32 $1.442695020e+00, v18  }
0xa7: {  	v20 =	vpop (erf);
	v17 =	vmul.f32 $6.400000000e+01, v17;
	v13 =	vadd.f32 $-6.400000000e+01, v13;
	v16 =	vmul.f32 $6.400000000e+01, v16  }
0xa8: {  	v21 =	vpop (erf);
	v15 =	vadd.f32 $-6.400000000e+01, v15;
	v14 =	vmul.f32 $6.400000000e+01, v14;
	v11 =	vmul.f32 $1.442695020e+00, v11  }
0xa9: {  	v22 =	vpop (erf);
	v17 =	vadd.f32 $-6.400000000e+01, v17;
	v13 =	vmul.f32 $1.442695020e+00, v13;
	v12 =	vmul.f32 $6.400000000e+01, v12  }
0xaa: {  	v16 =	vadd.f32 $-6.400000000e+01, v16;
	v15 =	vmul.f32 $1.442695020e+00, v15;
	(erf) = vpow2.f32 v18;
	v18 =	vpop (erf)  }
0xab: {  	v17 =	vmul.f32 $1.442695020e+00, v17;
	v14 =	vadd.f32 $-6.400000000e+01, v14;
	(erf) = vpow2.f32 v11;
	v23 =	vpop (erf)  }
0xac: {  	v16 =	vmul.f32 $1.442695020e+00, v16;
	v12 =	vadd.f32 $-6.400000000e+01, v12;
	(erf) = vpow2.f32 v13;
	v11 =	vpop (erf)  }
0xad: {  	v14 =	vmul.f32 $1.442695020e+00, v14;
	(erf) = vpow2.f32 v15;
	v13 =	vpop (erf)  }
0xae: {  	v12 =	vmul.f32 $1.442695020e+00, v12;
	(erf) = vpow2.f32 v17;
	v15 =	vpop (erf)  }
0xaf: {  	(erf) = vpow2.f32 v16;
	v17 =	vpop (erf)  }
0xb0: {  	(erf) = vpow2.f32 v14;
	v16 =	vpop (erf)  }
0xb1: {  	v14 =	vpop (erf);
	(erf) = vpow2.f32 v12  }
0xb2: {  	p1 =	seq.s32 s21, $0x6;
	v12 =	vpop (erf)  }
0xb3: {  	s26 =	smul.u32 @!p1 $0x1B000, s21;
	v24 =	vpop (erf)  }
0xb4: {  	v25 =	vpop (erf)  }
0xb5: {  	s4 =	sadd.s32 @!p1 s26, s17;
	v26 =	vpop (erf)  }
0xb6: {  	s4 =	sshrl.u32 @!p1 s4, $0x3;
	v27 =	vpop (erf)  }
0xb7: {  	s4 =	sadd.s32 @!p1 s3, s4;
	s5 =	simm.s32 @!p1 $0x0;
	v28 =	vpop (erf)  }
0xb8: {  	[tilespmem:s5], [sflag:$0x1] =	stream.linear.gather @!p1 [hbm4b:s4+s5], $0x6C00, $0x38;
	v29 =	vpop (erf);
	[tilespmem:$0x1DC80] =	vst v63  }
0xb9: {  	s4 =	simm.s32 $0x0;
	v30 =	vpop (erf)  }
0xba: {  	s6 =	sand.u32 $0x7, s4;
	v31 =	vpop (erf)  }
0xbb: {  	s5 =	sshll.u32 s6, $0x4;
	_ =	swait.ge [sflag:s23], $0x6C00  }
0xbc: {  	s0 =	sand.u32 $0x70, s4;
	s5 =	sadd.s32 $0x0, s5;
	[sflag:s23] =	ssyncset.done $0x0  }
0xbd: {  	s4 =	sand.u32 $0x7C00, s4;
	s5 =	sor.u32 $0x380, s5;
	[sflag:s23] =	ssyncadd.s32 $0xFFFF9400  }
0xbe: {  	v7 =	vadd.f32 v9, v7;
	v6 =	vadd.f32 v10, v6;
	s4 =	sor.u32 s0, s4;
	v9 =	vld [tilespmem:s5+$0x6C00]  }
0xbf: {  	v5 =	vadd.f32 v19, v5;
	v4 =	vadd.f32 v20, v4;
	v10 =	vld [tilespmem:s4+$0x6C00]  }
0xc0: {  	v3 =	vadd.f32 v21, v3;
	v1 =	vadd.f32 v18, v1;
	v18 =	vld [tilespmem:s4+$0x6C80]  }
0xc1: {  	v2 =	vadd.f32 v22, v2;
	v7 =	vadd.f32 v11, v7;
	v11 =	vld [tilespmem:s4+$0x6D00]  }
0xc2: {  	v6 =	vadd.f32 v13, v6;
	v5 =	vadd.f32 v15, v5;
	v13 =	vld [tilespmem:s4+$0x6D80]  }
0xc3: {  	v15 =	vadd.f32 v16, v3;
	v14 =	vadd.f32 v14, v2;
	v3 =	vld [tilespmem:s4+$0x6E00];
	v2 =	vmul.f32 $6.400000000e+01, v9  }
0xc4: {  	v9 =	vadd.f32 v12, v1;
	v10 =	vmul.f32 $6.400000000e+01, v10;
	v1 =	vadd.f32 v25, v7;
	v7 =	vld [tilespmem:s4+$0x6E80]  }
0xc5: {  	v4 =	vadd.f32 v17, v4;
	v17 =	vld [tilespmem:s4+$0x6F00];
	v16 =	vmul.f32 $6.400000000e+01, v18  }
0xc6: {  	s5 =	simm.s32 $0x1;
	v11 =	vmul.f32 $6.400000000e+01, v11;
	v12 =	vadd.f32 $-6.400000000e+01, v2;
	v10 =	vadd.f32 $-6.400000000e+01, v10  }
0xc7: {  	s4 =	sand.u32 $0x7, s5;
	v2 =	vadd.f32 v26, v6;
	v6 =	vmul.f32 $6.400000000e+01, v13;
	v13 =	vadd.f32 $-6.400000000e+01, v16  }
0xc8: {  	s29 =	simm.s32 $0x80;
	s4 =	sshll.u32 s4, $0x4;
	v16 =	vmul.f32 $6.400000000e+01, v3;
	v3 =	vadd.f32 v27, v5;
	v12 =	vmul.f32 $1.442695020e+00, v12  }
0xc9: {  	s6 =	simm.s32 $0x10;
	s0 =	sand.u32 $0x7C00, s29;
	s4 =	sadd.s32 $0x80, s4;
	v10 =	vmul.f32 $1.442695020e+00, v10;
	v6 =	vadd.f32 $-6.400000000e+01, v6;
	v5 =	vmul.f32 $6.400000000e+01, v7  }
0xca: {  	s5 =	sand.u32 $0x70, s6;
	v11 =	vadd.f32 $-6.400000000e+01, v11;
	s4 =	sor.u32 $0x380, s4;
	v7 =	vmul.f32 $1.442695020e+00, v13;
	v13 =	vmul.f32 $6.400000000e+01, v17  }
0xcb: {  	s5 =	sor.u32 s5, s0;
	(erf) = vpow2.f32 v12;
	v12 =	vadd.f32 $-6.400000000e+01, v16;
	v16 =	vld [tilespmem:s4+$0x6C00];
	v6 =	vmul.f32 $1.442695020e+00, v6  }
0xcc: {  	(erf) = vpow2.f32 v10;
	v10 =	vmul.f32 $1.442695020e+00, v11;
	v5 =	vadd.f32 $-6.400000000e+01, v5;
	v11 =	vld [tilespmem:s5+$0x6C00]  }
0xcd: {  	(erf) = vpow2.f32 v7;
	v7 =	vmul.f32 $1.442695020e+00, v12;
	v12 =	vadd.f32 $-6.400000000e+01, v13;
	v13 =	vld [tilespmem:s5+$0x6C80]  }
0xce: {  	v8 =	vadd.f32 v23, v8;
	v17 =	vmul.f32 $1.442695020e+00, v5;
	(erf) = vpow2.f32 v10;
	v10 =	vld [tilespmem:s5+$0x6D00]  }
0xcf: {  	v5 =	vadd.f32 v29, v15;
	v12 =	vmul.f32 $1.442695020e+00, v12;
	(erf) = vpow2.f32 v6  }
0xd0: {  	v6 =	vadd.f32 v30, v14;
	(erf) = vpow2.f32 v7;
	v14 =	vmul.f32 $6.400000000e+01, v16  }
0xd1: {  	v15 =	vld [tilespmem:s5+$0x6D80];
	v7 =	vadd.f32 v31, v9;
	(erf) = vpow2.f32 v17;
	v9 =	vmul.f32 $6.400000000e+01, v11  }
0xd2: {  	v18 =	vld [tilespmem:s5+$0x6E00];
	(erf) = vpow2.f32 v12;
	v12 =	vmul.f32 $6.400000000e+01, v13  }
0xd3: {  	v8 =	vadd.f32 v24, v8;
	v16 =	vadd.f32 $-6.400000000e+01, v14;
	v14 =	vld [tilespmem:s5+$0x6E80];
	v10 =	vmul.f32 $6.400000000e+01, v10  }
0xd4: {  	v11 =	vpop (erf);
	v13 =	vadd.f32 $-6.400000000e+01, v12;
	v12 =	vld [tilespmem:s5+$0x6F00]  }
0xd5: {  	v8 =	vadd.f32 v11, v8;
	v11 =	vadd.f32 $-6.400000000e+01, v9  }
0xd6: {  	s30 =	simm.s32 $0x2;
	v4 =	vadd.f32 v28, v4;
	v17 =	vmul.f32 $6.400000000e+01, v15;
	v16 =	vmul.f32 $1.442695020e+00, v16;
	v9 =	vpop (erf)  }
0xd7: {  	s6 =	sand.u32 $0x7, s30;
	s4 =	simm.s32 $0x20;
	v18 =	vmul.f32 $6.400000000e+01, v18;
	s5 =	simm.s32 $0x30;
	v15 =	vadd.f32 $-6.400000000e+01, v10;
	v11 =	vmul.f32 $1.442695020e+00, v11;
	v10 =	vpop (erf)  }
.LBB2_6:
0xd8: {  	p2 =	sne.s32 s5, $0xD70;
	s6 =	sshll.u32 s6, $0x4;
	v17 =	vadd.f32 $-6.400000000e+01, v17;
	v14 =	vmul.f32 $6.400000000e+01, v14;
	s29 =	sadd.s32 $0x80, s29;
	(erf) = vpow2.f32 v16;
	v16 =	vpop (erf)  }
0xd9: {  	s4 =	sand.u32 $0x70, s4;
	v13 =	vmul.f32 $1.442695020e+00, v13;
	s6 =	sadd.s32 s6, s29;
	s0 =	sand.u32 $0x7C00, s29;
	v18 =	vadd.f32 $-6.400000000e+01, v18;
	v12 =	vmul.f32 $6.400000000e+01, v12;
	v19 =	vpop (erf)  }
0xda: {  	v15 =	vmul.f32 $1.442695020e+00, v15;
	s0 =	sor.u32 s4, s0;
	s6 =	sor.u32 $0x380, s6;
	v17 =	vmul.f32 $1.442695020e+00, v17;
	v14 =	vadd.f32 $-6.400000000e+01, v14;
	v20 =	vpop (erf);
	s4 =	smov.u32 s5  }
0xdb: {  	v21 =	vld [tilespmem:s6+$0x6C00];
	v18 =	vmul.f32 $1.442695020e+00, v18;
	v12 =	vadd.f32 $-6.400000000e+01, v12;
	(erf) = vpow2.f32 v11;
	v11 =	vpop (erf)  }
0xdc: {  	v1 =	vadd.f32 v9, v1;
	v22 =	vld [tilespmem:s0+$0x6C00];
	v14 =	vmul.f32 $1.442695020e+00, v14;
	(erf) = vpow2.f32 v13;
	v9 =	vpop (erf)  }
0xdd: {  	v2 =	vadd.f32 v10, v2;
	v13 =	vld [tilespmem:s0+$0x6C80];
	v12 =	vmul.f32 $1.442695020e+00, v12;
	(erf) = vpow2.f32 v15  }
0xde: {  	v3 =	vadd.f32 v16, v3;
	v4 =	vadd.f32 v19, v4;
	v10 =	vld [tilespmem:s0+$0x6D00];
	(erf) = vpow2.f32 v17  }
0xdf: {  	v5 =	vadd.f32 v20, v5;
	v6 =	vadd.f32 v11, v6;
	v15 =	vld [tilespmem:s0+$0x6D80];
	(erf) = vpow2.f32 v18  }
0xe0: {  	v7 =	vadd.f32 v9, v7;
	v18 =	vld [tilespmem:s0+$0x6E00];
	v11 =	vmul.f32 $6.400000000e+01, v21;
	(erf) = vpow2.f32 v14  }
.Ltmp1:
0xe1: {  	v20 =	vmul.f32 $6.400000000e+01, v22;
	v14 =	vld [tilespmem:s0+$0x6E80];
	(erf) = vpow2.f32 v12;
	v16 =	vpop (erf);
	(pc) =	sbr.rel @p2 .LBB2_6-.Ltmp1, $4  }
0xe2: {  	v13 =	vmul.f32 $6.400000000e+01, v13;
	v12 =	vld [tilespmem:s0+$0x6F00];
	v11 =	vadd.f32 $-6.400000000e+01, v11;
	v8 =	vadd.f32 v16, v8  }
0xe3: {  	v19 =	vadd.f32 $-6.400000000e+01, v20;
	v20 =	vmul.f32 $6.400000000e+01, v10  }
0xe4: {  	s30 =	sadd.s32 $0x1, s30;
	v13 =	vadd.f32 $-6.400000000e+01, v13;
	v17 =	vmul.f32 $6.400000000e+01, v15;
	v16 =	vmul.f32 $1.442695020e+00, v11;
	v9 =	vpop (erf)  }
0xe5: {  	s5 =	sadd.s32 $0x10, s5;
	s6 =	sand.u32 $0x7, s30;
	v11 =	vmul.f32 $1.442695020e+00, v19;
	v15 =	vadd.f32 $-6.400000000e+01, v20;
	v18 =	vmul.f32 $6.400000000e+01, v18;
	v10 =	vpop (erf)  }
0xe6: {  	s0 =	sshll.u32 s6, $0x4;
	s5 =	sadd.s32 $0x80, s29  }
0xe7: {  	v14 =	vmul.f32 $6.400000000e+01, v14;
	s0 =	sadd.s32 s0, s5  }
0xe8: {  	v17 =	vadd.f32 $-6.400000000e+01, v17;
	(erf) = vpow2.f32 v16;
	s4 =	sand.u32 $0x70, s4;
	v13 =	vmul.f32 $1.442695020e+00, v13;
	s5 =	sand.u32 $0x7C00, s5;
	s0 =	sor.u32 $0x380, s0  }
0xe9: {  	v16 =	vadd.f32 $-6.400000000e+01, v18;
	v12 =	vmul.f32 $6.400000000e+01, v12;
	v15 =	vmul.f32 $1.442695020e+00, v15;
	s4 =	sor.u32 s4, s5;
	v18 =	vld [tilespmem:s0+$0x6C00]  }
0xea: {  	(erf) = vpow2.f32 v11;
	v17 =	vmul.f32 $1.442695020e+00, v17;
	v14 =	vadd.f32 $-6.400000000e+01, v14;
	v11 =	vld [tilespmem:s4+$0x6C00]  }
0xeb: {  	(erf) = vpow2.f32 v13;
	v16 =	vmul.f32 $1.442695020e+00, v16;
	v12 =	vadd.f32 $-6.400000000e+01, v12;
	v13 =	vld [tilespmem:s4+$0x6C80]  }
0xec: {  	(erf) = vpow2.f32 v15;
	v15 =	vld [tilespmem:s4+$0x6D00];
	v14 =	vmul.f32 $1.442695020e+00, v14  }
0xed: {  	(erf) = vpow2.f32 v17;
	v17 =	vld [tilespmem:s4+$0x6D80];
	v12 =	vmul.f32 $1.442695020e+00, v12  }
0xee: {  	(erf) = vpow2.f32 v16;
	v16 =	vld [tilespmem:s4+$0x6E00];
	v18 =	vmul.f32 $6.400000000e+01, v18  }
0xef: {  	v19 =	vpop (erf);
	(erf) = vpow2.f32 v14;
	v14 =	vld [tilespmem:s4+$0x6E80]  }
0xf0: {  	(erf) = vpow2.f32 v12;
	v12 =	vld [tilespmem:s4+$0x6F00];
	v11 =	vmul.f32 $6.400000000e+01, v11;
	v18 =	vadd.f32 $-6.400000000e+01, v18  }
0xf1: {  	v13 =	vmul.f32 $6.400000000e+01, v13  }
0xf2: {  	v15 =	vmul.f32 $6.400000000e+01, v15;
	v11 =	vadd.f32 $-6.400000000e+01, v11;
	v18 =	vmul.f32 $1.442695020e+00, v18  }
0xf3: {  	v20 =	vpop (erf);
	v17 =	vmul.f32 $6.400000000e+01, v17;
	v13 =	vadd.f32 $-6.400000000e+01, v13;
	v16 =	vmul.f32 $6.400000000e+01, v16  }
0xf4: {  	v21 =	vpop (erf);
	v15 =	vadd.f32 $-6.400000000e+01, v15;
	v14 =	vmul.f32 $6.400000000e+01, v14;
	v11 =	vmul.f32 $1.442695020e+00, v11  }
0xf5: {  	v22 =	vpop (erf);
	v17 =	vadd.f32 $-6.400000000e+01, v17;
	v13 =	vmul.f32 $1.442695020e+00, v13;
	v12 =	vmul.f32 $6.400000000e+01, v12  }
0xf6: {  	v16 =	vadd.f32 $-6.400000000e+01, v16;
	v15 =	vmul.f32 $1.442695020e+00, v15;
	(erf) = vpow2.f32 v18;
	v18 =	vpop (erf)  }
0xf7: {  	v17 =	vmul.f32 $1.442695020e+00, v17;
	v14 =	vadd.f32 $-6.400000000e+01, v14;
	(erf) = vpow2.f32 v11;
	v23 =	vpop (erf)  }
0xf8: {  	v16 =	vmul.f32 $1.442695020e+00, v16;
	v12 =	vadd.f32 $-6.400000000e+01, v12;
	(erf) = vpow2.f32 v13;
	v11 =	vpop (erf)  }
0xf9: {  	v14 =	vmul.f32 $1.442695020e+00, v14;
	(erf) = vpow2.f32 v15;
	v13 =	vpop (erf)  }
0xfa: {  	v12 =	vmul.f32 $1.442695020e+00, v12;
	(erf) = vpow2.f32 v17;
	v15 =	vpop (erf)  }
0xfb: {  	(erf) = vpow2.f32 v16;
	v17 =	vpop (erf)  }
0xfc: {  	(erf) = vpow2.f32 v14;
	v16 =	vpop (erf)  }
0xfd: {  	v14 =	vpop (erf);
	(erf) = vpow2.f32 v12  }
0xfe: {  	v12 =	vpop (erf)  }
0xff: {  	v24 =	vpop (erf)  }
0x100: {  	v25 =	vpop (erf)  }
0x101: {  	s0 =	sadd.s32 @!p1 s26, s18;
	v26 =	vpop (erf)  }
0x102: {  	s0 =	sshrl.u32 @!p1 s0, $0x3;
	v27 =	vpop (erf)  }
0x103: {  	s5 =	simm.s32 @!p1 $0x6C00;
	s0 =	sadd.s32 @!p1 s3, s0;
	s4 =	simm.s32 @!p1 $0x0;
	v28 =	vpop (erf)  }
0x104: {  	[tilespmem:s5], [sflag:$0x2] =	stream.linear.gather @!p1 [hbm4b:s0+s4], $0x6C00, $0x38;
	v29 =	vpop (erf);
	[tilespmem:$0x1DC80] =	vst v63  }
0x105: {  	s0 =	simm.s32 $0x0;
	v30 =	vpop (erf)  }
0x106: {  	s5 =	sand.u32 $0x7, s0;
	v31 =	vpop (erf)  }
0x107: {  	s4 =	sshll.u32 s5, $0x4;
	_ =	swait.ge [sflag:s24], $0x6C00  }
0x108: {  	s6 =	sand.u32 $0x70, s0;
	s4 =	sadd.s32 $0x0, s4;
	[sflag:s24] =	ssyncset.done $0x0  }
0x109: {  	s0 =	sand.u32 $0x7C00, s0;
	s4 =	sor.u32 $0x380, s4;
	[sflag:s24] =	ssyncadd.s32 $0xFFFF9400  }
0x10a: {  	v1 =	vadd.f32 v9, v1;
	s0 =	sor.u32 s6, s0;
	v9 =	vld [tilespmem:s4+$0xD800]  }
0x10b: {  	v2 =	vadd.f32 v10, v2;
	v3 =	vadd.f32 v19, v3;
	v10 =	vld [tilespmem:s0+$0xD800]  }
0x10c: {  	v4 =	vadd.f32 v20, v4;
	v7 =	vadd.f32 v18, v7;
	v18 =	vld [tilespmem:s0+$0xD880]  }
0x10d: {  	v5 =	vadd.f32 v21, v5;
	v1 =	vadd.f32 v11, v1;
	v11 =	vld [tilespmem:s0+$0xD900]  }
0x10e: {  	v6 =	vadd.f32 v22, v6;
	v2 =	vadd.f32 v13, v2;
	v13 =	vld [tilespmem:s0+$0xD980]  }
0x10f: {  	v8 =	vadd.f32 v23, v8;
	v7 =	vadd.f32 v12, v7;
	v12 =	vld [tilespmem:s0+$0xDA00];
	v9 =	vmul.f32 $6.400000000e+01, v9  }
0x110: {  	v3 =	vadd.f32 v15, v3;
	v6 =	vadd.f32 v14, v6;
	v14 =	vld [tilespmem:s0+$0xDA80];
	v10 =	vmul.f32 $6.400000000e+01, v10  }
0x111: {  	v5 =	vadd.f32 v16, v5;
	v16 =	vld [tilespmem:s0+$0xDB00];
	s4 =	simm.s32 $0x1;
	v9 =	vadd.f32 $-6.400000000e+01, v9  }
0x112: {  	s0 =	sand.u32 $0x7, s4;
	v15 =	vmul.f32 $6.400000000e+01, v18;
	v11 =	vmul.f32 $6.400000000e+01, v11;
	v10 =	vadd.f32 $-6.400000000e+01, v10  }
0x113: {  	v4 =	vadd.f32 v17, v4;
	s0 =	sshll.u32 s0, $0x4;
	v13 =	vmul.f32 $6.400000000e+01, v13;
	v9 =	vmul.f32 $1.442695020e+00, v9  }
0x114: {  	s29 =	simm.s32 $0x80;
	s0 =	sadd.s32 $0x80, s0;
	v12 =	vmul.f32 $6.400000000e+01, v12;
	v15 =	vadd.f32 $-6.400000000e+01, v15;
	v10 =	vmul.f32 $1.442695020e+00, v10  }
0x115: {  	s5 =	simm.s32 $0x10;
	s6 =	sand.u32 $0x7C00, s29;
	s0 =	sor.u32 $0x380, s0;
	v11 =	vadd.f32 $-6.400000000e+01, v11;
	(erf) = vpow2.f32 v9;
	v9 =	vmul.f32 $6.400000000e+01, v14  }
0x116: {  	s4 =	sand.u32 $0x70, s5;
	v13 =	vadd.f32 $-6.400000000e+01, v13;
	v14 =	vmul.f32 $1.442695020e+00, v15;
	v15 =	vmul.f32 $6.400000000e+01, v16;
	v16 =	vld [tilespmem:s0+$0xD800]  }
0x117: {  	s5 =	sor.u32 s4, s6;
	v12 =	vadd.f32 $-6.400000000e+01, v12;
	(erf) = vpow2.f32 v10;
	v10 =	vmul.f32 $1.442695020e+00, v11  }
0x118: {  	v13 =	vmul.f32 $1.442695020e+00, v13;
	v11 =	vld [tilespmem:s5+$0xD800];
	v9 =	vadd.f32 $-6.400000000e+01, v9;
	(erf) = vpow2.f32 v14  }
0x119: {  	v8 =	vadd.f32 v24, v8;
	v12 =	vmul.f32 $1.442695020e+00, v12;
	(erf) = vpow2.f32 v10;
	v10 =	vld [tilespmem:s5+$0xD900]  }
0x11a: {  	v17 =	vld [tilespmem:s5+$0xD980];
	v14 =	vadd.f32 $-6.400000000e+01, v15;
	v9 =	vmul.f32 $1.442695020e+00, v9;
	(erf) = vpow2.f32 v13  }
0x11b: {  	v1 =	vadd.f32 v25, v1;
	v15 =	vld [tilespmem:s5+$0xD880];
	(erf) = vpow2.f32 v12;
	v12 =	vmul.f32 $6.400000000e+01, v16  }
0x11c: {  	v2 =	vadd.f32 v26, v2;
	v3 =	vadd.f32 v27, v3;
	v18 =	vld [tilespmem:s5+$0xDA00];
	v14 =	vmul.f32 $1.442695020e+00, v14  }
0x11d: {  	(erf) = vpow2.f32 v9;
	v9 =	vmul.f32 $6.400000000e+01, v11;
	v12 =	vadd.f32 $-6.400000000e+01, v12  }
0x11e: {  	v4 =	vadd.f32 v28, v4;
	(erf) = vpow2.f32 v14;
	v14 =	vld [tilespmem:s5+$0xDA80];
	v10 =	vmul.f32 $6.400000000e+01, v10  }
0x11f: {  	v5 =	vadd.f32 v29, v5;
	v6 =	vadd.f32 v30, v6;
	v11 =	vpop (erf);
	v16 =	vmul.f32 $1.442695020e+00, v12;
	v12 =	vld [tilespmem:s5+$0xDB00]  }
0x120: {  	v13 =	vmul.f32 $6.400000000e+01, v15;
	v8 =	vadd.f32 v11, v8;
	v11 =	vadd.f32 $-6.400000000e+01, v9  }
0x121: {  	s30 =	simm.s32 $0x2;
	v7 =	vadd.f32 v31, v7;
	v17 =	vmul.f32 $6.400000000e+01, v17;
	v18 =	vmul.f32 $6.400000000e+01, v18;
	v9 =	vpop (erf)  }
0x122: {  	s4 =	simm.s32 $0x20;
	s6 =	sand.u32 $0x7, s30;
	v13 =	vadd.f32 $-6.400000000e+01, v13;
	s5 =	simm.s32 $0x30;
	v15 =	vadd.f32 $-6.400000000e+01, v10;
	v11 =	vmul.f32 $1.442695020e+00, v11;
	v10 =	vpop (erf)  }
.LBB2_8:
0x123: {  	p2 =	sne.s32 s5, $0xD70;
	s0 =	sshll.u32 s6, $0x4;
	v17 =	vadd.f32 $-6.400000000e+01, v17;
	v14 =	vmul.f32 $6.400000000e+01, v14;
	s29 =	sadd.s32 $0x80, s29;
	(erf) = vpow2.f32 v16;
	v16 =	vpop (erf)  }
0x124: {  	s4 =	sand.u32 $0x70, s4;
	v13 =	vmul.f32 $1.442695020e+00, v13;
	s0 =	sadd.s32 s0, s29;
	s6 =	sand.u32 $0x7C00, s29;
	v18 =	vadd.f32 $-6.400000000e+01, v18;
	v12 =	vmul.f32 $6.400000000e+01, v12;
	v19 =	vpop (erf)  }
0x125: {  	v15 =	vmul.f32 $1.442695020e+00, v15;
	s6 =	sor.u32 s4, s6;
	s0 =	sor.u32 $0x380, s0;
	v17 =	vmul.f32 $1.442695020e+00, v17;
	v14 =	vadd.f32 $-6.400000000e+01, v14;
	v20 =	vpop (erf);
	s4 =	smov.u32 s5  }
0x126: {  	v21 =	vld [tilespmem:s0+$0xD800];
	v18 =	vmul.f32 $1.442695020e+00, v18;
	v12 =	vadd.f32 $-6.400000000e+01, v12;
	(erf) = vpow2.f32 v11;
	v11 =	vpop (erf)  }
0x127: {  	v1 =	vadd.f32 v9, v1;
	v22 =	vld [tilespmem:s6+$0xD800];
	v14 =	vmul.f32 $1.442695020e+00, v14;
	(erf) = vpow2.f32 v13;
	v9 =	vpop (erf)  }
0x128: {  	v2 =	vadd.f32 v10, v2;
	v13 =	vld [tilespmem:s6+$0xD880];
	v12 =	vmul.f32 $1.442695020e+00, v12;
	(erf) = vpow2.f32 v15  }
0x129: {  	v3 =	vadd.f32 v16, v3;
	v4 =	vadd.f32 v19, v4;
	v10 =	vld [tilespmem:s6+$0xD900];
	(erf) = vpow2.f32 v17  }
0x12a: {  	v5 =	vadd.f32 v20, v5;
	v6 =	vadd.f32 v11, v6;
	v15 =	vld [tilespmem:s6+$0xD980];
	(erf) = vpow2.f32 v18  }
0x12b: {  	v7 =	vadd.f32 v9, v7;
	v18 =	vld [tilespmem:s6+$0xDA00];
	v11 =	vmul.f32 $6.400000000e+01, v21;
	(erf) = vpow2.f32 v14  }
.Ltmp2:
0x12c: {  	v20 =	vmul.f32 $6.400000000e+01, v22;
	v14 =	vld [tilespmem:s6+$0xDA80];
	(erf) = vpow2.f32 v12;
	v16 =	vpop (erf);
	(pc) =	sbr.rel @p2 .LBB2_8-.Ltmp2, $4  }
0x12d: {  	v13 =	vmul.f32 $6.400000000e+01, v13;
	v12 =	vld [tilespmem:s6+$0xDB00];
	v11 =	vadd.f32 $-6.400000000e+01, v11;
	v8 =	vadd.f32 v16, v8  }
0x12e: {  	v19 =	vadd.f32 $-6.400000000e+01, v20;
	v20 =	vmul.f32 $6.400000000e+01, v10  }
0x12f: {  	s30 =	sadd.s32 $0x1, s30;
	v13 =	vadd.f32 $-6.400000000e+01, v13;
	v17 =	vmul.f32 $6.400000000e+01, v15;
	v16 =	vmul.f32 $1.442695020e+00, v11;
	v9 =	vpop (erf)  }
0x130: {  	s5 =	sadd.s32 $0x10, s5;
	s6 =	sand.u32 $0x7, s30;
	v11 =	vmul.f32 $1.442695020e+00, v19;
	v15 =	vadd.f32 $-6.400000000e+01, v20;
	v18 =	vmul.f32 $6.400000000e+01, v18;
	v10 =	vpop (erf)  }
0x131: {  	s0 =	sshll.u32 s6, $0x4;
	s5 =	sadd.s32 $0x80, s29  }
0x132: {  	v14 =	vmul.f32 $6.400000000e+01, v14;
	s0 =	sadd.s32 s0, s5  }
0x133: {  	v17 =	vadd.f32 $-6.400000000e+01, v17;
	(erf) = vpow2.f32 v16;
	s4 =	sand.u32 $0x70, s4;
	v13 =	vmul.f32 $1.442695020e+00, v13;
	s5 =	sand.u32 $0x7C00, s5;
	s0 =	sor.u32 $0x380, s0  }
0x134: {  	v16 =	vadd.f32 $-6.400000000e+01, v18;
	v12 =	vmul.f32 $6.400000000e+01, v12;
	v15 =	vmul.f32 $1.442695020e+00, v15;
	s4 =	sor.u32 s4, s5;
	v18 =	vld [tilespmem:s0+$0xD800]  }
0x135: {  	(erf) = vpow2.f32 v11;
	v17 =	vmul.f32 $1.442695020e+00, v17;
	v14 =	vadd.f32 $-6.400000000e+01, v14;
	v11 =	vld [tilespmem:s4+$0xD800]  }
0x136: {  	(erf) = vpow2.f32 v13;
	v16 =	vmul.f32 $1.442695020e+00, v16;
	v12 =	vadd.f32 $-6.400000000e+01, v12;
	v13 =	vld [tilespmem:s4+$0xD880]  }
0x137: {  	(erf) = vpow2.f32 v15;
	v15 =	vld [tilespmem:s4+$0xD900];
	v14 =	vmul.f32 $1.442695020e+00, v14  }
0x138: {  	(erf) = vpow2.f32 v17;
	v17 =	vld [tilespmem:s4+$0xD980];
	v12 =	vmul.f32 $1.442695020e+00, v12  }
0x139: {  	(erf) = vpow2.f32 v16;
	v16 =	vld [tilespmem:s4+$0xDA00];
	v18 =	vmul.f32 $6.400000000e+01, v18  }
0x13a: {  	v19 =	vpop (erf);
	(erf) = vpow2.f32 v14;
	v14 =	vld [tilespmem:s4+$0xDA80]  }
0x13b: {  	(erf) = vpow2.f32 v12;
	v12 =	vld [tilespmem:s4+$0xDB00];
	v11 =	vmul.f32 $6.400000000e+01, v11;
	v18 =	vadd.f32 $-6.400000000e+01, v18  }
0x13c: {  	v13 =	vmul.f32 $6.400000000e+01, v13  }
0x13d: {  	v15 =	vmul.f32 $6.400000000e+01, v15;
	v11 =	vadd.f32 $-6.400000000e+01, v11;
	v18 =	vmul.f32 $1.442695020e+00, v18  }
0x13e: {  	v20 =	vpop (erf);
	v17 =	vmul.f32 $6.400000000e+01, v17;
	v13 =	vadd.f32 $-6.400000000e+01, v13;
	v16 =	vmul.f32 $6.400000000e+01, v16  }
0x13f: {  	v21 =	vpop (erf);
	v15 =	vadd.f32 $-6.400000000e+01, v15;
	v14 =	vmul.f32 $6.400000000e+01, v14;
	v11 =	vmul.f32 $1.442695020e+00, v11  }
0x140: {  	v22 =	vpop (erf);
	v17 =	vadd.f32 $-6.400000000e+01, v17;
	v13 =	vmul.f32 $1.442695020e+00, v13;
	v12 =	vmul.f32 $6.400000000e+01, v12  }
0x141: {  	v16 =	vadd.f32 $-6.400000000e+01, v16;
	v15 =	vmul.f32 $1.442695020e+00, v15;
	(erf) = vpow2.f32 v18;
	v18 =	vpop (erf)  }
0x142: {  	v17 =	vmul.f32 $1.442695020e+00, v17;
	v14 =	vadd.f32 $-6.400000000e+01, v14;
	(erf) = vpow2.f32 v11;
	v23 =	vpop (erf)  }
0x143: {  	v16 =	vmul.f32 $1.442695020e+00, v16;
	v12 =	vadd.f32 $-6.400000000e+01, v12;
	(erf) = vpow2.f32 v13;
	v11 =	vpop (erf)  }
0x144: {  	v14 =	vmul.f32 $1.442695020e+00, v14;
	(erf) = vpow2.f32 v15;
	v13 =	vpop (erf)  }
0x145: {  	v12 =	vmul.f32 $1.442695020e+00, v12;
	(erf) = vpow2.f32 v17;
	v15 =	vpop (erf)  }
0x146: {  	(erf) = vpow2.f32 v16;
	v17 =	vpop (erf)  }
0x147: {  	(erf) = vpow2.f32 v14;
	v16 =	vpop (erf)  }
0x148: {  	v14 =	vpop (erf);
	(erf) = vpow2.f32 v12  }
0x149: {  	v12 =	vpop (erf)  }
0x14a: {  	v24 =	vpop (erf)  }
0x14b: {  	v25 =	vpop (erf)  }
0x14c: {  	s0 =	sadd.s32 @!p1 s26, s19;
	v26 =	vpop (erf)  }
0x14d: {  	s0 =	sshrl.u32 @!p1 s0, $0x3;
	v27 =	vpop (erf)  }
0x14e: {  	s5 =	simm.s32 @!p1 $0xD800;
	s0 =	sadd.s32 @!p1 s3, s0;
	s4 =	simm.s32 @!p1 $0x0;
	v28 =	vpop (erf)  }
0x14f: {  	[tilespmem:s5], [sflag:$0x3] =	stream.linear.gather @!p1 [hbm4b:s0+s4], $0x6C00, $0x38;
	v29 =	vpop (erf);
	[tilespmem:$0x1DC80] =	vst v63  }
0x150: {  	s5 =	simm.s32 $0x0;
	v30 =	vpop (erf)  }
0x151: {  	s6 =	sand.u32 $0x7, s5;
	v31 =	vpop (erf)  }
0x152: {  	s26 =	sand.u32 $0x70, s5;
	s4 =	sshll.u32 s6, $0x4;
	_ =	swait.ge [sflag:s25], $0x6C00  }
0x153: {  	s0 =	sand.u32 $0x7C00, s5;
	s4 =	sadd.s32 $0x0, s4;
	[sflag:s25] =	ssyncset.done $0x0  }
0x154: {  	s0 =	sor.u32 s26, s0;
	s4 =	sor.u32 $0x380, s4;
	[sflag:s25] =	ssyncadd.s32 $0xFFFF9400  }
0x155: {  	v1 =	vadd.f32 v9, v1;
	s5 =	sadd.s32 $0x14400, s0;
	v9 =	vld [tilespmem:s4+$0x14400]  }
0x156: {  	v2 =	vadd.f32 v10, v2;
	v3 =	vadd.f32 v19, v3;
	v10 =	vld [tilespmem:s5+$0x80]  }
0x157: {  	v6 =	vadd.f32 v22, v6;
	v1 =	vadd.f32 v11, v1;
	v11 =	vld [tilespmem:s5+$0x100]  }
0x158: {  	v7 =	vadd.f32 v18, v7;
	v2 =	vadd.f32 v13, v2;
	v13 =	vld [tilespmem:s5+$0x180]  }
0x159: {  	v4 =	vadd.f32 v20, v4;
	v6 =	vadd.f32 v14, v6;
	v14 =	vld [tilespmem:s5+$0x200]  }
0x15a: {  	v5 =	vadd.f32 v21, v5;
	v7 =	vadd.f32 v12, v7;
	v12 =	vld [tilespmem:s5+$0x280];
	v9 =	vmul.f32 $6.400000000e+01, v9  }
0x15b: {  	v8 =	vadd.f32 v23, v8;
	v3 =	vadd.f32 v15, v3;
	v15 =	vld [tilespmem:s5+$0x300];
	v10 =	vmul.f32 $6.400000000e+01, v10  }
0x15c: {  	v5 =	vadd.f32 v16, v5;
	v16 =	vld [tilespmem:s0+$0x14400];
	v11 =	vmul.f32 $6.400000000e+01, v11;
	v9 =	vadd.f32 $-6.400000000e+01, v9  }
0x15d: {  	v4 =	vadd.f32 v17, v4;
	s4 =	simm.s32 $0x1;
	v13 =	vmul.f32 $6.400000000e+01, v13;
	v10 =	vadd.f32 $-6.400000000e+01, v10  }
0x15e: {  	s0 =	sand.u32 $0x7, s4;
	v14 =	vmul.f32 $6.400000000e+01, v14;
	v11 =	vadd.f32 $-6.400000000e+01, v11;
	v9 =	vmul.f32 $1.442695020e+00, v9  }
0x15f: {  	s26 =	simm.s32 $0x80;
	v8 =	vadd.f32 v24, v8;
	s5 =	simm.s32 $0x10;
	s0 =	sshll.u32 s0, $0x4;
	v12 =	vmul.f32 $6.400000000e+01, v12;
	v10 =	vmul.f32 $1.442695020e+00, v10  }
0x160: {  	s6 =	sand.u32 $0x7C00, s26;
	s4 =	sand.u32 $0x70, s5;
	s0 =	sadd.s32 $0x80, s0;
	v13 =	vadd.f32 $-6.400000000e+01, v13;
	v11 =	vmul.f32 $1.442695020e+00, v11;
	(erf) = vpow2.f32 v9  }
0x161: {  	s5 =	sor.u32 s4, s6;
	s0 =	sor.u32 $0x380, s0;
	v9 =	vadd.f32 $-6.400000000e+01, v14;
	v14 =	vmul.f32 $6.400000000e+01, v15;
	v15 =	vmul.f32 $6.400000000e+01, v16  }
0x162: {  	s4 =	sadd.s32 $0x14400, s5;
	v12 =	vadd.f32 $-6.400000000e+01, v12;
	v16 =	vld [tilespmem:s0+$0x14400];
	(erf) = vpow2.f32 v10;
	v10 =	vmul.f32 $1.442695020e+00, v13  }
0x163: {  	v13 =	vadd.f32 $-6.400000000e+01, v14;
	v14 =	vld [tilespmem:s4+$0x80];
	(erf) = vpow2.f32 v11;
	v11 =	vadd.f32 $-6.400000000e+01, v15  }
0x164: {  	v1 =	vadd.f32 v25, v1;
	v9 =	vmul.f32 $1.442695020e+00, v9;
	(erf) = vpow2.f32 v10;
	v10 =	vld [tilespmem:s4+$0x180]  }
0x165: {  	v2 =	vadd.f32 v26, v2;
	v18 =	vld [tilespmem:s4+$0x280];
	v12 =	vmul.f32 $1.442695020e+00, v12;
	v11 =	vmul.f32 $1.442695020e+00, v11  }
0x166: {  	v3 =	vadd.f32 v27, v3;
	v15 =	vld [tilespmem:s4+$0x100];
	v13 =	vmul.f32 $1.442695020e+00, v13;
	(erf) = vpow2.f32 v9  }
0x167: {  	v4 =	vadd.f32 v28, v4;
	v9 =	vld [tilespmem:s4+$0x200];
	(erf) = vpow2.f32 v12;
	v12 =	vmul.f32 $6.400000000e+01, v16  }
0x168: {  	v5 =	vadd.f32 v29, v5;
	(erf) = vpow2.f32 v13;
	v13 =	vmul.f32 $6.400000000e+01, v14  }
0x169: {  	(erf) = vpow2.f32 v11;
	v16 =	vadd.f32 $-6.400000000e+01, v12;
	v14 =	vld [tilespmem:s4+$0x300];
	v10 =	vmul.f32 $6.400000000e+01, v10;
	v11 =	vpop (erf)  }
0x16a: {  	v8 =	vadd.f32 v11, v8;
	v11 =	vadd.f32 $-6.400000000e+01, v13;
	v13 =	vld [tilespmem:s5+$0x14400]  }
0x16b: {  	v6 =	vadd.f32 v30, v6;
	v18 =	vmul.f32 $6.400000000e+01, v18;
	v15 =	vmul.f32 $6.400000000e+01, v15  }
0x16c: {  	s29 =	simm.s32 $0x2;
	v7 =	vadd.f32 v31, v7;
	v17 =	vmul.f32 $6.400000000e+01, v9;
	v16 =	vmul.f32 $1.442695020e+00, v16;
	v9 =	vpop (erf)  }
0x16d: {  	s30 =	simm.s32 $0x30;
	s4 =	simm.s32 $0x20;
	v12 =	vadd.f32 $-6.400000000e+01, v15;
	s5 =	sand.u32 $0x7, s29;
	v15 =	vadd.f32 $-6.400000000e+01, v10;
	v11 =	vmul.f32 $1.442695020e+00, v11;
	v10 =	vpop (erf)  }
.LBB2_10:
0x16e: {  	p2 =	sne.s32 s30, $0xD70;
	s0 =	sshll.u32 s5, $0x4;
	v17 =	vadd.f32 $-6.400000000e+01, v17;
	v14 =	vmul.f32 $6.400000000e+01, v14;
	s26 =	sadd.s32 $0x80, s26;
	(erf) = vpow2.f32 v16;
	v16 =	vpop (erf)  }
0x16f: {  	s4 =	sand.u32 $0x70, s4;
	v12 =	vmul.f32 $1.442695020e+00, v12;
	s0 =	sadd.s32 s0, s26;
	s5 =	sand.u32 $0x7C00, s26;
	v13 =	vmul.f32 $6.400000000e+01, v13;
	v18 =	vadd.f32 $-6.400000000e+01, v18;
	v19 =	vpop (erf)  }
0x170: {  	v15 =	vmul.f32 $1.442695020e+00, v15;
	s5 =	sor.u32 s4, s5;
	s0 =	sor.u32 $0x380, s0;
	v17 =	vmul.f32 $1.442695020e+00, v17;
	v14 =	vadd.f32 $-6.400000000e+01, v14;
	v20 =	vpop (erf);
	s4 =	smov.u32 s30  }
0x171: {  	s6 =	sadd.s32 $0x14400, s5;
	v21 =	vld [tilespmem:s0+$0x14400];
	v13 =	vadd.f32 $-6.400000000e+01, v13;
	v18 =	vmul.f32 $1.442695020e+00, v18;
	(erf) = vpow2.f32 v11;
	v11 =	vpop (erf)  }
0x172: {  	v2 =	vadd.f32 v9, v2;
	v22 =	vld [tilespmem:s6+$0x80];
	v14 =	vmul.f32 $1.442695020e+00, v14;
	(erf) = vpow2.f32 v12;
	v9 =	vpop (erf)  }
0x173: {  	v3 =	vadd.f32 v10, v3;
	v12 =	vld [tilespmem:s6+$0x100];
	v13 =	vmul.f32 $1.442695020e+00, v13;
	(erf) = vpow2.f32 v15  }
0x174: {  	v4 =	vadd.f32 v16, v4;
	v5 =	vadd.f32 v19, v5;
	v10 =	vld [tilespmem:s6+$0x180];
	(erf) = vpow2.f32 v17  }
0x175: {  	v6 =	vadd.f32 v20, v6;
	v7 =	vadd.f32 v11, v7;
	v15 =	vld [tilespmem:s6+$0x200];
	(erf) = vpow2.f32 v18  }
0x176: {  	v1 =	vadd.f32 v9, v1;
	v18 =	vld [tilespmem:s6+$0x280];
	v11 =	vmul.f32 $6.400000000e+01, v21;
	(erf) = vpow2.f32 v14  }
.Ltmp3:
0x177: {  	v20 =	vmul.f32 $6.400000000e+01, v22;
	v14 =	vld [tilespmem:s6+$0x300];
	(erf) = vpow2.f32 v13;
	v16 =	vpop (erf);
	(pc) =	sbr.rel @p2 .LBB2_10-.Ltmp3, $4  }
0x178: {  	v13 =	vld [tilespmem:s5+$0x14400];
	v12 =	vmul.f32 $6.400000000e+01, v12;
	v11 =	vadd.f32 $-6.400000000e+01, v11;
	v8 =	vadd.f32 v16, v8  }
0x179: {  	v19 =	vadd.f32 $-6.400000000e+01, v20;
	v20 =	vmul.f32 $6.400000000e+01, v10  }
0x17a: {  	s29 =	sadd.s32 $0x1, s29;
	v12 =	vadd.f32 $-6.400000000e+01, v12;
	v17 =	vmul.f32 $6.400000000e+01, v15;
	v16 =	vmul.f32 $1.442695020e+00, v11;
	v9 =	vpop (erf)  }
0x17b: {  	s30 =	sadd.s32 $0x10, s30;
	s5 =	sand.u32 $0x7, s29;
	v11 =	vmul.f32 $1.442695020e+00, v19;
	v15 =	vadd.f32 $-6.400000000e+01, v20;
	v18 =	vmul.f32 $6.400000000e+01, v18;
	v10 =	vpop (erf)  }
0x17c: {  	s0 =	sshll.u32 s5, $0x4;
	s30 =	sadd.s32 $0x80, s26  }
0x17d: {  	s0 =	sadd.s32 s0, s30  }
0x17e: {  	v14 =	vmul.f32 $6.400000000e+01, v14;
	s4 =	sand.u32 $0x70, s4;
	(erf) = vpow2.f32 v16;
	s5 =	sand.u32 $0x7C00, s30;
	s0 =	sor.u32 $0x380, s0  }
0x17f: {  	v17 =	vadd.f32 $-6.400000000e+01, v17;
	v12 =	vmul.f32 $1.442695020e+00, v12;
	v13 =	vmul.f32 $6.400000000e+01, v13;
	s4 =	sor.u32 s4, s5;
	v46 =	vld [tilespmem:s0+$0x14400]  }
0x180: {  	v45 =	vadd.f32 $-6.400000000e+01, v18;
	v15 =	vmul.f32 $1.442695020e+00, v15;
	(erf) = vpow2.f32 v11;
	s5 =	sadd.s32 $0x14400, s4;
	v52 =	vld [tilespmem:s4+$0x14400]  }
0x181: {  	v17 =	vmul.f32 $1.442695020e+00, v17;
	v14 =	vadd.f32 $-6.400000000e+01, v14;
	(erf) = vpow2.f32 v12;
	v11 =	vld [tilespmem:s5+$0x80]  }
0x182: {  	v16 =	vmul.f32 $1.442695020e+00, v45;
	(erf) = vpow2.f32 v15;
	v47 =	vld [tilespmem:s5+$0x100]  }
0x183: {  	v13 =	vadd.f32 $-6.400000000e+01, v13;
	v14 =	vmul.f32 $1.442695020e+00, v14;
	v48 =	vld [tilespmem:s5+$0x180];
	(erf) = vpow2.f32 v17  }
0x184: {  	v49 =	vld [tilespmem:s5+$0x200];
	(erf) = vpow2.f32 v16  }
0x185: {  	v19 =	vpop (erf);
	v50 =	vld [tilespmem:s5+$0x280];
	v13 =	vmul.f32 $1.442695020e+00, v13;
	(erf) = vpow2.f32 v14  }
0x186: {  	v51 =	vld [tilespmem:s5+$0x300];
	v18 =	vmul.f32 $6.400000000e+01, v46;
	v11 =	vmul.f32 $6.400000000e+01, v11  }
0x187: {  	(erf) = vpow2.f32 v13;
	v13 =	vmul.f32 $6.400000000e+01, v52  }
0x188: {  	v12 =	vmul.f32 $6.400000000e+01, v47;
	v18 =	vadd.f32 $-6.400000000e+01, v18;
	v11 =	vadd.f32 $-6.400000000e+01, v11  }
0x189: {  	v20 =	vpop (erf);
	v15 =	vmul.f32 $6.400000000e+01, v48;
	v17 =	vmul.f32 $6.400000000e+01, v49  }
0x18a: {  	v21 =	vpop (erf);
	v12 =	vadd.f32 $-6.400000000e+01, v12;
	v18 =	vmul.f32 $1.442695020e+00, v18;
	v11 =	vmul.f32 $1.442695020e+00, v11  }
0x18b: {  	v22 =	vpop (erf);
	v16 =	vmul.f32 $6.400000000e+01, v50;
	v14 =	vmul.f32 $6.400000000e+01, v51;
	v15 =	vadd.f32 $-6.400000000e+01, v15  }
0x18c: {  	v53 =	vpop (erf);
	v17 =	vadd.f32 $-6.400000000e+01, v17;
	v12 =	vmul.f32 $1.442695020e+00, v12;
	(erf) = vpow2.f32 v18  }
0x18d: {  	v23 =	vpop (erf);
	v16 =	vadd.f32 $-6.400000000e+01, v16;
	v15 =	vmul.f32 $1.442695020e+00, v15;
	(erf) = vpow2.f32 v11  }
0x18e: {  	v14 =	vadd.f32 $-6.400000000e+01, v14;
	v17 =	vmul.f32 $1.442695020e+00, v17;
	(erf) = vpow2.f32 v12;
	v11 =	vpop (erf)  }
0x18f: {  	v13 =	vadd.f32 $-6.400000000e+01, v13;
	v16 =	vmul.f32 $1.442695020e+00, v16;
	(erf) = vpow2.f32 v15;
	v54 =	vpop (erf)  }
0x190: {  	v14 =	vmul.f32 $1.442695020e+00, v14;
	(erf) = vpow2.f32 v17;
	v55 =	vpop (erf)  }
0x191: {  	v13 =	vmul.f32 $1.442695020e+00, v13;
	(erf) = vpow2.f32 v16;
	v56 =	vpop (erf)  }
0x192: {  	v2 =	vadd.f32 v9, v2;
	(erf) = vpow2.f32 v14;
	v9 =	vpop (erf)  }
0x193: {  	v3 =	vadd.f32 v10, v3;
	v4 =	vadd.f32 v19, v4;
	v10 =	vpop (erf);
	(erf) = vpow2.f32 v13  }
0x194: {  	v5 =	vadd.f32 v20, v5;
	v6 =	vadd.f32 v21, v6;
	v57 =	vpop (erf)  }
0x195: {  	v7 =	vadd.f32 v22, v7;
	v1 =	vadd.f32 v53, v1;
	v58 =	vpop (erf)  }
0x196: {  	v8 =	vadd.f32 v23, v8;
	v2 =	vadd.f32 v11, v2;
	v11 =	vpop (erf)  }
0x197: {  	v3 =	vadd.f32 v54, v3;
	v4 =	vadd.f32 v55, v4;
	v59 =	vpop (erf)  }
0x198: {  	v60 =	vadd.f32 v56, v5;
	v9 =	vadd.f32 v9, v6;
	v61 =	vpop (erf)  }
.Ltmp4:
0x199: {  	v7 =	vadd.f32 v10, v7;
	v10 =	vadd.f32 v57, v1;
	v1 =	vpop (erf);
	(pc) =	sbr.rel @p1 .LBB2_13-.Ltmp4, $4  }
0x19a: {  	v8 =	vadd.f32 v58, v8;
	v6 =	vadd.f32 v11, v2;
	v62 =	vpop (erf)  }
0x19b: {  	v5 =	vadd.f32 v59, v3;
	v4 =	vadd.f32 v61, v4;
	v11 =	vpop (erf)  }
0x19c: {  	v3 =	vadd.f32 v1, v60;
	v2 =	vadd.f32 v62, v9;
	v63 =	vpop (erf)  }
0x19d: {  	v1 =	vadd.f32 v11, v7;
	v7 =	vadd.f32 v63, v10  }
0x19e: {  	s0 =	smul.u32 $0x1B000, s21  }
.Ltmp5:
0x19f: {  	_ = 	snop;
	(pc) =	sbr.rel .LBB2_3-.Ltmp5, $4  }
0x1a0: {  	s0 =	sadd.s32 s0, s20  }
0x1a1: {  	s0 =	sshrl.u32 s0, $0x3  }
0x1a2: {  	s21 =	sadd.s32 $0x1, s21;
	s0 =	sadd.s32 s3, s0  }
0x1a3: {  	[tilespmem:s22], [sflag:$0x4] =	stream.linear.gather [hbm4b:s0+s2], $0x6C00, $0x38;
	[tilespmem:$0x1DC80] =	vst v63  }
.LBB2_13:
0x1a4: {  	s0 =	sadd.s32 $0x633A00, s15;
	s4 =	simm.s32 $0x0  }
0x1a5: {  	[tilespmem:s4], [sflag:$0x6] =	stream.linear.gather [hbm4b:s0+s4], $0x6400, $0x38;
	[tilespmem:$0x1DC80] =	vst v63  }
0x1a6: {  	s21 =	sand.u32 $0x7, s4  }
0x1a7: {  	_ =	swait.ge [sflag:s10], $0x6400;
	s0 =	sshll.u32 s21, $0x4  }
0x1a8: {  	s5 =	sand.u32 $0x70, s4;
	[sflag:s10] =	ssyncset.done $0x0;
	s0 =	sadd.s32 $0x0, s0  }
0x1a9: {  	s4 =	sand.u32 $0x7C00, s4;
	[sflag:s10] =	ssyncadd.s32 $0xFFFF9C00;
	s0 =	sor.u32 $0x380, s0  }
0x1aa: {  	s4 =	sor.u32 s5, s4;
	v9 =	vld [tilespmem:s0+$0x0]  }
0x1ab: {  	v10 =	vld [tilespmem:s4+$0x0]  }
0x1ac: {  	v11 =	vld [tilespmem:s4+$0x80]  }
0x1ad: {  	v12 =	vld [tilespmem:s4+$0x100]  }
0x1ae: {  	v13 =	vld [tilespmem:s4+$0x180]  }
0x1af: {  	v14 =	vld [tilespmem:s4+$0x200];
	v9 =	vmul.f32 $6.400000000e+01, v9  }
0x1b0: {  	v15 =	vld [tilespmem:s4+$0x280];
	v10 =	vmul.f32 $6.400000000e+01, v10  }
0x1b1: {  	v16 =	vld [tilespmem:s4+$0x300];
	v11 =	vmul.f32 $6.400000000e+01, v11;
	v9 =	vadd.f32 $-6.400000000e+01, v9  }
0x1b2: {  	s26 =	simm.s32 $0x1;
	v12 =	vmul.f32 $6.400000000e+01, v12;
	v10 =	vadd.f32 $-6.400000000e+01, v10  }
0x1b3: {  	s0 =	sand.u32 $0x7, s26;
	v13 =	vmul.f32 $6.400000000e+01, v13;
	v11 =	vadd.f32 $-6.400000000e+01, v11;
	v9 =	vmul.f32 $1.442695020e+00, v9  }
0x1b4: {  	s0 =	sshll.u32 s0, $0x4;
	v14 =	vmul.f32 $6.400000000e+01, v14;
	v10 =	vmul.f32 $1.442695020e+00, v10  }
0x1b5: {  	s29 =	simm.s32 $0x10;
	s16 =	simm.s32 $0x80;
	s0 =	sadd.s32 $0x80, s0;
	v12 =	vadd.f32 $-6.400000000e+01, v12;
	v11 =	vmul.f32 $1.442695020e+00, v11;
	(erf) = vpow2.f32 v9  }
0x1b6: {  	s30 =	sand.u32 $0x7C00, s16;
	s4 =	sand.u32 $0x70, s29;
	s0 =	sor.u32 $0x380, s0;
	v13 =	vadd.f32 $-6.400000000e+01, v13;
	v9 =	vmul.f32 $6.400000000e+01, v15;
	v15 =	vmul.f32 $6.400000000e+01, v16  }
0x1b7: {  	s5 =	sor.u32 s4, s30;
	v14 =	vadd.f32 $-6.400000000e+01, v14;
	v16 =	vld [tilespmem:s0+$0x0];
	(erf) = vpow2.f32 v10;
	v10 =	vmul.f32 $1.442695020e+00, v12  }
0x1b8: {  	v12 =	vld [tilespmem:s5+$0x0];
	v9 =	vadd.f32 $-6.400000000e+01, v9;
	(erf) = vpow2.f32 v11;
	v11 =	vmul.f32 $1.442695020e+00, v13  }
0x1b9: {  	v13 =	vmul.f32 $1.442695020e+00, v14;
	v14 =	vadd.f32 $-6.400000000e+01, v15;
	(erf) = vpow2.f32 v10;
	v10 =	vld [tilespmem:s5+$0x100]  }
0x1ba: {  	v18 =	vld [tilespmem:s5+$0x200];
	v9 =	vmul.f32 $1.442695020e+00, v9  }
0x1bb: {  	v15 =	vld [tilespmem:s5+$0x80];
	v14 =	vmul.f32 $1.442695020e+00, v14;
	(erf) = vpow2.f32 v11  }
0x1bc: {  	v11 =	vld [tilespmem:s5+$0x180];
	(erf) = vpow2.f32 v13;
	v13 =	vmul.f32 $6.400000000e+01, v16  }
0x1bd: {  	(erf) = vpow2.f32 v9;
	v9 =	vmul.f32 $6.400000000e+01, v12  }
0x1be: {  	(erf) = vpow2.f32 v14;
	v14 =	vld [tilespmem:s5+$0x280];
	v10 =	vmul.f32 $6.400000000e+01, v10;
	v12 =	vpop (erf)  }
0x1bf: {  	v16 =	vadd.f32 $-6.400000000e+01, v13;
	v8 =	vadd.f32 v12, v8;
	v12 =	vld [tilespmem:s5+$0x300]  }
0x1c0: {  	v18 =	vmul.f32 $6.400000000e+01, v18;
	v15 =	vmul.f32 $6.400000000e+01, v15;
	v19 =	vadd.f32 $-6.400000000e+01, v9  }
0x1c1: {  	s17 =	simm.s32 $0x2;
	v17 =	vmul.f32 $6.400000000e+01, v11;
	v16 =	vmul.f32 $1.442695020e+00, v16;
	v9 =	vpop (erf)  }
0x1c2: {  	s6 =	sand.u32 $0x7, s17;
	s4 =	simm.s32 $0x20;
	v13 =	vadd.f32 $-6.400000000e+01, v15;
	s5 =	simm.s32 $0x30;
	v11 =	vmul.f32 $1.442695020e+00, v19;
	v15 =	vadd.f32 $-6.400000000e+01, v10;
	v10 =	vpop (erf)  }
.LBB2_14:
0x1c3: {  	p1 =	sne.s32 s5, $0xC70;
	s0 =	sshll.u32 s6, $0x4;
	v17 =	vadd.f32 $-6.400000000e+01, v17;
	v14 =	vmul.f32 $6.400000000e+01, v14;
	s16 =	sadd.s32 $0x80, s16;
	(erf) = vpow2.f32 v16;
	v16 =	vpop (erf)  }
0x1c4: {  	s4 =	sand.u32 $0x70, s4;
	v13 =	vmul.f32 $1.442695020e+00, v13;
	s0 =	sadd.s32 s0, s16;
	s6 =	sand.u32 $0x7C00, s16;
	v18 =	vadd.f32 $-6.400000000e+01, v18;
	v12 =	vmul.f32 $6.400000000e+01, v12;
	v19 =	vpop (erf)  }
0x1c5: {  	v15 =	vmul.f32 $1.442695020e+00, v15;
	s6 =	sor.u32 s4, s6;
	s0 =	sor.u32 $0x380, s0;
	v17 =	vmul.f32 $1.442695020e+00, v17;
	v14 =	vadd.f32 $-6.400000000e+01, v14;
	v20 =	vpop (erf);
	s4 =	smov.u32 s5  }
0x1c6: {  	v21 =	vld [tilespmem:s0+$0x0];
	v18 =	vmul.f32 $1.442695020e+00, v18;
	v12 =	vadd.f32 $-6.400000000e+01, v12;
	(erf) = vpow2.f32 v11;
	v11 =	vpop (erf)  }
0x1c7: {  	v7 =	vadd.f32 v9, v7;
	v22 =	vld [tilespmem:s6+$0x0];
	v14 =	vmul.f32 $1.442695020e+00, v14;
	(erf) = vpow2.f32 v13;
	v9 =	vpop (erf)  }
0x1c8: {  	v6 =	vadd.f32 v10, v6;
	v13 =	vld [tilespmem:s6+$0x80];
	v12 =	vmul.f32 $1.442695020e+00, v12;
	(erf) = vpow2.f32 v15  }
0x1c9: {  	v5 =	vadd.f32 v16, v5;
	v4 =	vadd.f32 v19, v4;
	v10 =	vld [tilespmem:s6+$0x100];
	(erf) = vpow2.f32 v17  }
0x1ca: {  	v3 =	vadd.f32 v20, v3;
	v2 =	vadd.f32 v11, v2;
	v15 =	vld [tilespmem:s6+$0x180];
	(erf) = vpow2.f32 v18  }
0x1cb: {  	v1 =	vadd.f32 v9, v1;
	v18 =	vld [tilespmem:s6+$0x200];
	v11 =	vmul.f32 $6.400000000e+01, v21;
	(erf) = vpow2.f32 v14  }
.Ltmp6:
0x1cc: {  	v20 =	vmul.f32 $6.400000000e+01, v22;
	v14 =	vld [tilespmem:s6+$0x280];
	(erf) = vpow2.f32 v12;
	v16 =	vpop (erf);
	(pc) =	sbr.rel @p1 .LBB2_14-.Ltmp6, $4  }
0x1cd: {  	v13 =	vmul.f32 $6.400000000e+01, v13;
	v12 =	vld [tilespmem:s6+$0x300];
	v11 =	vadd.f32 $-6.400000000e+01, v11;
	v8 =	vadd.f32 v16, v8  }
0x1ce: {  	v19 =	vadd.f32 $-6.400000000e+01, v20;
	v20 =	vmul.f32 $6.400000000e+01, v10  }
0x1cf: {  	s17 =	sadd.s32 $0x1, s17;
	v13 =	vadd.f32 $-6.400000000e+01, v13;
	v17 =	vmul.f32 $6.400000000e+01, v15;
	v16 =	vmul.f32 $1.442695020e+00, v11;
	v9 =	vpop (erf)  }
0x1d0: {  	s5 =	sadd.s32 $0x10, s5;
	s6 =	sand.u32 $0x7, s17;
	v11 =	vmul.f32 $1.442695020e+00, v19;
	v15 =	vadd.f32 $-6.400000000e+01, v20;
	v18 =	vmul.f32 $6.400000000e+01, v18;
	v10 =	vpop (erf)  }
0x1d1: {  	s0 =	sshll.u32 s6, $0x4;
	s5 =	sadd.s32 $0x80, s16  }
0x1d2: {  	s0 =	sadd.s32 s0, s5  }
0x1d3: {  	s4 =	sand.u32 $0x70, s4;
	s5 =	sand.u32 $0x7C00, s5;
	s0 =	sor.u32 $0x380, s0  }
0x1d4: {  	v14 =	vmul.f32 $6.400000000e+01, v14;
	(erf) = vpow2.f32 v16;
	s4 =	sor.u32 s4, s5;
	v53 =	vld [tilespmem:s0+$0x0]  }
0x1d5: {  	v17 =	vadd.f32 $-6.400000000e+01, v17;
	v13 =	vmul.f32 $1.442695020e+00, v13;
	v12 =	vmul.f32 $6.400000000e+01, v12;
	v54 =	vld [tilespmem:s4+$0x0]  }
0x1d6: {  	v52 =	vadd.f32 $-6.400000000e+01, v18;
	v15 =	vmul.f32 $1.442695020e+00, v15;
	(erf) = vpow2.f32 v11;
	v55 =	vld [tilespmem:s4+$0x80]  }
0x1d7: {  	v17 =	vmul.f32 $1.442695020e+00, v17;
	v14 =	vadd.f32 $-6.400000000e+01, v14;
	(erf) = vpow2.f32 v13;
	v56 =	vld [tilespmem:s4+$0x100]  }
0x1d8: {  	v16 =	vmul.f32 $1.442695020e+00, v52;
	v12 =	vadd.f32 $-6.400000000e+01, v12;
	(erf) = vpow2.f32 v15;
	v57 =	vld [tilespmem:s4+$0x180]  }
0x1d9: {  	v58 =	vld [tilespmem:s4+$0x200];
	v14 =	vmul.f32 $1.442695020e+00, v14;
	(erf) = vpow2.f32 v17  }
0x1da: {  	v59 =	vld [tilespmem:s4+$0x280];
	v12 =	vmul.f32 $1.442695020e+00, v12;
	(erf) = vpow2.f32 v16  }
0x1db: {  	v19 =	vpop (erf);
	v60 =	vld [tilespmem:s4+$0x300];
	(erf) = vpow2.f32 v14;
	v18 =	vmul.f32 $6.400000000e+01, v53  }
0x1dc: {  	(erf) = vpow2.f32 v12;
	v11 =	vmul.f32 $6.400000000e+01, v54  }
0x1dd: {  	v13 =	vmul.f32 $6.400000000e+01, v55;
	v15 =	vmul.f32 $6.400000000e+01, v56;
	v18 =	vadd.f32 $-6.400000000e+01, v18  }
0x1de: {  	v20 =	vpop (erf);
	v17 =	vmul.f32 $6.400000000e+01, v57;
	v16 =	vmul.f32 $6.400000000e+01, v58;
	v11 =	vadd.f32 $-6.400000000e+01, v11  }
0x1df: {  	v21 =	vpop (erf);
	v14 =	vmul.f32 $6.400000000e+01, v59;
	v13 =	vadd.f32 $-6.400000000e+01, v13;
	v18 =	vmul.f32 $1.442695020e+00, v18  }
0x1e0: {  	v22 =	vpop (erf);
	v12 =	vmul.f32 $6.400000000e+01, v60;
	v15 =	vadd.f32 $-6.400000000e+01, v15;
	v11 =	vmul.f32 $1.442695020e+00, v11  }
0x1e1: {  	v61 =	vpop (erf);
	v17 =	vadd.f32 $-6.400000000e+01, v17;
	v13 =	vmul.f32 $1.442695020e+00, v13;
	(erf) = vpow2.f32 v18  }
0x1e2: {  	v23 =	vpop (erf);
	v16 =	vadd.f32 $-6.400000000e+01, v16;
	v15 =	vmul.f32 $1.442695020e+00, v15;
	(erf) = vpow2.f32 v11  }
0x1e3: {  	v62 =	vpop (erf);
	v14 =	vadd.f32 $-6.400000000e+01, v14;
	v17 =	vmul.f32 $1.442695020e+00, v17;
	(erf) = vpow2.f32 v13  }
0x1e4: {  	v12 =	vadd.f32 $-6.400000000e+01, v12;
	v63 =	vpop (erf);
	v16 =	vmul.f32 $1.442695020e+00, v16;
	(erf) = vpow2.f32 v15  }
0x1e5: {  	v40 =	vpop (erf);
	v14 =	vmul.f32 $1.442695020e+00, v14;
	(erf) = vpow2.f32 v17  }
0x1e6: {  	v12 =	vmul.f32 $1.442695020e+00, v12;
	v41 =	vpop (erf);
	(erf) = vpow2.f32 v16  }
0x1e7: {  	v42 =	vpop (erf);
	(erf) = vpow2.f32 v14  }
0x1e8: {  	v43 =	vpop (erf);
	(erf) = vpow2.f32 v12  }
0x1e9: {  	v44 =	vpop (erf)  }
0x1ea: {  	v24 =	vpop (erf)  }
0x1eb: {  	v25 =	vpop (erf)  }
0x1ec: {  	v26 =	vpop (erf)  }
0x1ed: {  	v27 =	vpop (erf)  }
0x1ee: {  	v28 =	vpop (erf)  }
0x1ef: {  	v29 =	vpop (erf)  }
0x1f0: {  	s20 =	sadd.s32 $0x634680, s15;
	s21 =	simm.s32 $0x1B000;
	v30 =	vpop (erf)  }
0x1f1: {  	[tilespmem:s21], [sflag:$0x6] =	stream.linear.gather [hbm4b:s20+s2], $0x400, $0x38;
	v31 =	vpop (erf);
	[tilespmem:$0x1DC80] =	vst v63  }
0x1f2: {  	_ =	swait.ge [sflag:s10], $0x400  }
0x1f3: {  	[sflag:s10] =	ssyncset.done $0x0  }
0x1f4: {  	[sflag:s10] =	ssyncadd.s32 $0xFFFFFC00  }
0x1f5: {  	v32 =	vld [tilespmem:$0x1B000]  }
0x1f6: {  	v33 =	vld [tilespmem:$0x1B080]  }
0x1f7: {  	v34 =	vld [tilespmem:$0x1B100]  }
0x1f8: {  	v35 =	vld [tilespmem:$0x1B180]  }
0x1f9: {  	v36 =	vld [tilespmem:$0x1B200]  }
0x1fa: {  	v37 =	vld [tilespmem:$0x1B280]  }
0x1fb: {  	v7 =	vadd.f32 v9, v7;
	v6 =	vadd.f32 v10, v6;
	v47 =	vld [tilespmem:$0x1B300]  }
0x1fc: {  	v5 =	vadd.f32 v19, v5;
	v4 =	vadd.f32 v20, v4;
	v50 =	vld [tilespmem:$0x1B380]  }
0x1fd: {  	v3 =	vadd.f32 v21, v3;
	v2 =	vadd.f32 v22, v2;
	v54 =	vld [tilespmem:$0x1B010]  }
0x1fe: {  	v1 =	vadd.f32 v61, v1;
	v8 =	vadd.f32 v23, v8;
	v56 =	vld [tilespmem:$0x1B090]  }
0x1ff: {  	v7 =	vadd.f32 v62, v7;
	v6 =	vadd.f32 v63, v6;
	v60 =	vld [tilespmem:$0x1B110]  }
0x200: {  	v5 =	vadd.f32 v40, v5;
	v21 =	vld [tilespmem:$0x1B210];
	v32 =	vmul.f32 $6.400000000e+01, v32;
	v33 =	vmul.f32 $6.400000000e+01, v33  }
0x201: {  	v4 =	vadd.f32 v41, v4;
	v23 =	vld [tilespmem:$0x1B290];
	v34 =	vmul.f32 $6.400000000e+01, v34;
	v35 =	vmul.f32 $6.400000000e+01, v35  }
0x202: {  	v3 =	vadd.f32 v42, v3;
	v62 =	vld [tilespmem:$0x1B190];
	v49 =	vmul.f32 $6.400000000e+01, v36;
	v51 =	vmul.f32 $6.400000000e+01, v37  }
0x203: {  	v2 =	vadd.f32 v43, v2;
	v55 =	vmul.f32 $6.400000000e+01, v47;
	v57 =	vmul.f32 $6.400000000e+01, v50  }
0x204: {  	v61 =	vmul.f32 $6.400000000e+01, v54;
	v63 =	vmul.f32 $6.400000000e+01, v56;
	v32 =	vadd.f32 $-6.400000000e+01, v32  }
0x205: {  	v11 =	vmul.f32 $6.400000000e+01, v60;
	v37 =	vmul.f32 $6.400000000e+01, v21;
	v33 =	vadd.f32 $-6.400000000e+01, v33  }
0x206: {  	v39 =	vmul.f32 $6.400000000e+01, v23;
	v45 =	vadd.f32 $-6.400000000e+01, v34;
	v32 =	vmul.f32 $1.442695020e+00, v32  }
0x207: {  	v46 =	vadd.f32 $-6.400000000e+01, v35;
	v35 =	vmul.f32 $6.400000000e+01, v62;
	v33 =	vmul.f32 $1.442695020e+00, v33  }
0x208: {  	v52 =	vadd.f32 $-6.400000000e+01, v49;
	v34 =	vld [tilespmem:$0x1B390];
	v48 =	vmul.f32 $1.442695020e+00, v45;
	(erf) = vpow2.f32 v32  }
0x209: {  	v53 =	vadd.f32 $-6.400000000e+01, v51;
	v9 =	vmul.f32 $1.442695020e+00, v46;
	(erf) = vpow2.f32 v33  }
0x20a: {  	v58 =	vadd.f32 $-6.400000000e+01, v55;
	v10 =	vmul.f32 $1.442695020e+00, v52;
	v33 =	vld [tilespmem:$0x1B310];
	(erf) = vpow2.f32 v48  }
0x20b: {  	v1 =	vadd.f32 v44, v1;
	(erf) = vpow2.f32 v9;
	v9 =	vmul.f32 $1.442695020e+00, v53  }
0x20c: {  	v59 =	vadd.f32 $-6.400000000e+01, v57;
	(erf) = vpow2.f32 v10;
	v10 =	vmul.f32 $1.442695020e+00, v58  }
0x20d: {  	v22 =	vadd.f32 $-6.400000000e+01, v61;
	v14 =	vmul.f32 $6.400000000e+01, v34;
	(erf) = vpow2.f32 v9  }
0x20e: {  	v32 =	vadd.f32 $-6.400000000e+01, v63;
	v9 =	vmul.f32 $1.442695020e+00, v59;
	(erf) = vpow2.f32 v10  }
0x20f: {  	v36 =	vadd.f32 $-6.400000000e+01, v11;
	v10 =	vmul.f32 $1.442695020e+00, v22;
	v40 =	vmul.f32 $6.400000000e+01, v33  }
0x210: {  	v38 =	vadd.f32 $-6.400000000e+01, v35;
	(erf) = vpow2.f32 v9;
	v9 =	vmul.f32 $1.442695020e+00, v32  }
0x211: {  	v11 =	vadd.f32 $-6.400000000e+01, v37;
	(erf) = vpow2.f32 v10;
	v10 =	vmul.f32 $1.442695020e+00, v36  }
0x212: {  	v12 =	vadd.f32 $-6.400000000e+01, v39;
	(erf) = vpow2.f32 v9;
	v41 =	vpop (erf);
	v9 =	vmul.f32 $1.442695020e+00, v38  }
0x213: {  	v43 =	vmul.f32 $1.442695020e+00, v11;
	v44 =	vadd.f32 $-6.400000000e+01, v40;
	v42 =	vpop (erf);
	(erf) = vpow2.f32 v10  }
0x214: {  	v46 =	vmul.f32 $1.442695020e+00, v12;
	v47 =	vadd.f32 $-6.400000000e+01, v14;
	v45 =	vpop (erf);
	(erf) = vpow2.f32 v9  }
0x215: {  	v8 =	vadd.f32 v24, v8;
	v49 =	vmul.f32 $1.442695020e+00, v44;
	v48 =	vpop (erf);
	(erf) = vpow2.f32 v43  }
0x216: {  	v7 =	vadd.f32 v25, v7;
	v51 =	vmul.f32 $1.442695020e+00, v47;
	v50 =	vpop (erf);
	(erf) = vpow2.f32 v46  }
0x217: {  	v6 =	vadd.f32 v26, v6;
	v5 =	vadd.f32 v27, v5;
	v52 =	vpop (erf);
	(erf) = vpow2.f32 v49  }
0x218: {  	v4 =	vadd.f32 v28, v4;
	v3 =	vadd.f32 v29, v3;
	v53 =	vpop (erf);
	(erf) = vpow2.f32 v51  }
0x219: {  	v2 =	vadd.f32 v30, v2;
	v7 =	vadd.f32 v41, v7;
	v54 =	vpop (erf)  }
0x21a: {  	v1 =	vadd.f32 v31, v1;
	v6 =	vadd.f32 v42, v6;
	v55 =	vpop (erf)  }
0x21b: {  	v5 =	vadd.f32 v45, v5;
	v7 =	vadd.f32 v55, v7;
	v56 =	vpop (erf)  }
0x21c: {  	v4 =	vadd.f32 v48, v4;
	v6 =	vadd.f32 v56, v6;
	v57 =	vpop (erf)  }
0x21d: {  	v3 =	vadd.f32 v50, v3;
	v5 =	vadd.f32 v57, v5;
	v58 =	vpop (erf);
	[tilespmem:$0x1D400] =	vst v7  }
0x21e: {  	v2 =	vadd.f32 v52, v2;
	v4 =	vadd.f32 v58, v4;
	v59 =	vpop (erf);
	[tilespmem:$0x1D480] =	vst v6  }
0x21f: {  	v1 =	vadd.f32 v53, v1;
	v3 =	vadd.f32 v59, v3;
	v60 =	vpop (erf);
	[tilespmem:$0x1D500] =	vst v5  }
0x220: {  	v61 =	vadd.f32 v54, v8;
	v2 =	vadd.f32 v60, v2;
	v62 =	vpop (erf);
	[tilespmem:$0x1D580] =	vst v4  }
0x221: {  	v1 =	vadd.f32 v62, v1;
	v63 =	vpop (erf);
	[tilespmem:$0x1D600] =	vst v3  }
0x222: {  	v3 =	vadd.f32 v63, v61;
	[tilespmem:$0x1D680] =	vst v2  }
0x223: {  	[tilespmem:$0x1D700] =	vst v1  }
0x224: {  	[tilespmem:$0x1D780] =	vst v3  }
0x225: {  	_ =	swait.ge [sflag:s28], $0x400  }
0x226: {  	[sflag:s28] =	ssyncset.done $0x0  }
0x227: {  	[sflag:s28] =	ssyncadd.s32 $0xFFFFFC00  }
0x228: {  	_ =	swait.ge [sflag:s28], $0x400  }
0x229: {  	[sflag:s28] =	ssyncset.done $0x0  }
0x22a: {  	[sflag:s28] =	ssyncadd.s32 $0xFFFFFC00  }
0x22b: {  	_ =	swait.ge [sflag:s28], $0x400  }
0x22c: {  	[sflag:s28] =	ssyncset.done $0x0  }
0x22d: {  	[sflag:s28] =	ssyncadd.s32 $0xFFFFFC00  }
0x22e: {  	_ =	swait.ge [sflag:s28], $0x400  }
0x22f: {  	[sflag:s28] =	ssyncset.done $0x0  }
0x230: {  	[sflag:s28] =	ssyncadd.s32 $0xFFFFFC00  }
0x231: {  	_ =	swait.ge [sflag:s28], $0x400  }
0x232: {  	[sflag:s28] =	ssyncset.done $0x0  }
0x233: {  	[sflag:s28] =	ssyncadd.s32 $0xFFFFFC00  }
0x234: {  	_ =	swait.ge [sflag:s28], $0x400  }
0x235: {  	[sflag:s28] =	ssyncset.done $0x0  }
0x236: {  	[sflag:s28] =	ssyncadd.s32 $0xFFFFFC00  }
0x237: {  	_ =	swait.ge [sflag:s28], $0x400  }
0x238: {  	[sflag:s28] =	ssyncset.done $0x0  }
0x239: {  	[sflag:s28] =	ssyncadd.s32 $0xFFFFFC00  }
0x23a: {  	_ =	swait.ge [sflag:s28], $0x400  }
0x23b: {  	[sflag:s28] =	ssyncset.done $0x0  }
0x23c: {  	s26 =	sand.u32 $0x70, s1;
	[sflag:s28] =	ssyncadd.s32 $0xFFFFFC00  }
0x23d: {  	v1 =	vld [tilespmem:s26+$0x1B400];
	_ =	sdelay $0x1  }
0x23e: {  	s29 =	sand.u32 $0xF, s1  }
0x23f: {  	v2 =	vmov s29  }
0x240: {  	vm0 =	veq.s32 v2, v0  }
0x241: {  	v1 =	vnsel vm0, $0x0, v1  }
0x242: {  	s30 =	sand.u32 $0x70, s9;
	[tilespmem:$0x1D800] =	vst v1  }
0x243: {  	v1 =	vld [tilespmem:s30+$0x1B880];
	_ =	sdelay $0x1  }
0x244: {  	s1 =	sand.u32 $0xF, s9  }
0x245: {  	v2 =	vmov s1  }
0x246: {  	vm9 =	veq.s32 v2, v0  }
0x247: {  	v1 =	vnsel vm9, $0x0, v1  }
0x248: {  	s4 =	sand.u32 $0x70, s7;
	[tilespmem:$0x1D880] =	vst v1  }
0x249: {  	v1 =	vld [tilespmem:s4+$0x1BD00];
	_ =	sdelay $0x1  }
0x24a: {  	s5 =	sand.u32 $0xF, s7  }
0x24b: {  	v2 =	vmov s5  }
0x24c: {  	vm10 =	veq.s32 v2, v0  }
0x24d: {  	v1 =	vnsel vm10, $0x0, v1  }
0x24e: {  	s6 =	sand.u32 $0x70, s8;
	[tilespmem:$0x1D900] =	vst v1  }
0x24f: {  	v1 =	vld [tilespmem:s6+$0x1C180];
	_ =	sdelay $0x1  }
0x250: {  	s7 =	sand.u32 $0xF, s8  }
0x251: {  	v2 =	vmov s7  }
0x252: {  	vm11 =	veq.s32 v2, v0  }
0x253: {  	v1 =	vnsel vm11, $0x0, v1  }
0x254: {  	s8 =	sand.u32 $0x70, s31;
	[tilespmem:$0x1D980] =	vst v1  }
0x255: {  	v1 =	vld [tilespmem:s8+$0x1C600];
	_ =	sdelay $0x1  }
0x256: {  	s9 =	sand.u32 $0xF, s31  }
0x257: {  	v2 =	vmov s9  }
0x258: {  	vm12 =	veq.s32 v2, v0  }
0x259: {  	v1 =	vnsel vm12, $0x0, v1  }
0x25a: {  	s15 =	sand.u32 $0x70, s12;
	[tilespmem:$0x1DA00] =	vst v1  }
0x25b: {  	v1 =	vld [tilespmem:s15+$0x1CA80];
	_ =	sdelay $0x1  }
0x25c: {  	s16 =	sand.u32 $0xF, s12  }
0x25d: {  	v2 =	vmov s16  }
0x25e: {  	vm13 =	veq.s32 v2, v0  }
0x25f: {  	v1 =	vnsel vm13, $0x0, v1  }
0x260: {  	s17 =	sand.u32 $0x70, s13;
	[tilespmem:$0x1DA80] =	vst v1  }
0x261: {  	v1 =	vld [tilespmem:s17+$0x1CF00];
	_ =	sdelay $0x1  }
0x262: {  	s18 =	sand.u32 $0xF, s13  }
0x263: {  	v2 =	vmov s18  }
0x264: {  	vm14 =	veq.s32 v2, v0  }
0x265: {  	v1 =	vnsel vm14, $0x0, v1  }
0x266: {  	s19 =	sand.u32 $0x70, s14;
	[tilespmem:$0x1DB00] =	vst v1  }
0x267: {  	v1 =	vld [tilespmem:s19+$0x1D380];
	_ =	sdelay $0x1  }
0x268: {  	s20 =	sand.u32 $0xF, s14  }
0x269: {  	v2 =	vmov s20  }
0x26a: {  	vm15 =	veq.s32 v2, v0;
	s21 =	rddreg [dreg:$0x9]  }
0x26b: {  	s0 =	sshll.u32 s21, $0x4;
	s26 =	rddreg [dreg:$0x4];
	v1 =	vnsel vm15, $0x0, v1  }
0x26c: {  	s29 =	simm.s32 $0x1D400;
	s1 =	sadd.s32 s26, s0;
	[tilespmem:$0x1DB80] =	vst v1  }
0x26d: {  	[hbm4b:s1+s2] =	stream.linear.scatter [tilespmem:s29], [sflag:$0x6], $0x400, $0x38;
	[tilespmem:$0x1DC80] =	vst v63  }
0x26e: {  	_ =	swait.ge [sflag:s10], $0x400  }
0x26f: {  	s31 =	simm.s32 $0x1D800;
	[sflag:s10] =	ssyncset.done $0x0;
	s30 =	rddreg [dreg:$0x5]  }
.Ltmp7:
0x270: {  	[sflag:s10] =	ssyncadd.s32 $0xFFFFFC00;
	s0 =	sadd.s32 s30, s0;
	(pc) =	sbr.rel @p0 .LBB2_2-.Ltmp7, $4  }
0x271: {  	[hbm4b:s0+s2] =	stream.linear.scatter [tilespmem:s31], [sflag:$0x6], $0x400, $0x38;
	[tilespmem:$0x1DC80] =	vst v63  }
0x272: {  	_ =	swait.ge [sflag:s10], $0x400  }
0x273: {  	[sflag:s10] =	ssyncset.done $0x0  }
0x274: {  	p1 =	por $0x0, $0x0;
	s0 =	simm.s32 $0x1;
	[sflag:s10] =	ssyncadd.s32 $0xFFFFFC00  }
0x275: {  	s1 =	rddreg [dreg:$0x8]  }
0x276: {  	s0 =	rddreg [dreg:$0x7];
	s1 =	sadd.s32 $0x1, s1  }
0x277: {  	p0 =	sne.s32 s1, s0  }
.Ltmp8:
0x278: {  	_ = 	snop;
	(pc) =	sbr.rel @p0 .LBB2_1-.Ltmp8, $1  }
0x279: {  	_ =	sdelay $0x3  }
0x27a: {  	_ =	sfence.sel $0x180000  }
0x27b: {  	[bflag:$0x0] =	sbarrier.arrive $0xFFFF  }
0x27c: {  	_ =	strace $0x90000047  }
0x27d: {  	s0 =	stileid.u32;
	[bflag:$0x2] =	sbarrier.arrive $0xFFFF  }
0x27e: {  	p0 =	sne.s32 s0, $0x0;
	s0 =	rddreg [dreg:$0x2]  }
0x27f: {  	s0 =	sadd.s32 @!p0 $0x100000, s0  }
0x280: {  	[sflag:s0] =	ssyncadd.tile.s32 @!p0 $0x1;
	_ =	shalt  }
.Lfunc_end2:
_tile_overlayer_lowered:
.L_overlay_start_2:
0x281: {  	(tag) =	ssettag $0x2  }
0x282: {  	s0 =	rddreg [dreg:$0x0];
	s2 =	stileid.u32  }
0x283: {  	s1 =	rddreg [dreg:$0x1];
	p0 =	sne.s32 s2, $0x0  }
0x284: {  	s3 =	rddreg [dreg:$0x2];
	[bflag:$0x3] =	sbarrier.arrive $0xFFFF;
	s2 =	simm.s32 @!p0 $0x1C06  }
0x285: {  	[timem:s3], [sflag:s2] =	dma.local @!p0 [hbm:s0], s1  }
0x286: {  	s0 =	simm.s32 @!p0 $0x6  }
0x287: {  	_ =	swait.ge @!p0 [sflag:s0], s1  }
0x288: {  	s1 =	ssub.s32 @!p0 $0x0, s1;
	[sflag:s0] =	ssyncset.done @!p0 $0x0  }
0x289: {  	[sflag:s0] =	ssyncadd.s32 @!p0 s1  }
0x28a: {  	[bflag:$0x3] =	sbarrier.arrive $0xFFFF  }
0x28b: {  	_ =	shalt  }

</sc_bundles>
